<compile_context>
chip_gen: v7x
topology: tpu7x:2x2x1
jax: 0.10.2.dev20260603
libtpu: 0.0.44.dev20260713+nightly
codegen_flags: <defaults>
</compile_context>

<pallas_src>
import functools

import jax
import jax.numpy as jnp
from jax import lax
from jax.experimental import pallas as pl
from jax.experimental.pallas import tpu as pltpu
from jax.experimental.pallas import tpu_sc as plsc

BATCH = 16384
D = 64
NC = 2
NS = 16
NW = NC * NS
BPW = BATCH // NW
NCH = 4
CH = BPW // NCH
NGRP = BPW // 16

def _newton_sqrt(x):
    y = plsc.bitcast(0x5F3759DF - (plsc.bitcast(x, jnp.int32) >> 1), jnp.float32)
    half_x = 0.5 * x
    for _ in range(3):
        y = y * (1.5 - half_x * y * y)
    return x * y


def _sc_kernel(h_hbm, r_hbm, t_hbm, ent_hbm, rel_hbm, out_hbm,
               idx_h, idx_r, idx_t, rows_h, rows_r, rows_t, out_v, sem):
    wid = lax.axis_index("s") * NC + lax.axis_index("c")

    pltpu.sync_copy(h_hbm.at[wid], idx_h)
    pltpu.sync_copy(r_hbm.at[wid], idx_r)
    pltpu.sync_copy(t_hbm.at[wid], idx_t)

    copies = []
    for j in range(NCH):
        sl = pl.ds(j * CH, CH)
        copies.append(pltpu.async_copy(ent_hbm.at[idx_h.at[j]], rows_h.at[sl], sem))
        copies.append(pltpu.async_copy(rel_hbm.at[idx_r.at[j]], rows_r.at[sl], sem))
        copies.append(pltpu.async_copy(ent_hbm.at[idx_t.at[j]], rows_t.at[sl], sem))
    for c in copies:
        c.wait()

    lane = lax.iota(jnp.int32, 16)

    def body(g, carry):
        res = jnp.zeros((16,), jnp.float32)
        for u in range(16):
            b = g * 16 + u
            acc = jnp.zeros((16,), jnp.float32)
            for k in range(D // 16):
                sl = pl.ds(k * 16, 16)
                diff = rows_h[b, sl] + rows_r[b, sl] - rows_t[b, sl]
                acc = acc + diff * diff
            res = jnp.where(lane == u, jnp.sum(acc), res)
        out_v[pl.ds(g * 16, 16)] = _newton_sqrt(res)
        return carry

    lax.fori_loop(0, NGRP, body, 0)

    pltpu.sync_copy(out_v, out_hbm.at[wid])


@jax.jit
def kernel(h, r, t, ent_emb, rel_emb):
    h3 = h.astype(jnp.int32).reshape(NW, NCH, CH)
    r3 = r.astype(jnp.int32).reshape(NW, NCH, CH)
    t3 = t.astype(jnp.int32).reshape(NW, NCH, CH)

    call = functools.partial(
        pl.kernel,
        out_type=jax.ShapeDtypeStruct((NW, BPW), jnp.float32),
        mesh=plsc.VectorSubcoreMesh(core_axis_name="c", subcore_axis_name="s"),
        compiler_params=pltpu.CompilerParams(
            needs_layout_passes=False, use_tc_tiling_on_sc=False),
        scratch_types=[
            pltpu.VMEM((NCH, CH), jnp.int32),
            pltpu.VMEM((NCH, CH), jnp.int32),
            pltpu.VMEM((NCH, CH), jnp.int32),
            pltpu.VMEM((BPW, D), jnp.float32),
            pltpu.VMEM((BPW, D), jnp.float32),
            pltpu.VMEM((BPW, D), jnp.float32),
            pltpu.VMEM((BPW,), jnp.float32),
            pltpu.SemaphoreType.DMA,
        ],
    )(_sc_kernel)
    out = call(h3, r3, t3, ent_emb, rel_emb)
    return out.reshape(BATCH)

# --- scband reference (transcript-rebuilt; emitter-appended) ---
"""Pipeline reference for scband-vec2-tail-30837865185761 (READ-ONLY COPY).

The authoritative reference and input builder live on the scoring server;
editing this copy changes nothing except your own understanding.
"""

import jax, jax.numpy as jnp
import numpy as np

ENTITY_NUM = 1000000
RELATION_NUM = 1000
VECTOR_SIZE = 64
BATCH = 16384


def setup_inputs(seed: int = 0) -> dict:
    key = jax.random.key(seed)
    k1, k2, k3, k4, k5 = jax.random.split(key, 5)
    h = jax.random.randint(k1, (BATCH,), 0, ENTITY_NUM, dtype=jnp.int64 if jax.config.jax_enable_x64 else jnp.int32)
    r = jax.random.randint(k2, (BATCH,), 0, RELATION_NUM, dtype=jnp.int64 if jax.config.jax_enable_x64 else jnp.int32)
    t = jax.random.randint(k3, (BATCH,), 0, ENTITY_NUM, dtype=jnp.int64 if jax.config.jax_enable_x64 else jnp.int32)
    ent_emb = jax.random.normal(k4, (ENTITY_NUM, VECTOR_SIZE), dtype=jnp.float32)
    ent_emb = ent_emb / jnp.sqrt(jnp.sum(ent_emb ** 2, axis=1, keepdims=True))
    rel_emb = jax.random.normal(k5, (RELATION_NUM, VECTOR_SIZE), dtype=jnp.float32)
    rel_emb = rel_emb / jnp.sqrt(jnp.sum(rel_emb ** 2, axis=1, keepdims=True))
    return {"h": h, "r": r, "t": t, "ent_emb": ent_emb, "rel_emb": rel_emb}


def reference(h, r, t, ent_emb, rel_emb):
    # Faithful translation of Vec2Tail.forward (TransE distance)
    vec_h = jnp.take(ent_emb, h, axis=0)
    vec_r = jnp.take(rel_emb, r, axis=0)
    vec_t = jnp.take(ent_emb, t, axis=0)
    return jnp.sqrt(jnp.sum((vec_h + vec_r - vec_t) ** 2, axis=1))

if __name__ == "__main__":
    import jax
    _d = setup_inputs()
    print(jax.jit(kernel)(*tuple(_d.values())))

</pallas_src>

<mosaic_0001>
#map = affine_map<(d0, d1) -> (0, 0, 0)>
#map1 = affine_map<(d0, d1) -> (0, 0)>
module attributes {stable_mosaic.version = 14 : i64} {
  func.func @_sc_kernel(%arg0: i32, %arg1: i32, %arg2: memref<32x4x128xi32, #tpu.memory_space<hbm>>, %arg3: memref<32x4x128xi32, #tpu.memory_space<hbm>>, %arg4: memref<32x4x128xi32, #tpu.memory_space<hbm>>, %arg5: memref<1000000x64xf32, #tpu.memory_space<hbm>>, %arg6: memref<1000x64xf32, #tpu.memory_space<hbm>>, %arg7: memref<32x512xf32, #tpu.memory_space<hbm>>, %arg8: memref<4x128xi32, #tpu.memory_space<vmem>>, %arg9: memref<4x128xi32, #tpu.memory_space<vmem>>, %arg10: memref<4x128xi32, #tpu.memory_space<vmem>>, %arg11: memref<512x64xf32, #tpu.memory_space<vmem>>, %arg12: memref<512x64xf32, #tpu.memory_space<vmem>>, %arg13: memref<512x64xf32, #tpu.memory_space<vmem>>, %arg14: memref<512xf32, #tpu.memory_space<vmem>>, %arg15: memref<!tpu.dma_semaphore, #tpu.memory_space<semaphore_mem>>) attributes {dimension_semantics = [#tpu.dimension_semantics<core_parallel>, #tpu.dimension_semantics<subcore_parallel>], iteration_bounds = array<i64: 2, 16>, scalar_prefetch = 0 : i64, scratch_operands = 8 : i64, tpu.core_type = #tpu.core_type<sc_vector_subcore>, window_params = [{transform_indices = #map}, {transform_indices = #map}, {transform_indices = #map}, {transform_indices = #map1}, {transform_indices = #map1}, {transform_indices = #map1}]} {
    %mul3A = arith.constant 2 : i32
    %mul3A_0 = arith.muli %arg1, %mul3A : i32
    %add3A = arith.addi %mul3A_0, %arg0 : i32
    "tpu.region"() ({
      %run_scoped3A = tpu.sem_alloc : memref<!tpu.dma_semaphore, #tpu.memory_space<semaphore_mem>>
      %dma_start3A_244 = arith.constant 0 : i32
      %dma_start3A_245 = arith.constant 0 : i32
      %dma_start3A_246 = tpu.memref_slice %arg2[%add3A, %dma_start3A_244, %dma_start3A_245] : memref<32x4x128xi32, #tpu.memory_space<hbm>> -> memref<1x4x128xi32, #tpu.memory_space<hbm>>
      %dma_start3A_247 = tpu.memref_squeeze %dma_start3A_246 : memref<1x4x128xi32, #tpu.memory_space<hbm>> -> memref<4x128xi32, #tpu.memory_space<hbm>>
      %dma_start3A_248 = arith.constant 0 : i32
      %dma_start3A_249 = arith.constant 0 : i32
      %dma_start3A_250 = tpu.memref_slice %arg2[%add3A, %dma_start3A_248, %dma_start3A_249] : memref<32x4x128xi32, #tpu.memory_space<hbm>> -> memref<1x4x128xi32, #tpu.memory_space<hbm>>
      %dma_start3A_251 = tpu.memref_squeeze %dma_start3A_250 : memref<1x4x128xi32, #tpu.memory_space<hbm>> -> memref<4x128xi32, #tpu.memory_space<hbm>>
      tpu.enqueue_dma source(%dma_start3A_251 : memref<4x128xi32, #tpu.memory_space<hbm>>) target(%arg8 : memref<4x128xi32, #tpu.memory_space<vmem>>) target_semaphore(%run_scoped3A : memref<!tpu.dma_semaphore, #tpu.memory_space<semaphore_mem>>)
      %dma_wait3A_252 = arith.constant 0 : i32
      %dma_wait3A_253 = arith.constant 0 : i32
      %dma_wait3A_254 = tpu.memref_slice %arg2[%add3A, %dma_wait3A_252, %dma_wait3A_253] : memref<32x4x128xi32, #tpu.memory_space<hbm>> -> memref<1x4x128xi32, #tpu.memory_space<hbm>>
      %dma_wait3A_255 = tpu.memref_squeeze %dma_wait3A_254 : memref<1x4x128xi32, #tpu.memory_space<hbm>> -> memref<4x128xi32, #tpu.memory_space<hbm>>
      %dma_wait3A_256 = arith.constant 0 : i32
      %dma_wait3A_257 = arith.constant 0 : i32
      %dma_wait3A_258 = tpu.memref_slice %arg2[%add3A, %dma_wait3A_256, %dma_wait3A_257] : memref<32x4x128xi32, #tpu.memory_space<hbm>> -> memref<1x4x128xi32, #tpu.memory_space<hbm>>
      %dma_wait3A_259 = tpu.memref_squeeze %dma_wait3A_258 : memref<1x4x128xi32, #tpu.memory_space<hbm>> -> memref<4x128xi32, #tpu.memory_space<hbm>>
      tpu.wait_dma2 semaphore(%run_scoped3A : memref<!tpu.dma_semaphore, #tpu.memory_space<semaphore_mem>>) src(%dma_wait3A_259 : memref<4x128xi32, #tpu.memory_space<hbm>>) dst(%arg8 : memref<4x128xi32, #tpu.memory_space<vmem>>)
      tpu.yield
    }) : () -> ()
    "tpu.region"() ({
      %run_scoped3A = tpu.sem_alloc : memref<!tpu.dma_semaphore, #tpu.memory_space<semaphore_mem>>
      %dma_start3A_244 = arith.constant 0 : i32
      %dma_start3A_245 = arith.constant 0 : i32
      %dma_start3A_246 = tpu.memref_slice %arg3[%add3A, %dma_start3A_244, %dma_start3A_245] : memref<32x4x128xi32, #tpu.memory_space<hbm>> -> memref<1x4x128xi32, #tpu.memory_space<hbm>>
      %dma_start3A_247 = tpu.memref_squeeze %dma_start3A_246 : memref<1x4x128xi32, #tpu.memory_space<hbm>> -> memref<4x128xi32, #tpu.memory_space<hbm>>
      %dma_start3A_248 = arith.constant 0 : i32
      %dma_start3A_249 = arith.constant 0 : i32
      %dma_start3A_250 = tpu.memref_slice %arg3[%add3A, %dma_start3A_248, %dma_start3A_249] : memref<32x4x128xi32, #tpu.memory_space<hbm>> -> memref<1x4x128xi32, #tpu.memory_space<hbm>>
      %dma_start3A_251 = tpu.memref_squeeze %dma_start3A_250 : memref<1x4x128xi32, #tpu.memory_space<hbm>> -> memref<4x128xi32, #tpu.memory_space<hbm>>
      tpu.enqueue_dma source(%dma_start3A_251 : memref<4x128xi32, #tpu.memory_space<hbm>>) target(%arg9 : memref<4x128xi32, #tpu.memory_space<vmem>>) target_semaphore(%run_scoped3A : memref<!tpu.dma_semaphore, #tpu.memory_space<semaphore_mem>>)
      %dma_wait3A_252 = arith.constant 0 : i32
      %dma_wait3A_253 = arith.constant 0 : i32
      %dma_wait3A_254 = tpu.memref_slice %arg3[%add3A, %dma_wait3A_252, %dma_wait3A_253] : memref<32x4x128xi32, #tpu.memory_space<hbm>> -> memref<1x4x128xi32, #tpu.memory_space<hbm>>
      %dma_wait3A_255 = tpu.memref_squeeze %dma_wait3A_254 : memref<1x4x128xi32, #tpu.memory_space<hbm>> -> memref<4x128xi32, #tpu.memory_space<hbm>>
      %dma_wait3A_256 = arith.constant 0 : i32
      %dma_wait3A_257 = arith.constant 0 : i32
      %dma_wait3A_258 = tpu.memref_slice %arg3[%add3A, %dma_wait3A_256, %dma_wait3A_257] : memref<32x4x128xi32, #tpu.memory_space<hbm>> -> memref<1x4x128xi32, #tpu.memory_space<hbm>>
      %dma_wait3A_259 = tpu.memref_squeeze %dma_wait3A_258 : memref<1x4x128xi32, #tpu.memory_space<hbm>> -> memref<4x128xi32, #tpu.memory_space<hbm>>
      tpu.wait_dma2 semaphore(%run_scoped3A : memref<!tpu.dma_semaphore, #tpu.memory_space<semaphore_mem>>) src(%dma_wait3A_259 : memref<4x128xi32, #tpu.memory_space<hbm>>) dst(%arg9 : memref<4x128xi32, #tpu.memory_space<vmem>>)
      tpu.yield
    }) : () -> ()
    "tpu.region"() ({
      %run_scoped3A = tpu.sem_alloc : memref<!tpu.dma_semaphore, #tpu.memory_space<semaphore_mem>>
      %dma_start3A_244 = arith.constant 0 : i32
      %dma_start3A_245 = arith.constant 0 : i32
      %dma_start3A_246 = tpu.memref_slice %arg4[%add3A, %dma_start3A_244, %dma_start3A_245] : memref<32x4x128xi32, #tpu.memory_space<hbm>> -> memref<1x4x128xi32, #tpu.memory_space<hbm>>
      %dma_start3A_247 = tpu.memref_squeeze %dma_start3A_246 : memref<1x4x128xi32, #tpu.memory_space<hbm>> -> memref<4x128xi32, #tpu.memory_space<hbm>>
      %dma_start3A_248 = arith.constant 0 : i32
      %dma_start3A_249 = arith.constant 0 : i32
      %dma_start3A_250 = tpu.memref_slice %arg4[%add3A, %dma_start3A_248, %dma_start3A_249] : memref<32x4x128xi32, #tpu.memory_space<hbm>> -> memref<1x4x128xi32, #tpu.memory_space<hbm>>
      %dma_start3A_251 = tpu.memref_squeeze %dma_start3A_250 : memref<1x4x128xi32, #tpu.memory_space<hbm>> -> memref<4x128xi32, #tpu.memory_space<hbm>>
      tpu.enqueue_dma source(%dma_start3A_251 : memref<4x128xi32, #tpu.memory_space<hbm>>) target(%arg10 : memref<4x128xi32, #tpu.memory_space<vmem>>) target_semaphore(%run_scoped3A : memref<!tpu.dma_semaphore, #tpu.memory_space<semaphore_mem>>)
      %dma_wait3A_252 = arith.constant 0 : i32
      %dma_wait3A_253 = arith.constant 0 : i32
      %dma_wait3A_254 = tpu.memref_slice %arg4[%add3A, %dma_wait3A_252, %dma_wait3A_253] : memref<32x4x128xi32, #tpu.memory_space<hbm>> -> memref<1x4x128xi32, #tpu.memory_space<hbm>>
      %dma_wait3A_255 = tpu.memref_squeeze %dma_wait3A_254 : memref<1x4x128xi32, #tpu.memory_space<hbm>> -> memref<4x128xi32, #tpu.memory_space<hbm>>
      %dma_wait3A_256 = arith.constant 0 : i32
      %dma_wait3A_257 = arith.constant 0 : i32
      %dma_wait3A_258 = tpu.memref_slice %arg4[%add3A, %dma_wait3A_256, %dma_wait3A_257] : memref<32x4x128xi32, #tpu.memory_space<hbm>> -> memref<1x4x128xi32, #tpu.memory_space<hbm>>
      %dma_wait3A_259 = tpu.memref_squeeze %dma_wait3A_258 : memref<1x4x128xi32, #tpu.memory_space<hbm>> -> memref<4x128xi32, #tpu.memory_space<hbm>>
      tpu.wait_dma2 semaphore(%run_scoped3A : memref<!tpu.dma_semaphore, #tpu.memory_space<semaphore_mem>>) src(%dma_wait3A_259 : memref<4x128xi32, #tpu.memory_space<hbm>>) dst(%arg10 : memref<4x128xi32, #tpu.memory_space<vmem>>)
      tpu.yield
    }) : () -> ()
    %dma_start3A = arith.constant 0 : i32
    %dma_start3A_1 = arith.constant 0 : i32
    %dma_start3A_2 = arith.constant 0 : i32
    %dma_start3A_3 = tpu.memref_slice %arg11[%dma_start3A_1, %dma_start3A_2] : memref<512x64xf32, #tpu.memory_space<vmem>> -> memref<128x64xf32, #tpu.memory_space<vmem>>
    %dma_start3A_4 = arith.constant 0 : i32
    %dma_start3A_5 = tpu.memref_slice %arg8[%dma_start3A, %dma_start3A_4] : memref<4x128xi32, #tpu.memory_space<vmem>> -> memref<1x128xi32, #tpu.memory_space<vmem>>
    %dma_start3A_6 = tpu.memref_squeeze %dma_start3A_5 : memref<1x128xi32, #tpu.memory_space<vmem>> -> memref<128xi32, #tpu.memory_space<vmem>>
    %dma_start3A_7 = arith.constant 0 : i32
    %dma_start3A_8 = arith.constant 0 : i32
    %dma_start3A_9 = tpu.memref_slice %arg5[%dma_start3A_7, %dma_start3A_8] : memref<1000000x64xf32, #tpu.memory_space<hbm>> -> memref<1000000x64xf32, #tpu.memory_space<hbm>>
    tpu.enqueue_indirect_dma source(%dma_start3A_9 : memref<1000000x64xf32, #tpu.memory_space<hbm>>) target(%dma_start3A_3 : memref<128x64xf32, #tpu.memory_space<vmem>>) offsets(%dma_start3A_6 : memref<128xi32, #tpu.memory_space<vmem>>) semaphore(%arg15 : memref<!tpu.dma_semaphore, #tpu.memory_space<semaphore_mem>>)
    %dma_start3A_10 = arith.constant 0 : i32
    %dma_start3A_11 = arith.constant 0 : i32
    %dma_start3A_12 = arith.constant 0 : i32
    %dma_start3A_13 = tpu.memref_slice %arg12[%dma_start3A_11, %dma_start3A_12] : memref<512x64xf32, #tpu.memory_space<vmem>> -> memref<128x64xf32, #tpu.memory_space<vmem>>
    %dma_start3A_14 = arith.constant 0 : i32
    %dma_start3A_15 = tpu.memref_slice %arg9[%dma_start3A_10, %dma_start3A_14] : memref<4x128xi32, #tpu.memory_space<vmem>> -> memref<1x128xi32, #tpu.memory_space<vmem>>
    %dma_start3A_16 = tpu.memref_squeeze %dma_start3A_15 : memref<1x128xi32, #tpu.memory_space<vmem>> -> memref<128xi32, #tpu.memory_space<vmem>>
    %dma_start3A_17 = arith.constant 0 : i32
    %dma_start3A_18 = arith.constant 0 : i32
    %dma_start3A_19 = tpu.memref_slice %arg6[%dma_start3A_17, %dma_start3A_18] : memref<1000x64xf32, #tpu.memory_space<hbm>> -> memref<1000x64xf32, #tpu.memory_space<hbm>>
    tpu.enqueue_indirect_dma source(%dma_start3A_19 : memref<1000x64xf32, #tpu.memory_space<hbm>>) target(%dma_start3A_13 : memref<128x64xf32, #tpu.memory_space<vmem>>) offsets(%dma_start3A_16 : memref<128xi32, #tpu.memory_space<vmem>>) semaphore(%arg15 : memref<!tpu.dma_semaphore, #tpu.memory_space<semaphore_mem>>)
    %dma_start3A_20 = arith.constant 0 : i32
    %dma_start3A_21 = arith.constant 0 : i32
    %dma_start3A_22 = arith.constant 0 : i32
    %dma_start3A_23 = tpu.memref_slice %arg13[%dma_start3A_21, %dma_start3A_22] : memref<512x64xf32, #tpu.memory_space<vmem>> -> memref<128x64xf32, #tpu.memory_space<vmem>>
    %dma_start3A_24 = arith.constant 0 : i32
    %dma_start3A_25 = tpu.memref_slice %arg10[%dma_start3A_20, %dma_start3A_24] : memref<4x128xi32, #tpu.memory_space<vmem>> -> memref<1x128xi32, #tpu.memory_space<vmem>>
    %dma_start3A_26 = tpu.memref_squeeze %dma_start3A_25 : memref<1x128xi32, #tpu.memory_space<vmem>> -> memref<128xi32, #tpu.memory_space<vmem>>
    %dma_start3A_27 = arith.constant 0 : i32
    %dma_start3A_28 = arith.constant 0 : i32
    %dma_start3A_29 = tpu.memref_slice %arg5[%dma_start3A_27, %dma_start3A_28] : memref<1000000x64xf32, #tpu.memory_space<hbm>> -> memref<1000000x64xf32, #tpu.memory_space<hbm>>
    tpu.enqueue_indirect_dma source(%dma_start3A_29 : memref<1000000x64xf32, #tpu.memory_space<hbm>>) target(%dma_start3A_23 : memref<128x64xf32, #tpu.memory_space<vmem>>) offsets(%dma_start3A_26 : memref<128xi32, #tpu.memory_space<vmem>>) semaphore(%arg15 : memref<!tpu.dma_semaphore, #tpu.memory_space<semaphore_mem>>)
    %dma_start3A_30 = arith.constant 1 : i32
    %dma_start3A_31 = arith.constant 128 : i32
    %dma_start3A_32 = arith.constant 0 : i32
    %dma_start3A_33 = tpu.memref_slice %arg11[%dma_start3A_31, %dma_start3A_32] : memref<512x64xf32, #tpu.memory_space<vmem>> -> memref<128x64xf32, #tpu.memory_space<vmem>>
    %dma_start3A_34 = arith.constant 0 : i32
    %dma_start3A_35 = tpu.memref_slice %arg8[%dma_start3A_30, %dma_start3A_34] : memref<4x128xi32, #tpu.memory_space<vmem>> -> memref<1x128xi32, #tpu.memory_space<vmem>>
    %dma_start3A_36 = tpu.memref_squeeze %dma_start3A_35 : memref<1x128xi32, #tpu.memory_space<vmem>> -> memref<128xi32, #tpu.memory_space<vmem>>
    %dma_start3A_37 = arith.constant 0 : i32
    %dma_start3A_38 = arith.constant 0 : i32
    %dma_start3A_39 = tpu.memref_slice %arg5[%dma_start3A_37, %dma_start3A_38] : memref<1000000x64xf32, #tpu.memory_space<hbm>> -> memref<1000000x64xf32, #tpu.memory_space<hbm>>
    tpu.enqueue_indirect_dma source(%dma_start3A_39 : memref<1000000x64xf32, #tpu.memory_space<hbm>>) target(%dma_start3A_33 : memref<128x64xf32, #tpu.memory_space<vmem>>) offsets(%dma_start3A_36 : memref<128xi32, #tpu.memory_space<vmem>>) semaphore(%arg15 : memref<!tpu.dma_semaphore, #tpu.memory_space<semaphore_mem>>)
    %dma_start3A_40 = arith.constant 1 : i32
    %dma_start3A_41 = arith.constant 128 : i32
    %dma_start3A_42 = arith.constant 0 : i32
    %dma_start3A_43 = tpu.memref_slice %arg12[%dma_start3A_41, %dma_start3A_42] : memref<512x64xf32, #tpu.memory_space<vmem>> -> memref<128x64xf32, #tpu.memory_space<vmem>>
    %dma_start3A_44 = arith.constant 0 : i32
    %dma_start3A_45 = tpu.memref_slice %arg9[%dma_start3A_40, %dma_start3A_44] : memref<4x128xi32, #tpu.memory_space<vmem>> -> memref<1x128xi32, #tpu.memory_space<vmem>>
    %dma_start3A_46 = tpu.memref_squeeze %dma_start3A_45 : memref<1x128xi32, #tpu.memory_space<vmem>> -> memref<128xi32, #tpu.memory_space<vmem>>
    %dma_start3A_47 = arith.constant 0 : i32
    %dma_start3A_48 = arith.constant 0 : i32
    %dma_start3A_49 = tpu.memref_slice %arg6[%dma_start3A_47, %dma_start3A_48] : memref<1000x64xf32, #tpu.memory_space<hbm>> -> memref<1000x64xf32, #tpu.memory_space<hbm>>
    tpu.enqueue_indirect_dma source(%dma_start3A_49 : memref<1000x64xf32, #tpu.memory_space<hbm>>) target(%dma_start3A_43 : memref<128x64xf32, #tpu.memory_space<vmem>>) offsets(%dma_start3A_46 : memref<128xi32, #tpu.memory_space<vmem>>) semaphore(%arg15 : memref<!tpu.dma_semaphore, #tpu.memory_space<semaphore_mem>>)
    %dma_start3A_50 = arith.constant 1 : i32
    %dma_start3A_51 = arith.constant 128 : i32
    %dma_start3A_52 = arith.constant 0 : i32
    %dma_start3A_53 = tpu.memref_slice %arg13[%dma_start3A_51, %dma_start3A_52] : memref<512x64xf32, #tpu.memory_space<vmem>> -> memref<128x64xf32, #tpu.memory_space<vmem>>
    %dma_start3A_54 = arith.constant 0 : i32
    %dma_start3A_55 = tpu.memref_slice %arg10[%dma_start3A_50, %dma_start3A_54] : memref<4x128xi32, #tpu.memory_space<vmem>> -> memref<1x128xi32, #tpu.memory_space<vmem>>
    %dma_start3A_56 = tpu.memref_squeeze %dma_start3A_55 : memref<1x128xi32, #tpu.memory_space<vmem>> -> memref<128xi32, #tpu.memory_space<vmem>>
    %dma_start3A_57 = arith.constant 0 : i32
    %dma_start3A_58 = arith.constant 0 : i32
    %dma_start3A_59 = tpu.memref_slice %arg5[%dma_start3A_57, %dma_start3A_58] : memref<1000000x64xf32, #tpu.memory_space<hbm>> -> memref<1000000x64xf32, #tpu.memory_space<hbm>>
    tpu.enqueue_indirect_dma source(%dma_start3A_59 : memref<1000000x64xf32, #tpu.memory_space<hbm>>) target(%dma_start3A_53 : memref<128x64xf32, #tpu.memory_space<vmem>>) offsets(%dma_start3A_56 : memref<128xi32, #tpu.memory_space<vmem>>) semaphore(%arg15 : memref<!tpu.dma_semaphore, #tpu.memory_space<semaphore_mem>>)
    %dma_start3A_60 = arith.constant 2 : i32
    %dma_start3A_61 = arith.constant 256 : i32
    %dma_start3A_62 = arith.constant 0 : i32
    %dma_start3A_63 = tpu.memref_slice %arg11[%dma_start3A_61, %dma_start3A_62] : memref<512x64xf32, #tpu.memory_space<vmem>> -> memref<128x64xf32, #tpu.memory_space<vmem>>
    %dma_start3A_64 = arith.constant 0 : i32
    %dma_start3A_65 = tpu.memref_slice %arg8[%dma_start3A_60, %dma_start3A_64] : memref<4x128xi32, #tpu.memory_space<vmem>> -> memref<1x128xi32, #tpu.memory_space<vmem>>
    %dma_start3A_66 = tpu.memref_squeeze %dma_start3A_65 : memref<1x128xi32, #tpu.memory_space<vmem>> -> memref<128xi32, #tpu.memory_space<vmem>>
    %dma_start3A_67 = arith.constant 0 : i32
    %dma_start3A_68 = arith.constant 0 : i32
    %dma_start3A_69 = tpu.memref_slice %arg5[%dma_start3A_67, %dma_start3A_68] : memref<1000000x64xf32, #tpu.memory_space<hbm>> -> memref<1000000x64xf32, #tpu.memory_space<hbm>>
    tpu.enqueue_indirect_dma source(%dma_start3A_69 : memref<1000000x64xf32, #tpu.memory_space<hbm>>) target(%dma_start3A_63 : memref<128x64xf32, #tpu.memory_space<vmem>>) offsets(%dma_start3A_66 : memref<128xi32, #tpu.memory_space<vmem>>) semaphore(%arg15 : memref<!tpu.dma_semaphore, #tpu.memory_space<semaphore_mem>>)
    %dma_start3A_70 = arith.constant 2 : i32
    %dma_start3A_71 = arith.constant 256 : i32
    %dma_start3A_72 = arith.constant 0 : i32
    %dma_start3A_73 = tpu.memref_slice %arg12[%dma_start3A_71, %dma_start3A_72] : memref<512x64xf32, #tpu.memory_space<vmem>> -> memref<128x64xf32, #tpu.memory_space<vmem>>
    %dma_start3A_74 = arith.constant 0 : i32
    %dma_start3A_75 = tpu.memref_slice %arg9[%dma_start3A_70, %dma_start3A_74] : memref<4x128xi32, #tpu.memory_space<vmem>> -> memref<1x128xi32, #tpu.memory_space<vmem>>
    %dma_start3A_76 = tpu.memref_squeeze %dma_start3A_75 : memref<1x128xi32, #tpu.memory_space<vmem>> -> memref<128xi32, #tpu.memory_space<vmem>>
    %dma_start3A_77 = arith.constant 0 : i32
    %dma_start3A_78 = arith.constant 0 : i32
    %dma_start3A_79 = tpu.memref_slice %arg6[%dma_start3A_77, %dma_start3A_78] : memref<1000x64xf32, #tpu.memory_space<hbm>> -> memref<1000x64xf32, #tpu.memory_space<hbm>>
    tpu.enqueue_indirect_dma source(%dma_start3A_79 : memref<1000x64xf32, #tpu.memory_space<hbm>>) target(%dma_start3A_73 : memref<128x64xf32, #tpu.memory_space<vmem>>) offsets(%dma_start3A_76 : memref<128xi32, #tpu.memory_space<vmem>>) semaphore(%arg15 : memref<!tpu.dma_semaphore, #tpu.memory_space<semaphore_mem>>)
    %dma_start3A_80 = arith.constant 2 : i32
    %dma_start3A_81 = arith.constant 256 : i32
    %dma_start3A_82 = arith.constant 0 : i32
    %dma_start3A_83 = tpu.memref_slice %arg13[%dma_start3A_81, %dma_start3A_82] : memref<512x64xf32, #tpu.memory_space<vmem>> -> memref<128x64xf32, #tpu.memory_space<vmem>>
    %dma_start3A_84 = arith.constant 0 : i32
    %dma_start3A_85 = tpu.memref_slice %arg10[%dma_start3A_80, %dma_start3A_84] : memref<4x128xi32, #tpu.memory_space<vmem>> -> memref<1x128xi32, #tpu.memory_space<vmem>>
    %dma_start3A_86 = tpu.memref_squeeze %dma_start3A_85 : memref<1x128xi32, #tpu.memory_space<vmem>> -> memref<128xi32, #tpu.memory_space<vmem>>
    %dma_start3A_87 = arith.constant 0 : i32
    %dma_start3A_88 = arith.constant 0 : i32
    %dma_start3A_89 = tpu.memref_slice %arg5[%dma_start3A_87, %dma_start3A_88] : memref<1000000x64xf32, #tpu.memory_space<hbm>> -> memref<1000000x64xf32, #tpu.memory_space<hbm>>
    tpu.enqueue_indirect_dma source(%dma_start3A_89 : memref<1000000x64xf32, #tpu.memory_space<hbm>>) target(%dma_start3A_83 : memref<128x64xf32, #tpu.memory_space<vmem>>) offsets(%dma_start3A_86 : memref<128xi32, #tpu.memory_space<vmem>>) semaphore(%arg15 : memref<!tpu.dma_semaphore, #tpu.memory_space<semaphore_mem>>)
    %dma_start3A_90 = arith.constant 3 : i32
    %dma_start3A_91 = arith.constant 384 : i32
    %dma_start3A_92 = arith.constant 0 : i32
    %dma_start3A_93 = tpu.memref_slice %arg11[%dma_start3A_91, %dma_start3A_92] : memref<512x64xf32, #tpu.memory_space<vmem>> -> memref<128x64xf32, #tpu.memory_space<vmem>>
    %dma_start3A_94 = arith.constant 0 : i32
    %dma_start3A_95 = tpu.memref_slice %arg8[%dma_start3A_90, %dma_start3A_94] : memref<4x128xi32, #tpu.memory_space<vmem>> -> memref<1x128xi32, #tpu.memory_space<vmem>>
    %dma_start3A_96 = tpu.memref_squeeze %dma_start3A_95 : memref<1x128xi32, #tpu.memory_space<vmem>> -> memref<128xi32, #tpu.memory_space<vmem>>
    %dma_start3A_97 = arith.constant 0 : i32
    %dma_start3A_98 = arith.constant 0 : i32
    %dma_start3A_99 = tpu.memref_slice %arg5[%dma_start3A_97, %dma_start3A_98] : memref<1000000x64xf32, #tpu.memory_space<hbm>> -> memref<1000000x64xf32, #tpu.memory_space<hbm>>
    tpu.enqueue_indirect_dma source(%dma_start3A_99 : memref<1000000x64xf32, #tpu.memory_space<hbm>>) target(%dma_start3A_93 : memref<128x64xf32, #tpu.memory_space<vmem>>) offsets(%dma_start3A_96 : memref<128xi32, #tpu.memory_space<vmem>>) semaphore(%arg15 : memref<!tpu.dma_semaphore, #tpu.memory_space<semaphore_mem>>)
    %dma_start3A_100 = arith.constant 3 : i32
    %dma_start3A_101 = arith.constant 384 : i32
    %dma_start3A_102 = arith.constant 0 : i32
    %dma_start3A_103 = tpu.memref_slice %arg12[%dma_start3A_101, %dma_start3A_102] : memref<512x64xf32, #tpu.memory_space<vmem>> -> memref<128x64xf32, #tpu.memory_space<vmem>>
    %dma_start3A_104 = arith.constant 0 : i32
    %dma_start3A_105 = tpu.memref_slice %arg9[%dma_start3A_100, %dma_start3A_104] : memref<4x128xi32, #tpu.memory_space<vmem>> -> memref<1x128xi32, #tpu.memory_space<vmem>>
    %dma_start3A_106 = tpu.memref_squeeze %dma_start3A_105 : memref<1x128xi32, #tpu.memory_space<vmem>> -> memref<128xi32, #tpu.memory_space<vmem>>
    %dma_start3A_107 = arith.constant 0 : i32
    %dma_start3A_108 = arith.constant 0 : i32
    %dma_start3A_109 = tpu.memref_slice %arg6[%dma_start3A_107, %dma_start3A_108] : memref<1000x64xf32, #tpu.memory_space<hbm>> -> memref<1000x64xf32, #tpu.memory_space<hbm>>
    tpu.enqueue_indirect_dma source(%dma_start3A_109 : memref<1000x64xf32, #tpu.memory_space<hbm>>) target(%dma_start3A_103 : memref<128x64xf32, #tpu.memory_space<vmem>>) offsets(%dma_start3A_106 : memref<128xi32, #tpu.memory_space<vmem>>) semaphore(%arg15 : memref<!tpu.dma_semaphore, #tpu.memory_space<semaphore_mem>>)
    %dma_start3A_110 = arith.constant 3 : i32
    %dma_start3A_111 = arith.constant 384 : i32
    %dma_start3A_112 = arith.constant 0 : i32
    %dma_start3A_113 = tpu.memref_slice %arg13[%dma_start3A_111, %dma_start3A_112] : memref<512x64xf32, #tpu.memory_space<vmem>> -> memref<128x64xf32, #tpu.memory_space<vmem>>
    %dma_start3A_114 = arith.constant 0 : i32
    %dma_start3A_115 = tpu.memref_slice %arg10[%dma_start3A_110, %dma_start3A_114] : memref<4x128xi32, #tpu.memory_space<vmem>> -> memref<1x128xi32, #tpu.memory_space<vmem>>
    %dma_start3A_116 = tpu.memref_squeeze %dma_start3A_115 : memref<1x128xi32, #tpu.memory_space<vmem>> -> memref<128xi32, #tpu.memory_space<vmem>>
    %dma_start3A_117 = arith.constant 0 : i32
    %dma_start3A_118 = arith.constant 0 : i32
    %dma_start3A_119 = tpu.memref_slice %arg5[%dma_start3A_117, %dma_start3A_118] : memref<1000000x64xf32, #tpu.memory_space<hbm>> -> memref<1000000x64xf32, #tpu.memory_space<hbm>>
    tpu.enqueue_indirect_dma source(%dma_start3A_119 : memref<1000000x64xf32, #tpu.memory_space<hbm>>) target(%dma_start3A_113 : memref<128x64xf32, #tpu.memory_space<vmem>>) offsets(%dma_start3A_116 : memref<128xi32, #tpu.memory_space<vmem>>) semaphore(%arg15 : memref<!tpu.dma_semaphore, #tpu.memory_space<semaphore_mem>>)
    %dma_wait3A = arith.constant 0 : i32
    %dma_wait3A_120 = arith.constant 0 : i32
    %dma_wait3A_121 = arith.constant 0 : i32
    %dma_wait3A_122 = tpu.memref_slice %arg11[%dma_wait3A_120, %dma_wait3A_121] : memref<512x64xf32, #tpu.memory_space<vmem>> -> memref<128x64xf32, #tpu.memory_space<vmem>>
    %dma_wait3A_123 = arith.constant 0 : i32
    %dma_wait3A_124 = tpu.memref_slice %arg8[%dma_wait3A, %dma_wait3A_123] : memref<4x128xi32, #tpu.memory_space<vmem>> -> memref<1x128xi32, #tpu.memory_space<vmem>>
    %dma_wait3A_125 = tpu.memref_squeeze %dma_wait3A_124 : memref<1x128xi32, #tpu.memory_space<vmem>> -> memref<128xi32, #tpu.memory_space<vmem>>
    %dma_wait3A_126 = arith.constant 0 : i32
    %dma_wait3A_127 = arith.constant 0 : i32
    %dma_wait3A_128 = tpu.memref_slice %arg5[%dma_wait3A_126, %dma_wait3A_127] : memref<1000000x64xf32, #tpu.memory_space<hbm>> -> memref<1000000x64xf32, #tpu.memory_space<hbm>>
    tpu.wait_indirect_dma semaphore(%arg15 : memref<!tpu.dma_semaphore, #tpu.memory_space<semaphore_mem>>) src(%dma_wait3A_128 : memref<1000000x64xf32, #tpu.memory_space<hbm>>) dst(%dma_wait3A_122 : memref<128x64xf32, #tpu.memory_space<vmem>>)
    %dma_wait3A_129 = arith.constant 0 : i32
    %dma_wait3A_130 = arith.constant 0 : i32
    %dma_wait3A_131 = arith.constant 0 : i32
    %dma_wait3A_132 = tpu.memref_slice %arg12[%dma_wait3A_130, %dma_wait3A_131] : memref<512x64xf32, #tpu.memory_space<vmem>> -> memref<128x64xf32, #tpu.memory_space<vmem>>
    %dma_wait3A_133 = arith.constant 0 : i32
    %dma_wait3A_134 = tpu.memref_slice %arg9[%dma_wait3A_129, %dma_wait3A_133] : memref<4x128xi32, #tpu.memory_space<vmem>> -> memref<1x128xi32, #tpu.memory_space<vmem>>
    %dma_wait3A_135 = tpu.memref_squeeze %dma_wait3A_134 : memref<1x128xi32, #tpu.memory_space<vmem>> -> memref<128xi32, #tpu.memory_space<vmem>>
    %dma_wait3A_136 = arith.constant 0 : i32
    %dma_wait3A_137 = arith.constant 0 : i32
    %dma_wait3A_138 = tpu.memref_slice %arg6[%dma_wait3A_136, %dma_wait3A_137] : memref<1000x64xf32, #tpu.memory_space<hbm>> -> memref<1000x64xf32, #tpu.memory_space<hbm>>
    tpu.wait_indirect_dma semaphore(%arg15 : memref<!tpu.dma_semaphore, #tpu.memory_space<semaphore_mem>>) src(%dma_wait3A_138 : memref<1000x64xf32, #tpu.memory_space<hbm>>) dst(%dma_wait3A_132 : memref<128x64xf32, #tpu.memory_space<vmem>>)
    %dma_wait3A_139 = arith.constant 0 : i32
    %dma_wait3A_140 = arith.constant 0 : i32
    %dma_wait3A_141 = arith.constant 0 : i32
    %dma_wait3A_142 = tpu.memref_slice %arg13[%dma_wait3A_140, %dma_wait3A_141] : memref<512x64xf32, #tpu.memory_space<vmem>> -> memref<128x64xf32, #tpu.memory_space<vmem>>
    %dma_wait3A_143 = arith.constant 0 : i32
    %dma_wait3A_144 = tpu.memref_slice %arg10[%dma_wait3A_139, %dma_wait3A_143] : memref<4x128xi32, #tpu.memory_space<vmem>> -> memref<1x128xi32, #tpu.memory_space<vmem>>
    %dma_wait3A_145 = tpu.memref_squeeze %dma_wait3A_144 : memref<1x128xi32, #tpu.memory_space<vmem>> -> memref<128xi32, #tpu.memory_space<vmem>>
    %dma_wait3A_146 = arith.constant 0 : i32
    %dma_wait3A_147 = arith.constant 0 : i32
    %dma_wait3A_148 = tpu.memref_slice %arg5[%dma_wait3A_146, %dma_wait3A_147] : memref<1000000x64xf32, #tpu.memory_space<hbm>> -> memref<1000000x64xf32, #tpu.memory_space<hbm>>
    tpu.wait_indirect_dma semaphore(%arg15 : memref<!tpu.dma_semaphore, #tpu.memory_space<semaphore_mem>>) src(%dma_wait3A_148 : memref<1000000x64xf32, #tpu.memory_space<hbm>>) dst(%dma_wait3A_142 : memref<128x64xf32, #tpu.memory_space<vmem>>)
    %dma_wait3A_149 = arith.constant 1 : i32
    %dma_wait3A_150 = arith.constant 128 : i32
    %dma_wait3A_151 = arith.constant 0 : i32
    %dma_wait3A_152 = tpu.memref_slice %arg11[%dma_wait3A_150, %dma_wait3A_151] : memref<512x64xf32, #tpu.memory_space<vmem>> -> memref<128x64xf32, #tpu.memory_space<vmem>>
    %dma_wait3A_153 = arith.constant 0 : i32
    %dma_wait3A_154 = tpu.memref_slice %arg8[%dma_wait3A_149, %dma_wait3A_153] : memref<4x128xi32, #tpu.memory_space<vmem>> -> memref<1x128xi32, #tpu.memory_space<vmem>>
    %dma_wait3A_155 = tpu.memref_squeeze %dma_wait3A_154 : memref<1x128xi32, #tpu.memory_space<vmem>> -> memref<128xi32, #tpu.memory_space<vmem>>
    %dma_wait3A_156 = arith.constant 0 : i32
    %dma_wait3A_157 = arith.constant 0 : i32
    %dma_wait3A_158 = tpu.memref_slice %arg5[%dma_wait3A_156, %dma_wait3A_157] : memref<1000000x64xf32, #tpu.memory_space<hbm>> -> memref<1000000x64xf32, #tpu.memory_space<hbm>>
    tpu.wait_indirect_dma semaphore(%arg15 : memref<!tpu.dma_semaphore, #tpu.memory_space<semaphore_mem>>) src(%dma_wait3A_158 : memref<1000000x64xf32, #tpu.memory_space<hbm>>) dst(%dma_wait3A_152 : memref<128x64xf32, #tpu.memory_space<vmem>>)
    %dma_wait3A_159 = arith.constant 1 : i32
    %dma_wait3A_160 = arith.constant 128 : i32
    %dma_wait3A_161 = arith.constant 0 : i32
    %dma_wait3A_162 = tpu.memref_slice %arg12[%dma_wait3A_160, %dma_wait3A_161] : memref<512x64xf32, #tpu.memory_space<vmem>> -> memref<128x64xf32, #tpu.memory_space<vmem>>
    %dma_wait3A_163 = arith.constant 0 : i32
    %dma_wait3A_164 = tpu.memref_slice %arg9[%dma_wait3A_159, %dma_wait3A_163] : memref<4x128xi32, #tpu.memory_space<vmem>> -> memref<1x128xi32, #tpu.memory_space<vmem>>
    %dma_wait3A_165 = tpu.memref_squeeze %dma_wait3A_164 : memref<1x128xi32, #tpu.memory_space<vmem>> -> memref<128xi32, #tpu.memory_space<vmem>>
    %dma_wait3A_166 = arith.constant 0 : i32
    %dma_wait3A_167 = arith.constant 0 : i32
    %dma_wait3A_168 = tpu.memref_slice %arg6[%dma_wait3A_166, %dma_wait3A_167] : memref<1000x64xf32, #tpu.memory_space<hbm>> -> memref<1000x64xf32, #tpu.memory_space<hbm>>
    tpu.wait_indirect_dma semaphore(%arg15 : memref<!tpu.dma_semaphore, #tpu.memory_space<semaphore_mem>>) src(%dma_wait3A_168 : memref<1000x64xf32, #tpu.memory_space<hbm>>) dst(%dma_wait3A_162 : memref<128x64xf32, #tpu.memory_space<vmem>>)
    %dma_wait3A_169 = arith.constant 1 : i32
    %dma_wait3A_170 = arith.constant 128 : i32
    %dma_wait3A_171 = arith.constant 0 : i32
    %dma_wait3A_172 = tpu.memref_slice %arg13[%dma_wait3A_170, %dma_wait3A_171] : memref<512x64xf32, #tpu.memory_space<vmem>> -> memref<128x64xf32, #tpu.memory_space<vmem>>
    %dma_wait3A_173 = arith.constant 0 : i32
    %dma_wait3A_174 = tpu.memref_slice %arg10[%dma_wait3A_169, %dma_wait3A_173] : memref<4x128xi32, #tpu.memory_space<vmem>> -> memref<1x128xi32, #tpu.memory_space<vmem>>
    %dma_wait3A_175 = tpu.memref_squeeze %dma_wait3A_174 : memref<1x128xi32, #tpu.memory_space<vmem>> -> memref<128xi32, #tpu.memory_space<vmem>>
    %dma_wait3A_176 = arith.constant 0 : i32
    %dma_wait3A_177 = arith.constant 0 : i32
    %dma_wait3A_178 = tpu.memref_slice %arg5[%dma_wait3A_176, %dma_wait3A_177] : memref<1000000x64xf32, #tpu.memory_space<hbm>> -> memref<1000000x64xf32, #tpu.memory_space<hbm>>
    tpu.wait_indirect_dma semaphore(%arg15 : memref<!tpu.dma_semaphore, #tpu.memory_space<semaphore_mem>>) src(%dma_wait3A_178 : memref<1000000x64xf32, #tpu.memory_space<hbm>>) dst(%dma_wait3A_172 : memref<128x64xf32, #tpu.memory_space<vmem>>)
    %dma_wait3A_179 = arith.constant 2 : i32
    %dma_wait3A_180 = arith.constant 256 : i32
    %dma_wait3A_181 = arith.constant 0 : i32
    %dma_wait3A_182 = tpu.memref_slice %arg11[%dma_wait3A_180, %dma_wait3A_181] : memref<512x64xf32, #tpu.memory_space<vmem>> -> memref<128x64xf32, #tpu.memory_space<vmem>>
    %dma_wait3A_183 = arith.constant 0 : i32
    %dma_wait3A_184 = tpu.memref_slice %arg8[%dma_wait3A_179, %dma_wait3A_183] : memref<4x128xi32, #tpu.memory_space<vmem>> -> memref<1x128xi32, #tpu.memory_space<vmem>>
    %dma_wait3A_185 = tpu.memref_squeeze %dma_wait3A_184 : memref<1x128xi32, #tpu.memory_space<vmem>> -> memref<128xi32, #tpu.memory_space<vmem>>
    %dma_wait3A_186 = arith.constant 0 : i32
    %dma_wait3A_187 = arith.constant 0 : i32
    %dma_wait3A_188 = tpu.memref_slice %arg5[%dma_wait3A_186, %dma_wait3A_187] : memref<1000000x64xf32, #tpu.memory_space<hbm>> -> memref<1000000x64xf32, #tpu.memory_space<hbm>>
    tpu.wait_indirect_dma semaphore(%arg15 : memref<!tpu.dma_semaphore, #tpu.memory_space<semaphore_mem>>) src(%dma_wait3A_188 : memref<1000000x64xf32, #tpu.memory_space<hbm>>) dst(%dma_wait3A_182 : memref<128x64xf32, #tpu.memory_space<vmem>>)
    %dma_wait3A_189 = arith.constant 2 : i32
    %dma_wait3A_190 = arith.constant 256 : i32
    %dma_wait3A_191 = arith.constant 0 : i32
    %dma_wait3A_192 = tpu.memref_slice %arg12[%dma_wait3A_190, %dma_wait3A_191] : memref<512x64xf32, #tpu.memory_space<vmem>> -> memref<128x64xf32, #tpu.memory_space<vmem>>
    %dma_wait3A_193 = arith.constant 0 : i32
    %dma_wait3A_194 = tpu.memref_slice %arg9[%dma_wait3A_189, %dma_wait3A_193] : memref<4x128xi32, #tpu.memory_space<vmem>> -> memref<1x128xi32, #tpu.memory_space<vmem>>
    %dma_wait3A_195 = tpu.memref_squeeze %dma_wait3A_194 : memref<1x128xi32, #tpu.memory_space<vmem>> -> memref<128xi32, #tpu.memory_space<vmem>>
    %dma_wait3A_196 = arith.constant 0 : i32
    %dma_wait3A_197 = arith.constant 0 : i32
    %dma_wait3A_198 = tpu.memref_slice %arg6[%dma_wait3A_196, %dma_wait3A_197] : memref<1000x64xf32, #tpu.memory_space<hbm>> -> memref<1000x64xf32, #tpu.memory_space<hbm>>
    tpu.wait_indirect_dma semaphore(%arg15 : memref<!tpu.dma_semaphore, #tpu.memory_space<semaphore_mem>>) src(%dma_wait3A_198 : memref<1000x64xf32, #tpu.memory_space<hbm>>) dst(%dma_wait3A_192 : memref<128x64xf32, #tpu.memory_space<vmem>>)
    %dma_wait3A_199 = arith.constant 2 : i32
    %dma_wait3A_200 = arith.constant 256 : i32
    %dma_wait3A_201 = arith.constant 0 : i32
    %dma_wait3A_202 = tpu.memref_slice %arg13[%dma_wait3A_200, %dma_wait3A_201] : memref<512x64xf32, #tpu.memory_space<vmem>> -> memref<128x64xf32, #tpu.memory_space<vmem>>
    %dma_wait3A_203 = arith.constant 0 : i32
    %dma_wait3A_204 = tpu.memref_slice %arg10[%dma_wait3A_199, %dma_wait3A_203] : memref<4x128xi32, #tpu.memory_space<vmem>> -> memref<1x128xi32, #tpu.memory_space<vmem>>
    %dma_wait3A_205 = tpu.memref_squeeze %dma_wait3A_204 : memref<1x128xi32, #tpu.memory_space<vmem>> -> memref<128xi32, #tpu.memory_space<vmem>>
    %dma_wait3A_206 = arith.constant 0 : i32
    %dma_wait3A_207 = arith.constant 0 : i32
    %dma_wait3A_208 = tpu.memref_slice %arg5[%dma_wait3A_206, %dma_wait3A_207] : memref<1000000x64xf32, #tpu.memory_space<hbm>> -> memref<1000000x64xf32, #tpu.memory_space<hbm>>
    tpu.wait_indirect_dma semaphore(%arg15 : memref<!tpu.dma_semaphore, #tpu.memory_space<semaphore_mem>>) src(%dma_wait3A_208 : memref<1000000x64xf32, #tpu.memory_space<hbm>>) dst(%dma_wait3A_202 : memref<128x64xf32, #tpu.memory_space<vmem>>)
    %dma_wait3A_209 = arith.constant 3 : i32
    %dma_wait3A_210 = arith.constant 384 : i32
    %dma_wait3A_211 = arith.constant 0 : i32
    %dma_wait3A_212 = tpu.memref_slice %arg11[%dma_wait3A_210, %dma_wait3A_211] : memref<512x64xf32, #tpu.memory_space<vmem>> -> memref<128x64xf32, #tpu.memory_space<vmem>>
    %dma_wait3A_213 = arith.constant 0 : i32
    %dma_wait3A_214 = tpu.memref_slice %arg8[%dma_wait3A_209, %dma_wait3A_213] : memref<4x128xi32, #tpu.memory_space<vmem>> -> memref<1x128xi32, #tpu.memory_space<vmem>>
    %dma_wait3A_215 = tpu.memref_squeeze %dma_wait3A_214 : memref<1x128xi32, #tpu.memory_space<vmem>> -> memref<128xi32, #tpu.memory_space<vmem>>
    %dma_wait3A_216 = arith.constant 0 : i32
    %dma_wait3A_217 = arith.constant 0 : i32
    %dma_wait3A_218 = tpu.memref_slice %arg5[%dma_wait3A_216, %dma_wait3A_217] : memref<1000000x64xf32, #tpu.memory_space<hbm>> -> memref<1000000x64xf32, #tpu.memory_space<hbm>>
    tpu.wait_indirect_dma semaphore(%arg15 : memref<!tpu.dma_semaphore, #tpu.memory_space<semaphore_mem>>) src(%dma_wait3A_218 : memref<1000000x64xf32, #tpu.memory_space<hbm>>) dst(%dma_wait3A_212 : memref<128x64xf32, #tpu.memory_space<vmem>>)
    %dma_wait3A_219 = arith.constant 3 : i32
    %dma_wait3A_220 = arith.constant 384 : i32
    %dma_wait3A_221 = arith.constant 0 : i32
    %dma_wait3A_222 = tpu.memref_slice %arg12[%dma_wait3A_220, %dma_wait3A_221] : memref<512x64xf32, #tpu.memory_space<vmem>> -> memref<128x64xf32, #tpu.memory_space<vmem>>
    %dma_wait3A_223 = arith.constant 0 : i32
    %dma_wait3A_224 = tpu.memref_slice %arg9[%dma_wait3A_219, %dma_wait3A_223] : memref<4x128xi32, #tpu.memory_space<vmem>> -> memref<1x128xi32, #tpu.memory_space<vmem>>
    %dma_wait3A_225 = tpu.memref_squeeze %dma_wait3A_224 : memref<1x128xi32, #tpu.memory_space<vmem>> -> memref<128xi32, #tpu.memory_space<vmem>>
    %dma_wait3A_226 = arith.constant 0 : i32
    %dma_wait3A_227 = arith.constant 0 : i32
    %dma_wait3A_228 = tpu.memref_slice %arg6[%dma_wait3A_226, %dma_wait3A_227] : memref<1000x64xf32, #tpu.memory_space<hbm>> -> memref<1000x64xf32, #tpu.memory_space<hbm>>
    tpu.wait_indirect_dma semaphore(%arg15 : memref<!tpu.dma_semaphore, #tpu.memory_space<semaphore_mem>>) src(%dma_wait3A_228 : memref<1000x64xf32, #tpu.memory_space<hbm>>) dst(%dma_wait3A_222 : memref<128x64xf32, #tpu.memory_space<vmem>>)
    %dma_wait3A_229 = arith.constant 3 : i32
    %dma_wait3A_230 = arith.constant 384 : i32
    %dma_wait3A_231 = arith.constant 0 : i32
    %dma_wait3A_232 = tpu.memref_slice %arg13[%dma_wait3A_230, %dma_wait3A_231] : memref<512x64xf32, #tpu.memory_space<vmem>> -> memref<128x64xf32, #tpu.memory_space<vmem>>
    %dma_wait3A_233 = arith.constant 0 : i32
    %dma_wait3A_234 = tpu.memref_slice %arg10[%dma_wait3A_229, %dma_wait3A_233] : memref<4x128xi32, #tpu.memory_space<vmem>> -> memref<1x128xi32, #tpu.memory_space<vmem>>
    %dma_wait3A_235 = tpu.memref_squeeze %dma_wait3A_234 : memref<1x128xi32, #tpu.memory_space<vmem>> -> memref<128xi32, #tpu.memory_space<vmem>>
    %dma_wait3A_236 = arith.constant 0 : i32
    %dma_wait3A_237 = arith.constant 0 : i32
    %dma_wait3A_238 = tpu.memref_slice %arg5[%dma_wait3A_236, %dma_wait3A_237] : memref<1000000x64xf32, #tpu.memory_space<hbm>> -> memref<1000000x64xf32, #tpu.memory_space<hbm>>
    tpu.wait_indirect_dma semaphore(%arg15 : memref<!tpu.dma_semaphore, #tpu.memory_space<semaphore_mem>>) src(%dma_wait3A_238 : memref<1000000x64xf32, #tpu.memory_space<hbm>>) dst(%dma_wait3A_232 : memref<128x64xf32, #tpu.memory_space<vmem>>)
    %iota3A = tpu.iota {dimensions = array<i32: 0>} : vector<16xi32>
    %scan3A = arith.constant 0 : i32
    %scan3A_239 = arith.constant 0 : i32
    %scan3A_240 = arith.constant 32 : i32
    %scan3A_241 = arith.addi %scan3A_239, %scan3A_240 : i32
    %scan3A_242 = arith.constant 1 : i32
    scf.for %scan3A_244 = %scan3A_239 to %scan3A_241 step %scan3A_242  : i32 {
      %broadcast_in_dim3A = arith.constant 0.000000e+00 : f32
      %broadcast_in_dim3A_245 = vector.broadcast %broadcast_in_dim3A : f32 to vector<16xf32>
      %mul3A_246 = arith.constant 16 : i32
      %mul3A_247 = arith.muli %scan3A_244, %mul3A_246 : i32
      %add3A_248 = arith.constant 0 : i32
      %add3A_249 = arith.addi %mul3A_247, %add3A_248 : i32
      %broadcast_in_dim3A_250 = arith.constant 0.000000e+00 : f32
      %broadcast_in_dim3A_251 = vector.broadcast %broadcast_in_dim3A_250 : f32 to vector<16xf32>
      %get3A = arith.index_cast %add3A_249 : i32 to index
      %get3A_252 = arith.constant 0 : index
      %get3A_253 = tpu.vector_load %arg11[%get3A, %get3A_252] {strides = array<i32>} : memref<512x64xf32, #tpu.memory_space<vmem>>, vector<16xf32>,
      %get3A_254 = arith.index_cast %add3A_249 : i32 to index
      %get3A_255 = arith.constant 0 : index
      %get3A_256 = tpu.vector_load %arg12[%get3A_254, %get3A_255] {strides = array<i32>} : memref<512x64xf32, #tpu.memory_space<vmem>>, vector<16xf32>,
      %add3A_257 = arith.addf %get3A_253, %get3A_256 : vector<16xf32>
      %get3A_258 = arith.index_cast %add3A_249 : i32 to index
      %get3A_259 = arith.constant 0 : index
      %get3A_260 = tpu.vector_load %arg13[%get3A_258, %get3A_259] {strides = array<i32>} : memref<512x64xf32, #tpu.memory_space<vmem>>, vector<16xf32>,
      %sub3A = arith.subf %add3A_257, %get3A_260 : vector<16xf32>
      %mul3A_261 = arith.mulf %sub3A, %sub3A : vector<16xf32>
      %add3A_262 = arith.addf %broadcast_in_dim3A_251, %mul3A_261 : vector<16xf32>
      %get3A_263 = arith.index_cast %add3A_249 : i32 to index
      %get3A_264 = arith.constant 16 : index
      %get3A_265 = tpu.vector_load %arg11[%get3A_263, %get3A_264] {strides = array<i32>} : memref<512x64xf32, #tpu.memory_space<vmem>>, vector<16xf32>,
      %get3A_266 = arith.index_cast %add3A_249 : i32 to index
      %get3A_267 = arith.constant 16 : index
      %get3A_268 = tpu.vector_load %arg12[%get3A_266, %get3A_267] {strides = array<i32>} : memref<512x64xf32, #tpu.memory_space<vmem>>, vector<16xf32>,
      %add3A_269 = arith.addf %get3A_265, %get3A_268 : vector<16xf32>
      %get3A_270 = arith.index_cast %add3A_249 : i32 to index
      %get3A_271 = arith.constant 16 : index
      %get3A_272 = tpu.vector_load %arg13[%get3A_270, %get3A_271] {strides = array<i32>} : memref<512x64xf32, #tpu.memory_space<vmem>>, vector<16xf32>,
      %sub3A_273 = arith.subf %add3A_269, %get3A_272 : vector<16xf32>
      %mul3A_274 = arith.mulf %sub3A_273, %sub3A_273 : vector<16xf32>
      %add3A_275 = arith.addf %add3A_262, %mul3A_274 : vector<16xf32>
      %get3A_276 = arith.index_cast %add3A_249 : i32 to index
      %get3A_277 = arith.constant 32 : index
      %get3A_278 = tpu.vector_load %arg11[%get3A_276, %get3A_277] {strides = array<i32>} : memref<512x64xf32, #tpu.memory_space<vmem>>, vector<16xf32>,
      %get3A_279 = arith.index_cast %add3A_249 : i32 to index
      %get3A_280 = arith.constant 32 : index
      %get3A_281 = tpu.vector_load %arg12[%get3A_279, %get3A_280] {strides = array<i32>} : memref<512x64xf32, #tpu.memory_space<vmem>>, vector<16xf32>,
      %add3A_282 = arith.addf %get3A_278, %get3A_281 : vector<16xf32>
      %get3A_283 = arith.index_cast %add3A_249 : i32 to index
      %get3A_284 = arith.constant 32 : index
      %get3A_285 = tpu.vector_load %arg13[%get3A_283, %get3A_284] {strides = array<i32>} : memref<512x64xf32, #tpu.memory_space<vmem>>, vector<16xf32>,
      %sub3A_286 = arith.subf %add3A_282, %get3A_285 : vector<16xf32>
      %mul3A_287 = arith.mulf %sub3A_286, %sub3A_286 : vector<16xf32>
      %add3A_288 = arith.addf %add3A_275, %mul3A_287 : vector<16xf32>
      %get3A_289 = arith.index_cast %add3A_249 : i32 to index
      %get3A_290 = arith.constant 48 : index
      %get3A_291 = tpu.vector_load %arg11[%get3A_289, %get3A_290] {strides = array<i32>} : memref<512x64xf32, #tpu.memory_space<vmem>>, vector<16xf32>,
      %get3A_292 = arith.index_cast %add3A_249 : i32 to index
      %get3A_293 = arith.constant 48 : index
      %get3A_294 = tpu.vector_load %arg12[%get3A_292, %get3A_293] {strides = array<i32>} : memref<512x64xf32, #tpu.memory_space<vmem>>, vector<16xf32>,
      %add3A_295 = arith.addf %get3A_291, %get3A_294 : vector<16xf32>
      %get3A_296 = arith.index_cast %add3A_249 : i32 to index
      %get3A_297 = arith.constant 48 : index
      %get3A_298 = tpu.vector_load %arg13[%get3A_296, %get3A_297] {strides = array<i32>} : memref<512x64xf32, #tpu.memory_space<vmem>>, vector<16xf32>,
      %sub3A_299 = arith.subf %add3A_295, %get3A_298 : vector<16xf32>
      %mul3A_300 = arith.mulf %sub3A_299, %sub3A_299 : vector<16xf32>
      %add3A_301 = arith.addf %add3A_288, %mul3A_300 : vector<16xf32>
      %eq3A = arith.constant 0 : i32
      %eq3A_302 = vector.broadcast %eq3A : i32 to vector<16xi32>
      %eq3A_303 = arith.cmpi eq, %iota3A, %eq3A_302 : vector<16xi32>
      %reduce_sum3A = arith.constant true
      %reduce_sum3A_304 = vector.broadcast %reduce_sum3A : i1 to vector<16xi1>
      %reduce_sum3A_305 = tpu.scan <sum>, %add3A_301 masked %reduce_sum3A_304 : vector<16xf32>, vector<16xi1> -> vector<16xf32>
      %reduce_sum3A_306 = vector.extract %reduce_sum3A_305[15] : f32 from vector<16xf32>
      %broadcast_in_dim3A_307 = vector.broadcast %reduce_sum3A_306 : f32 to vector<16xf32>
      %select_n3A = arith.select %eq3A_303, %broadcast_in_dim3A_307, %broadcast_in_dim3A_245 : vector<16xi1>, vector<16xf32>
      %mul3A_308 = arith.constant 16 : i32
      %mul3A_309 = arith.muli %scan3A_244, %mul3A_308 : i32
      %add3A_310 = arith.constant 1 : i32
      %add3A_311 = arith.addi %mul3A_309, %add3A_310 : i32
      %broadcast_in_dim3A_312 = arith.constant 0.000000e+00 : f32
      %broadcast_in_dim3A_313 = vector.broadcast %broadcast_in_dim3A_312 : f32 to vector<16xf32>
      %get3A_314 = arith.index_cast %add3A_311 : i32 to index
      %get3A_315 = arith.constant 0 : index
      %get3A_316 = tpu.vector_load %arg11[%get3A_314, %get3A_315] {strides = array<i32>} : memref<512x64xf32, #tpu.memory_space<vmem>>, vector<16xf32>,
      %get3A_317 = arith.index_cast %add3A_311 : i32 to index
      %get3A_318 = arith.constant 0 : index
      %get3A_319 = tpu.vector_load %arg12[%get3A_317, %get3A_318] {strides = array<i32>} : memref<512x64xf32, #tpu.memory_space<vmem>>, vector<16xf32>,
      %add3A_320 = arith.addf %get3A_316, %get3A_319 : vector<16xf32>
      %get3A_321 = arith.index_cast %add3A_311 : i32 to index
      %get3A_322 = arith.constant 0 : index
      %get3A_323 = tpu.vector_load %arg13[%get3A_321, %get3A_322] {strides = array<i32>} : memref<512x64xf32, #tpu.memory_space<vmem>>, vector<16xf32>,
      %sub3A_324 = arith.subf %add3A_320, %get3A_323 : vector<16xf32>
      %mul3A_325 = arith.mulf %sub3A_324, %sub3A_324 : vector<16xf32>
      %add3A_326 = arith.addf %broadcast_in_dim3A_313, %mul3A_325 : vector<16xf32>
      %get3A_327 = arith.index_cast %add3A_311 : i32 to index
      %get3A_328 = arith.constant 16 : index
      %get3A_329 = tpu.vector_load %arg11[%get3A_327, %get3A_328] {strides = array<i32>} : memref<512x64xf32, #tpu.memory_space<vmem>>, vector<16xf32>,
      %get3A_330 = arith.index_cast %add3A_311 : i32 to index
      %get3A_331 = arith.constant 16 : index
      %get3A_332 = tpu.vector_load %arg12[%get3A_330, %get3A_331] {strides = array<i32>} : memref<512x64xf32, #tpu.memory_space<vmem>>, vector<16xf32>,
      %add3A_333 = arith.addf %get3A_329, %get3A_332 : vector<16xf32>
      %get3A_334 = arith.index_cast %add3A_311 : i32 to index
      %get3A_335 = arith.constant 16 : index
      %get3A_336 = tpu.vector_load %arg13[%get3A_334, %get3A_335] {strides = array<i32>} : memref<512x64xf32, #tpu.memory_space<vmem>>, vector<16xf32>,
      %sub3A_337 = arith.subf %add3A_333, %get3A_336 : vector<16xf32>
      %mul3A_338 = arith.mulf %sub3A_337, %sub3A_337 : vector<16xf32>
      %add3A_339 = arith.addf %add3A_326, %mul3A_338 : vector<16xf32>
      %get3A_340 = arith.index_cast %add3A_311 : i32 to index
      %get3A_341 = arith.constant 32 : index
      %get3A_342 = tpu.vector_load %arg11[%get3A_340, %get3A_341] {strides = array<i32>} : memref<512x64xf32, #tpu.memory_space<vmem>>, vector<16xf32>,
      %get3A_343 = arith.index_cast %add3A_311 : i32 to index
      %get3A_344 = arith.constant 32 : index
      %get3A_345 = tpu.vector_load %arg12[%get3A_343, %get3A_344] {strides = array<i32>} : memref<512x64xf32, #tpu.memory_space<vmem>>, vector<16xf32>,
      %add3A_346 = arith.addf %get3A_342, %get3A_345 : vector<16xf32>
      %get3A_347 = arith.index_cast %add3A_311 : i32 to index
      %get3A_348 = arith.constant 32 : index
      %get3A_349 = tpu.vector_load %arg13[%get3A_347, %get3A_348] {strides = array<i32>} : memref<512x64xf32, #tpu.memory_space<vmem>>, vector<16xf32>,
      %sub3A_350 = arith.subf %add3A_346, %get3A_349 : vector<16xf32>
      %mul3A_351 = arith.mulf %sub3A_350, %sub3A_350 : vector<16xf32>
      %add3A_352 = arith.addf %add3A_339, %mul3A_351 : vector<16xf32>
      %get3A_353 = arith.index_cast %add3A_311 : i32 to index
      %get3A_354 = arith.constant 48 : index
      %get3A_355 = tpu.vector_load %arg11[%get3A_353, %get3A_354] {strides = array<i32>} : memref<512x64xf32, #tpu.memory_space<vmem>>, vector<16xf32>,
      %get3A_356 = arith.index_cast %add3A_311 : i32 to index
      %get3A_357 = arith.constant 48 : index
      %get3A_358 = tpu.vector_load %arg12[%get3A_356, %get3A_357] {strides = array<i32>} : memref<512x64xf32, #tpu.memory_space<vmem>>, vector<16xf32>,
      %add3A_359 = arith.addf %get3A_355, %get3A_358 : vector<16xf32>
      %get3A_360 = arith.index_cast %add3A_311 : i32 to index
      %get3A_361 = arith.constant 48 : index
      %get3A_362 = tpu.vector_load %arg13[%get3A_360, %get3A_361] {strides = array<i32>} : memref<512x64xf32, #tpu.memory_space<vmem>>, vector<16xf32>,
      %sub3A_363 = arith.subf %add3A_359, %get3A_362 : vector<16xf32>
      %mul3A_364 = arith.mulf %sub3A_363, %sub3A_363 : vector<16xf32>
      %add3A_365 = arith.addf %add3A_352, %mul3A_364 : vector<16xf32>
      %eq3A_366 = arith.constant 1 : i32
      %eq3A_367 = vector.broadcast %eq3A_366 : i32 to vector<16xi32>
      %eq3A_368 = arith.cmpi eq, %iota3A, %eq3A_367 : vector<16xi32>
      %reduce_sum3A_369 = arith.constant true
      %reduce_sum3A_370 = vector.broadcast %reduce_sum3A_369 : i1 to vector<16xi1>
      %reduce_sum3A_371 = tpu.scan <sum>, %add3A_365 masked %reduce_sum3A_370 : vector<16xf32>, vector<16xi1> -> vector<16xf32>
      %reduce_sum3A_372 = vector.extract %reduce_sum3A_371[15] : f32 from vector<16xf32>
      %broadcast_in_dim3A_373 = vector.broadcast %reduce_sum3A_372 : f32 to vector<16xf32>
      %select_n3A_374 = arith.select %eq3A_368, %broadcast_in_dim3A_373, %select_n3A : vector<16xi1>, vector<16xf32>
      %mul3A_375 = arith.constant 16 : i32
      %mul3A_376 = arith.muli %scan3A_244, %mul3A_375 : i32
      %add3A_377 = arith.constant 2 : i32
      %add3A_378 = arith.addi %mul3A_376, %add3A_377 : i32
      %broadcast_in_dim3A_379 = arith.constant 0.000000e+00 : f32
      %broadcast_in_dim3A_380 = vector.broadcast %broadcast_in_dim3A_379 : f32 to vector<16xf32>
      %get3A_381 = arith.index_cast %add3A_378 : i32 to index
      %get3A_382 = arith.constant 0 : index
      %get3A_383 = tpu.vector_load %arg11[%get3A_381, %get3A_382] {strides = array<i32>} : memref<512x64xf32, #tpu.memory_space<vmem>>, vector<16xf32>,
      %get3A_384 = arith.index_cast %add3A_378 : i32 to index
      %get3A_385 = arith.constant 0 : index
      %get3A_386 = tpu.vector_load %arg12[%get3A_384, %get3A_385] {strides = array<i32>} : memref<512x64xf32, #tpu.memory_space<vmem>>, vector<16xf32>,
      %add3A_387 = arith.addf %get3A_383, %get3A_386 : vector<16xf32>
      %get3A_388 = arith.index_cast %add3A_378 : i32 to index
      %get3A_389 = arith.constant 0 : index
      %get3A_390 = tpu.vector_load %arg13[%get3A_388, %get3A_389] {strides = array<i32>} : memref<512x64xf32, #tpu.memory_space<vmem>>, vector<16xf32>,
      %sub3A_391 = arith.subf %add3A_387, %get3A_390 : vector<16xf32>
      %mul3A_392 = arith.mulf %sub3A_391, %sub3A_391 : vector<16xf32>
      %add3A_393 = arith.addf %broadcast_in_dim3A_380, %mul3A_392 : vector<16xf32>
      %get3A_394 = arith.index_cast %add3A_378 : i32 to index
      %get3A_395 = arith.constant 16 : index
      %get3A_396 = tpu.vector_load %arg11[%get3A_394, %get3A_395] {strides = array<i32>} : memref<512x64xf32, #tpu.memory_space<vmem>>, vector<16xf32>,
      %get3A_397 = arith.index_cast %add3A_378 : i32 to index
      %get3A_398 = arith.constant 16 : index
      %get3A_399 = tpu.vector_load %arg12[%get3A_397, %get3A_398] {strides = array<i32>} : memref<512x64xf32, #tpu.memory_space<vmem>>, vector<16xf32>,
      %add3A_400 = arith.addf %get3A_396, %get3A_399 : vector<16xf32>
      %get3A_401 = arith.index_cast %add3A_378 : i32 to index
      %get3A_402 = arith.constant 16 : index
      %get3A_403 = tpu.vector_load %arg13[%get3A_401, %get3A_402] {strides = array<i32>} : memref<512x64xf32, #tpu.memory_space<vmem>>, vector<16xf32>,
      %sub3A_404 = arith.subf %add3A_400, %get3A_403 : vector<16xf32>
      %mul3A_405 = arith.mulf %sub3A_404, %sub3A_404 : vector<16xf32>
      %add3A_406 = arith.addf %add3A_393, %mul3A_405 : vector<16xf32>
      %get3A_407 = arith.index_cast %add3A_378 : i32 to index
      %get3A_408 = arith.constant 32 : index
      %get3A_409 = tpu.vector_load %arg11[%get3A_407, %get3A_408] {strides = array<i32>} : memref<512x64xf32, #tpu.memory_space<vmem>>, vector<16xf32>,
      %get3A_410 = arith.index_cast %add3A_378 : i32 to index
      %get3A_411 = arith.constant 32 : index
      %get3A_412 = tpu.vector_load %arg12[%get3A_410, %get3A_411] {strides = array<i32>} : memref<512x64xf32, #tpu.memory_space<vmem>>, vector<16xf32>,
      %add3A_413 = arith.addf %get3A_409, %get3A_412 : vector<16xf32>
      %get3A_414 = arith.index_cast %add3A_378 : i32 to index
      %get3A_415 = arith.constant 32 : index
      %get3A_416 = tpu.vector_load %arg13[%get3A_414, %get3A_415] {strides = array<i32>} : memref<512x64xf32, #tpu.memory_space<vmem>>, vector<16xf32>,
      %sub3A_417 = arith.subf %add3A_413, %get3A_416 : vector<16xf32>
      %mul3A_418 = arith.mulf %sub3A_417, %sub3A_417 : vector<16xf32>
      %add3A_419 = arith.addf %add3A_406, %mul3A_418 : vector<16xf32>
      %get3A_420 = arith.index_cast %add3A_378 : i32 to index
      %get3A_421 = arith.constant 48 : index
      %get3A_422 = tpu.vector_load %arg11[%get3A_420, %get3A_421] {strides = array<i32>} : memref<512x64xf32, #tpu.memory_space<vmem>>, vector<16xf32>,
      %get3A_423 = arith.index_cast %add3A_378 : i32 to index
      %get3A_424 = arith.constant 48 : index
      %get3A_425 = tpu.vector_load %arg12[%get3A_423, %get3A_424] {strides = array<i32>} : memref<512x64xf32, #tpu.memory_space<vmem>>, vector<16xf32>,
      %add3A_426 = arith.addf %get3A_422, %get3A_425 : vector<16xf32>
      %get3A_427 = arith.index_cast %add3A_378 : i32 to index
      %get3A_428 = arith.constant 48 : index
      %get3A_429 = tpu.vector_load %arg13[%get3A_427, %get3A_428] {strides = array<i32>} : memref<512x64xf32, #tpu.memory_space<vmem>>, vector<16xf32>,
      %sub3A_430 = arith.subf %add3A_426, %get3A_429 : vector<16xf32>
      %mul3A_431 = arith.mulf %sub3A_430, %sub3A_430 : vector<16xf32>
      %add3A_432 = arith.addf %add3A_419, %mul3A_431 : vector<16xf32>
      %eq3A_433 = arith.constant 2 : i32
      %eq3A_434 = vector.broadcast %eq3A_433 : i32 to vector<16xi32>
      %eq3A_435 = arith.cmpi eq, %iota3A, %eq3A_434 : vector<16xi32>
      %reduce_sum3A_436 = arith.constant true
      %reduce_sum3A_437 = vector.broadcast %reduce_sum3A_436 : i1 to vector<16xi1>
      %reduce_sum3A_438 = tpu.scan <sum>, %add3A_432 masked %reduce_sum3A_437 : vector<16xf32>, vector<16xi1> -> vector<16xf32>
      %reduce_sum3A_439 = vector.extract %reduce_sum3A_438[15] : f32 from vector<16xf32>
      %broadcast_in_dim3A_440 = vector.broadcast %reduce_sum3A_439 : f32 to vector<16xf32>
      %select_n3A_441 = arith.select %eq3A_435, %broadcast_in_dim3A_440, %select_n3A_374 : vector<16xi1>, vector<16xf32>
      %mul3A_442 = arith.constant 16 : i32
      %mul3A_443 = arith.muli %scan3A_244, %mul3A_442 : i32
      %add3A_444 = arith.constant 3 : i32
      %add3A_445 = arith.addi %mul3A_443, %add3A_444 : i32
      %broadcast_in_dim3A_446 = arith.constant 0.000000e+00 : f32
      %broadcast_in_dim3A_447 = vector.broadcast %broadcast_in_dim3A_446 : f32 to vector<16xf32>
      %get3A_448 = arith.index_cast %add3A_445 : i32 to index
      %get3A_449 = arith.constant 0 : index
      %get3A_450 = tpu.vector_load %arg11[%get3A_448, %get3A_449] {strides = array<i32>} : memref<512x64xf32, #tpu.memory_space<vmem>>, vector<16xf32>,
      %get3A_451 = arith.index_cast %add3A_445 : i32 to index
      %get3A_452 = arith.constant 0 : index
      %get3A_453 = tpu.vector_load %arg12[%get3A_451, %get3A_452] {strides = array<i32>} : memref<512x64xf32, #tpu.memory_space<vmem>>, vector<16xf32>,
      %add3A_454 = arith.addf %get3A_450, %get3A_453 : vector<16xf32>
      %get3A_455 = arith.index_cast %add3A_445 : i32 to index
      %get3A_456 = arith.constant 0 : index
      %get3A_457 = tpu.vector_load %arg13[%get3A_455, %get3A_456] {strides = array<i32>} : memref<512x64xf32, #tpu.memory_space<vmem>>, vector<16xf32>,
      %sub3A_458 = arith.subf %add3A_454, %get3A_457 : vector<16xf32>
      %mul3A_459 = arith.mulf %sub3A_458, %sub3A_458 : vector<16xf32>
      %add3A_460 = arith.addf %broadcast_in_dim3A_447, %mul3A_459 : vector<16xf32>
      %get3A_461 = arith.index_cast %add3A_445 : i32 to index
      %get3A_462 = arith.constant 16 : index
      %get3A_463 = tpu.vector_load %arg11[%get3A_461, %get3A_462] {strides = array<i32>} : memref<512x64xf32, #tpu.memory_space<vmem>>, vector<16xf32>,
      %get3A_464 = arith.index_cast %add3A_445 : i32 to index
      %get3A_465 = arith.constant 16 : index
      %get3A_466 = tpu.vector_load %arg12[%get3A_464, %get3A_465] {strides = array<i32>} : memref<512x64xf32, #tpu.memory_space<vmem>>, vector<16xf32>,
      %add3A_467 = arith.addf %get3A_463, %get3A_466 : vector<16xf32>
      %get3A_468 = arith.index_cast %add3A_445 : i32 to index
      %get3A_469 = arith.constant 16 : index
      %get3A_470 = tpu.vector_load %arg13[%get3A_468, %get3A_469] {strides = array<i32>} : memref<512x64xf32, #tpu.memory_space<vmem>>, vector<16xf32>,
      %sub3A_471 = arith.subf %add3A_467, %get3A_470 : vector<16xf32>
      %mul3A_472 = arith.mulf %sub3A_471, %sub3A_471 : vector<16xf32>
      %add3A_473 = arith.addf %add3A_460, %mul3A_472 : vector<16xf32>
      %get3A_474 = arith.index_cast %add3A_445 : i32 to index
      %get3A_475 = arith.constant 32 : index
      %get3A_476 = tpu.vector_load %arg11[%get3A_474, %get3A_475] {strides = array<i32>} : memref<512x64xf32, #tpu.memory_space<vmem>>, vector<16xf32>,
      %get3A_477 = arith.index_cast %add3A_445 : i32 to index
      %get3A_478 = arith.constant 32 : index
      %get3A_479 = tpu.vector_load %arg12[%get3A_477, %get3A_478] {strides = array<i32>} : memref<512x64xf32, #tpu.memory_space<vmem>>, vector<16xf32>,
      %add3A_480 = arith.addf %get3A_476, %get3A_479 : vector<16xf32>
      %get3A_481 = arith.index_cast %add3A_445 : i32 to index
      %get3A_482 = arith.constant 32 : index
      %get3A_483 = tpu.vector_load %arg13[%get3A_481, %get3A_482] {strides = array<i32>} : memref<512x64xf32, #tpu.memory_space<vmem>>, vector<16xf32>,
      %sub3A_484 = arith.subf %add3A_480, %get3A_483 : vector<16xf32>
      %mul3A_485 = arith.mulf %sub3A_484, %sub3A_484 : vector<16xf32>
      %add3A_486 = arith.addf %add3A_473, %mul3A_485 : vector<16xf32>
      %get3A_487 = arith.index_cast %add3A_445 : i32 to index
      %get3A_488 = arith.constant 48 : index
      %get3A_489 = tpu.vector_load %arg11[%get3A_487, %get3A_488] {strides = array<i32>} : memref<512x64xf32, #tpu.memory_space<vmem>>, vector<16xf32>,
      %get3A_490 = arith.index_cast %add3A_445 : i32 to index
      %get3A_491 = arith.constant 48 : index
      %get3A_492 = tpu.vector_load %arg12[%get3A_490, %get3A_491] {strides = array<i32>} : memref<512x64xf32, #tpu.memory_space<vmem>>, vector<16xf32>,
      %add3A_493 = arith.addf %get3A_489, %get3A_492 : vector<16xf32>
      %get3A_494 = arith.index_cast %add3A_445 : i32 to index
      %get3A_495 = arith.constant 48 : index
      %get3A_496 = tpu.vector_load %arg13[%get3A_494, %get3A_495] {strides = array<i32>} : memref<512x64xf32, #tpu.memory_space<vmem>>, vector<16xf32>,
      %sub3A_497 = arith.subf %add3A_493, %get3A_496 : vector<16xf32>
      %mul3A_498 = arith.mulf %sub3A_497, %sub3A_497 : vector<16xf32>
      %add3A_499 = arith.addf %add3A_486, %mul3A_498 : vector<16xf32>
      %eq3A_500 = arith.constant 3 : i32
      %eq3A_501 = vector.broadcast %eq3A_500 : i32 to vector<16xi32>
      %eq3A_502 = arith.cmpi eq, %iota3A, %eq3A_501 : vector<16xi32>
      %reduce_sum3A_503 = arith.constant true
      %reduce_sum3A_504 = vector.broadcast %reduce_sum3A_503 : i1 to vector<16xi1>
      %reduce_sum3A_505 = tpu.scan <sum>, %add3A_499 masked %reduce_sum3A_504 : vector<16xf32>, vector<16xi1> -> vector<16xf32>
      %reduce_sum3A_506 = vector.extract %reduce_sum3A_505[15] : f32 from vector<16xf32>
      %broadcast_in_dim3A_507 = vector.broadcast %reduce_sum3A_506 : f32 to vector<16xf32>
      %select_n3A_508 = arith.select %eq3A_502, %broadcast_in_dim3A_507, %select_n3A_441 : vector<16xi1>, vector<16xf32>
      %mul3A_509 = arith.constant 16 : i32
      %mul3A_510 = arith.muli %scan3A_244, %mul3A_509 : i32
      %add3A_511 = arith.constant 4 : i32
      %add3A_512 = arith.addi %mul3A_510, %add3A_511 : i32
      %broadcast_in_dim3A_513 = arith.constant 0.000000e+00 : f32
      %broadcast_in_dim3A_514 = vector.broadcast %broadcast_in_dim3A_513 : f32 to vector<16xf32>
      %get3A_515 = arith.index_cast %add3A_512 : i32 to index
      %get3A_516 = arith.constant 0 : index
      %get3A_517 = tpu.vector_load %arg11[%get3A_515, %get3A_516] {strides = array<i32>} : memref<512x64xf32, #tpu.memory_space<vmem>>, vector<16xf32>,
      %get3A_518 = arith.index_cast %add3A_512 : i32 to index
      %get3A_519 = arith.constant 0 : index
      %get3A_520 = tpu.vector_load %arg12[%get3A_518, %get3A_519] {strides = array<i32>} : memref<512x64xf32, #tpu.memory_space<vmem>>, vector<16xf32>,
      %add3A_521 = arith.addf %get3A_517, %get3A_520 : vector<16xf32>
      %get3A_522 = arith.index_cast %add3A_512 : i32 to index
      %get3A_523 = arith.constant 0 : index
      %get3A_524 = tpu.vector_load %arg13[%get3A_522, %get3A_523] {strides = array<i32>} : memref<512x64xf32, #tpu.memory_space<vmem>>, vector<16xf32>,
      %sub3A_525 = arith.subf %add3A_521, %get3A_524 : vector<16xf32>
      %mul3A_526 = arith.mulf %sub3A_525, %sub3A_525 : vector<16xf32>
      %add3A_527 = arith.addf %broadcast_in_dim3A_514, %mul3A_526 : vector<16xf32>
      %get3A_528 = arith.index_cast %add3A_512 : i32 to index
      %get3A_529 = arith.constant 16 : index
      %get3A_530 = tpu.vector_load %arg11[%get3A_528, %get3A_529] {strides = array<i32>} : memref<512x64xf32, #tpu.memory_space<vmem>>, vector<16xf32>,
      %get3A_531 = arith.index_cast %add3A_512 : i32 to index
      %get3A_532 = arith.constant 16 : index
      %get3A_533 = tpu.vector_load %arg12[%get3A_531, %get3A_532] {strides = array<i32>} : memref<512x64xf32, #tpu.memory_space<vmem>>, vector<16xf32>,
      %add3A_534 = arith.addf %get3A_530, %get3A_533 : vector<16xf32>
      %get3A_535 = arith.index_cast %add3A_512 : i32 to index
      %get3A_536 = arith.constant 16 : index
      %get3A_537 = tpu.vector_load %arg13[%get3A_535, %get3A_536] {strides = array<i32>} : memref<512x64xf32, #tpu.memory_space<vmem>>, vector<16xf32>,
      %sub3A_538 = arith.subf %add3A_534, %get3A_537 : vector<16xf32>
      %mul3A_539 = arith.mulf %sub3A_538, %sub3A_538 : vector<16xf32>
      %add3A_540 = arith.addf %add3A_527, %mul3A_539 : vector<16xf32>
      %get3A_541 = arith.index_cast %add3A_512 : i32 to index
      %get3A_542 = arith.constant 32 : index
      %get3A_543 = tpu.vector_load %arg11[%get3A_541, %get3A_542] {strides = array<i32>} : memref<512x64xf32, #tpu.memory_space<vmem>>, vector<16xf32>,
      %get3A_544 = arith.index_cast %add3A_512 : i32 to index
      %get3A_545 = arith.constant 32 : index
      %get3A_546 = tpu.vector_load %arg12[%get3A_544, %get3A_545] {strides = array<i32>} : memref<512x64xf32, #tpu.memory_space<vmem>>, vector<16xf32>,
      %add3A_547 = arith.addf %get3A_543, %get3A_546 : vector<16xf32>
      %get3A_548 = arith.index_cast %add3A_512 : i32 to index
      %get3A_549 = arith.constant 32 : index
      %get3A_550 = tpu.vector_load %arg13[%get3A_548, %get3A_549] {strides = array<i32>} : memref<512x64xf32, #tpu.memory_space<vmem>>, vector<16xf32>,
      %sub3A_551 = arith.subf %add3A_547, %get3A_550 : vector<16xf32>
      %mul3A_552 = arith.mulf %sub3A_551, %sub3A_551 : vector<16xf32>
      %add3A_553 = arith.addf %add3A_540, %mul3A_552 : vector<16xf32>
      %get3A_554 = arith.index_cast %add3A_512 : i32 to index
      %get3A_555 = arith.constant 48 : index
      %get3A_556 = tpu.vector_load %arg11[%get3A_554, %get3A_555] {strides = array<i32>} : memref<512x64xf32, #tpu.memory_space<vmem>>, vector<16xf32>,
      %get3A_557 = arith.index_cast %add3A_512 : i32 to index
      %get3A_558 = arith.constant 48 : index
      %get3A_559 = tpu.vector_load %arg12[%get3A_557, %get3A_558] {strides = array<i32>} : memref<512x64xf32, #tpu.memory_space<vmem>>, vector<16xf32>,
      %add3A_560 = arith.addf %get3A_556, %get3A_559 : vector<16xf32>
      %get3A_561 = arith.index_cast %add3A_512 : i32 to index
      %get3A_562 = arith.constant 48 : index
      %get3A_563 = tpu.vector_load %arg13[%get3A_561, %get3A_562] {strides = array<i32>} : memref<512x64xf32, #tpu.memory_space<vmem>>, vector<16xf32>,
      %sub3A_564 = arith.subf %add3A_560, %get3A_563 : vector<16xf32>
      %mul3A_565 = arith.mulf %sub3A_564, %sub3A_564 : vector<16xf32>
      %add3A_566 = arith.addf %add3A_553, %mul3A_565 : vector<16xf32>
      %eq3A_567 = arith.constant 4 : i32
      %eq3A_568 = vector.broadcast %eq3A_567 : i32 to vector<16xi32>
      %eq3A_569 = arith.cmpi eq, %iota3A, %eq3A_568 : vector<16xi32>
      %reduce_sum3A_570 = arith.constant true
      %reduce_sum3A_571 = vector.broadcast %reduce_sum3A_570 : i1 to vector<16xi1>
      %reduce_sum3A_572 = tpu.scan <sum>, %add3A_566 masked %reduce_sum3A_571 : vector<16xf32>, vector<16xi1> -> vector<16xf32>
      %reduce_sum3A_573 = vector.extract %reduce_sum3A_572[15] : f32 from vector<16xf32>
      %broadcast_in_dim3A_574 = vector.broadcast %reduce_sum3A_573 : f32 to vector<16xf32>
      %select_n3A_575 = arith.select %eq3A_569, %broadcast_in_dim3A_574, %select_n3A_508 : vector<16xi1>, vector<16xf32>
      %mul3A_576 = arith.constant 16 : i32
      %mul3A_577 = arith.muli %scan3A_244, %mul3A_576 : i32
      %add3A_578 = arith.constant 5 : i32
      %add3A_579 = arith.addi %mul3A_577, %add3A_578 : i32
      %broadcast_in_dim3A_580 = arith.constant 0.000000e+00 : f32
      %broadcast_in_dim3A_581 = vector.broadcast %broadcast_in_dim3A_580 : f32 to vector<16xf32>
      %get3A_582 = arith.index_cast %add3A_579 : i32 to index
      %get3A_583 = arith.constant 0 : index
      %get3A_584 = tpu.vector_load %arg11[%get3A_582, %get3A_583] {strides = array<i32>} : memref<512x64xf32, #tpu.memory_space<vmem>>, vector<16xf32>,
      %get3A_585 = arith.index_cast %add3A_579 : i32 to index
      %get3A_586 = arith.constant 0 : index
      %get3A_587 = tpu.vector_load %arg12[%get3A_585, %get3A_586] {strides = array<i32>} : memref<512x64xf32, #tpu.memory_space<vmem>>, vector<16xf32>,
      %add3A_588 = arith.addf %get3A_584, %get3A_587 : vector<16xf32>
      %get3A_589 = arith.index_cast %add3A_579 : i32 to index
      %get3A_590 = arith.constant 0 : index
      %get3A_591 = tpu.vector_load %arg13[%get3A_589, %get3A_590] {strides = array<i32>} : memref<512x64xf32, #tpu.memory_space<vmem>>, vector<16xf32>,
      %sub3A_592 = arith.subf %add3A_588, %get3A_591 : vector<16xf32>
      %mul3A_593 = arith.mulf %sub3A_592, %sub3A_592 : vector<16xf32>
      %add3A_594 = arith.addf %broadcast_in_dim3A_581, %mul3A_593 : vector<16xf32>
      %get3A_595 = arith.index_cast %add3A_579 : i32 to index
      %get3A_596 = arith.constant 16 : index
      %get3A_597 = tpu.vector_load %arg11[%get3A_595, %get3A_596] {strides = array<i32>} : memref<512x64xf32, #tpu.memory_space<vmem>>, vector<16xf32>,
      %get3A_598 = arith.index_cast %add3A_579 : i32 to index
      %get3A_599 = arith.constant 16 : index
      %get3A_600 = tpu.vector_load %arg12[%get3A_598, %get3A_599] {strides = array<i32>} : memref<512x64xf32, #tpu.memory_space<vmem>>, vector<16xf32>,
      %add3A_601 = arith.addf %get3A_597, %get3A_600 : vector<16xf32>
      %get3A_602 = arith.index_cast %add3A_579 : i32 to index
      %get3A_603 = arith.constant 16 : index
      %get3A_604 = tpu.vector_load %arg13[%get3A_602, %get3A_603] {strides = array<i32>} : memref<512x64xf32, #tpu.memory_space<vmem>>, vector<16xf32>,
      %sub3A_605 = arith.subf %add3A_601, %get3A_604 : vector<16xf32>
      %mul3A_606 = arith.mulf %sub3A_605, %sub3A_605 : vector<16xf32>
      %add3A_607 = arith.addf %add3A_594, %mul3A_606 : vector<16xf32>
      %get3A_608 = arith.index_cast %add3A_579 : i32 to index
      %get3A_609 = arith.constant 32 : index
      %get3A_610 = tpu.vector_load %arg11[%get3A_608, %get3A_609] {strides = array<i32>} : memref<512x64xf32, #tpu.memory_space<vmem>>, vector<16xf32>,
      %get3A_611 = arith.index_cast %add3A_579 : i32 to index
      %get3A_612 = arith.constant 32 : index
      %get3A_613 = tpu.vector_load %arg12[%get3A_611, %get3A_612] {strides = array<i32>} : memref<512x64xf32, #tpu.memory_space<vmem>>, vector<16xf32>,
      %add3A_614 = arith.addf %get3A_610, %get3A_613 : vector<16xf32>
      %get3A_615 = arith.index_cast %add3A_579 : i32 to index
      %get3A_616 = arith.constant 32 : index
      %get3A_617 = tpu.vector_load %arg13[%get3A_615, %get3A_616] {strides = array<i32>} : memref<512x64xf32, #tpu.memory_space<vmem>>, vector<16xf32>,
      %sub3A_618 = arith.subf %add3A_614, %get3A_617 : vector<16xf32>
      %mul3A_619 = arith.mulf %sub3A_618, %sub3A_618 : vector<16xf32>
      %add3A_620 = arith.addf %add3A_607, %mul3A_619 : vector<16xf32>
      %get3A_621 = arith.index_cast %add3A_579 : i32 to index
      %get3A_622 = arith.constant 48 : index
      %get3A_623 = tpu.vector_load %arg11[%get3A_621, %get3A_622] {strides = array<i32>} : memref<512x64xf32, #tpu.memory_space<vmem>>, vector<16xf32>,
      %get3A_624 = arith.index_cast %add3A_579 : i32 to index
      %get3A_625 = arith.constant 48 : index
      %get3A_626 = tpu.vector_load %arg12[%get3A_624, %get3A_625] {strides = array<i32>} : memref<512x64xf32, #tpu.memory_space<vmem>>, vector<16xf32>,
      %add3A_627 = arith.addf %get3A_623, %get3A_626 : vector<16xf32>
      %get3A_628 = arith.index_cast %add3A_579 : i32 to index
      %get3A_629 = arith.constant 48 : index
      %get3A_630 = tpu.vector_load %arg13[%get3A_628, %get3A_629] {strides = array<i32>} : memref<512x64xf32, #tpu.memory_space<vmem>>, vector<16xf32>,
      %sub3A_631 = arith.subf %add3A_627, %get3A_630 : vector<16xf32>
      %mul3A_632 = arith.mulf %sub3A_631, %sub3A_631 : vector<16xf32>
      %add3A_633 = arith.addf %add3A_620, %mul3A_632 : vector<16xf32>
      %eq3A_634 = arith.constant 5 : i32
      %eq3A_635 = vector.broadcast %eq3A_634 : i32 to vector<16xi32>
      %eq3A_636 = arith.cmpi eq, %iota3A, %eq3A_635 : vector<16xi32>
      %reduce_sum3A_637 = arith.constant true
      %reduce_sum3A_638 = vector.broadcast %reduce_sum3A_637 : i1 to vector<16xi1>
      %reduce_sum3A_639 = tpu.scan <sum>, %add3A_633 masked %reduce_sum3A_638 : vector<16xf32>, vector<16xi1> -> vector<16xf32>
      %reduce_sum3A_640 = vector.extract %reduce_sum3A_639[15] : f32 from vector<16xf32>
      %broadcast_in_dim3A_641 = vector.broadcast %reduce_sum3A_640 : f32 to vector<16xf32>
      %select_n3A_642 = arith.select %eq3A_636, %broadcast_in_dim3A_641, %select_n3A_575 : vector<16xi1>, vector<16xf32>
      %mul3A_643 = arith.constant 16 : i32
      %mul3A_644 = arith.muli %scan3A_244, %mul3A_643 : i32
      %add3A_645 = arith.constant 6 : i32
      %add3A_646 = arith.addi %mul3A_644, %add3A_645 : i32
      %broadcast_in_dim3A_647 = arith.constant 0.000000e+00 : f32
      %broadcast_in_dim3A_648 = vector.broadcast %broadcast_in_dim3A_647 : f32 to vector<16xf32>
      %get3A_649 = arith.index_cast %add3A_646 : i32 to index
      %get3A_650 = arith.constant 0 : index
      %get3A_651 = tpu.vector_load %arg11[%get3A_649, %get3A_650] {strides = array<i32>} : memref<512x64xf32, #tpu.memory_space<vmem>>, vector<16xf32>,
      %get3A_652 = arith.index_cast %add3A_646 : i32 to index
      %get3A_653 = arith.constant 0 : index
      %get3A_654 = tpu.vector_load %arg12[%get3A_652, %get3A_653] {strides = array<i32>} : memref<512x64xf32, #tpu.memory_space<vmem>>, vector<16xf32>,
      %add3A_655 = arith.addf %get3A_651, %get3A_654 : vector<16xf32>
      %get3A_656 = arith.index_cast %add3A_646 : i32 to index
      %get3A_657 = arith.constant 0 : index
      %get3A_658 = tpu.vector_load %arg13[%get3A_656, %get3A_657] {strides = array<i32>} : memref<512x64xf32, #tpu.memory_space<vmem>>, vector<16xf32>,
      %sub3A_659 = arith.subf %add3A_655, %get3A_658 : vector<16xf32>
      %mul3A_660 = arith.mulf %sub3A_659, %sub3A_659 : vector<16xf32>
      %add3A_661 = arith.addf %broadcast_in_dim3A_648, %mul3A_660 : vector<16xf32>
      %get3A_662 = arith.index_cast %add3A_646 : i32 to index
      %get3A_663 = arith.constant 16 : index
      %get3A_664 = tpu.vector_load %arg11[%get3A_662, %get3A_663] {strides = array<i32>} : memref<512x64xf32, #tpu.memory_space<vmem>>, vector<16xf32>,
      %get3A_665 = arith.index_cast %add3A_646 : i32 to index
      %get3A_666 = arith.constant 16 : index
      %get3A_667 = tpu.vector_load %arg12[%get3A_665, %get3A_666] {strides = array<i32>} : memref<512x64xf32, #tpu.memory_space<vmem>>, vector<16xf32>,
      %add3A_668 = arith.addf %get3A_664, %get3A_667 : vector<16xf32>
      %get3A_669 = arith.index_cast %add3A_646 : i32 to index
      %get3A_670 = arith.constant 16 : index
      %get3A_671 = tpu.vector_load %arg13[%get3A_669, %get3A_670] {strides = array<i32>} : memref<512x64xf32, #tpu.memory_space<vmem>>, vector<16xf32>,
      %sub3A_672 = arith.subf %add3A_668, %get3A_671 : vector<16xf32>
      %mul3A_673 = arith.mulf %sub3A_672, %sub3A_672 : vector<16xf32>
      %add3A_674 = arith.addf %add3A_661, %mul3A_673 : vector<16xf32>
      %get3A_675 = arith.index_cast %add3A_646 : i32 to index
      %get3A_676 = arith.constant 32 : index
      %get3A_677 = tpu.vector_load %arg11[%get3A_675, %get3A_676] {strides = array<i32>} : memref<512x64xf32, #tpu.memory_space<vmem>>, vector<16xf32>,
      %get3A_678 = arith.index_cast %add3A_646 : i32 to index
      %get3A_679 = arith.constant 32 : index
      %get3A_680 = tpu.vector_load %arg12[%get3A_678, %get3A_679] {strides = array<i32>} : memref<512x64xf32, #tpu.memory_space<vmem>>, vector<16xf32>,
      %add3A_681 = arith.addf %get3A_677, %get3A_680 : vector<16xf32>
      %get3A_682 = arith.index_cast %add3A_646 : i32 to index
      %get3A_683 = arith.constant 32 : index
      %get3A_684 = tpu.vector_load %arg13[%get3A_682, %get3A_683] {strides = array<i32>} : memref<512x64xf32, #tpu.memory_space<vmem>>, vector<16xf32>,
      %sub3A_685 = arith.subf %add3A_681, %get3A_684 : vector<16xf32>
      %mul3A_686 = arith.mulf %sub3A_685, %sub3A_685 : vector<16xf32>
      %add3A_687 = arith.addf %add3A_674, %mul3A_686 : vector<16xf32>
      %get3A_688 = arith.index_cast %add3A_646 : i32 to index
      %get3A_689 = arith.constant 48 : index
      %get3A_690 = tpu.vector_load %arg11[%get3A_688, %get3A_689] {strides = array<i32>} : memref<512x64xf32, #tpu.memory_space<vmem>>, vector<16xf32>,
      %get3A_691 = arith.index_cast %add3A_646 : i32 to index
      %get3A_692 = arith.constant 48 : index
      %get3A_693 = tpu.vector_load %arg12[%get3A_691, %get3A_692] {strides = array<i32>} : memref<512x64xf32, #tpu.memory_space<vmem>>, vector<16xf32>,
      %add3A_694 = arith.addf %get3A_690, %get3A_693 : vector<16xf32>
      %get3A_695 = arith.index_cast %add3A_646 : i32 to index
      %get3A_696 = arith.constant 48 : index
      %get3A_697 = tpu.vector_load %arg13[%get3A_695, %get3A_696] {strides = array<i32>} : memref<512x64xf32, #tpu.memory_space<vmem>>, vector<16xf32>,
      %sub3A_698 = arith.subf %add3A_694, %get3A_697 : vector<16xf32>
      %mul3A_699 = arith.mulf %sub3A_698, %sub3A_698 : vector<16xf32>
      %add3A_700 = arith.addf %add3A_687, %mul3A_699 : vector<16xf32>
      %eq3A_701 = arith.constant 6 : i32
      %eq3A_702 = vector.broadcast %eq3A_701 : i32 to vector<16xi32>
      %eq3A_703 = arith.cmpi eq, %iota3A, %eq3A_702 : vector<16xi32>
      %reduce_sum3A_704 = arith.constant true
      %reduce_sum3A_705 = vector.broadcast %reduce_sum3A_704 : i1 to vector<16xi1>
      %reduce_sum3A_706 = tpu.scan <sum>, %add3A_700 masked %reduce_sum3A_705 : vector<16xf32>, vector<16xi1> -> vector<16xf32>
      %reduce_sum3A_707 = vector.extract %reduce_sum3A_706[15] : f32 from vector<16xf32>
      %broadcast_in_dim3A_708 = vector.broadcast %reduce_sum3A_707 : f32 to vector<16xf32>
      %select_n3A_709 = arith.select %eq3A_703, %broadcast_in_dim3A_708, %select_n3A_642 : vector<16xi1>, vector<16xf32>
      %mul3A_710 = arith.constant 16 : i32
      %mul3A_711 = arith.muli %scan3A_244, %mul3A_710 : i32
      %add3A_712 = arith.constant 7 : i32
      %add3A_713 = arith.addi %mul3A_711, %add3A_712 : i32
      %broadcast_in_dim3A_714 = arith.constant 0.000000e+00 : f32
      %broadcast_in_dim3A_715 = vector.broadcast %broadcast_in_dim3A_714 : f32 to vector<16xf32>
      %get3A_716 = arith.index_cast %add3A_713 : i32 to index
      %get3A_717 = arith.constant 0 : index
      %get3A_718 = tpu.vector_load %arg11[%get3A_716, %get3A_717] {strides = array<i32>} : memref<512x64xf32, #tpu.memory_space<vmem>>, vector<16xf32>,
      %get3A_719 = arith.index_cast %add3A_713 : i32 to index
      %get3A_720 = arith.constant 0 : index
      %get3A_721 = tpu.vector_load %arg12[%get3A_719, %get3A_720] {strides = array<i32>} : memref<512x64xf32, #tpu.memory_space<vmem>>, vector<16xf32>,
      %add3A_722 = arith.addf %get3A_718, %get3A_721 : vector<16xf32>
      %get3A_723 = arith.index_cast %add3A_713 : i32 to index
      %get3A_724 = arith.constant 0 : index
      %get3A_725 = tpu.vector_load %arg13[%get3A_723, %get3A_724] {strides = array<i32>} : memref<512x64xf32, #tpu.memory_space<vmem>>, vector<16xf32>,
      %sub3A_726 = arith.subf %add3A_722, %get3A_725 : vector<16xf32>
      %mul3A_727 = arith.mulf %sub3A_726, %sub3A_726 : vector<16xf32>
      %add3A_728 = arith.addf %broadcast_in_dim3A_715, %mul3A_727 : vector<16xf32>
      %get3A_729 = arith.index_cast %add3A_713 : i32 to index
      %get3A_730 = arith.constant 16 : index
      %get3A_731 = tpu.vector_load %arg11[%get3A_729, %get3A_730] {strides = array<i32>} : memref<512x64xf32, #tpu.memory_space<vmem>>, vector<16xf32>,
      %get3A_732 = arith.index_cast %add3A_713 : i32 to index
      %get3A_733 = arith.constant 16 : index
      %get3A_734 = tpu.vector_load %arg12[%get3A_732, %get3A_733] {strides = array<i32>} : memref<512x64xf32, #tpu.memory_space<vmem>>, vector<16xf32>,
      %add3A_735 = arith.addf %get3A_731, %get3A_734 : vector<16xf32>
      %get3A_736 = arith.index_cast %add3A_713 : i32 to index
      %get3A_737 = arith.constant 16 : index
      %get3A_738 = tpu.vector_load %arg13[%get3A_736, %get3A_737] {strides = array<i32>} : memref<512x64xf32, #tpu.memory_space<vmem>>, vector<16xf32>,
      %sub3A_739 = arith.subf %add3A_735, %get3A_738 : vector<16xf32>
      %mul3A_740 = arith.mulf %sub3A_739, %sub3A_739 : vector<16xf32>
      %add3A_741 = arith.addf %add3A_728, %mul3A_740 : vector<16xf32>
      %get3A_742 = arith.index_cast %add3A_713 : i32 to index
      %get3A_743 = arith.constant 32 : index
      %get3A_744 = tpu.vector_load %arg11[%get3A_742, %get3A_743] {strides = array<i32>} : memref<512x64xf32, #tpu.memory_space<vmem>>, vector<16xf32>,
      %get3A_745 = arith.index_cast %add3A_713 : i32 to index
      %get3A_746 = arith.constant 32 : index
      %get3A_747 = tpu.vector_load %arg12[%get3A_745, %get3A_746] {strides = array<i32>} : memref<512x64xf32, #tpu.memory_space<vmem>>, vector<16xf32>,
      %add3A_748 = arith.addf %get3A_744, %get3A_747 : vector<16xf32>
      %get3A_749 = arith.index_cast %add3A_713 : i32 to index
      %get3A_750 = arith.constant 32 : index
      %get3A_751 = tpu.vector_load %arg13[%get3A_749, %get3A_750] {strides = array<i32>} : memref<512x64xf32, #tpu.memory_space<vmem>>, vector<16xf32>,
      %sub3A_752 = arith.subf %add3A_748, %get3A_751 : vector<16xf32>
      %mul3A_753 = arith.mulf %sub3A_752, %sub3A_752 : vector<16xf32>
      %add3A_754 = arith.addf %add3A_741, %mul3A_753 : vector<16xf32>
      %get3A_755 = arith.index_cast %add3A_713 : i32 to index
      %get3A_756 = arith.constant 48 : index
      %get3A_757 = tpu.vector_load %arg11[%get3A_755, %get3A_756] {strides = array<i32>} : memref<512x64xf32, #tpu.memory_space<vmem>>, vector<16xf32>,
      %get3A_758 = arith.index_cast %add3A_713 : i32 to index
      %get3A_759 = arith.constant 48 : index
      %get3A_760 = tpu.vector_load %arg12[%get3A_758, %get3A_759] {strides = array<i32>} : memref<512x64xf32, #tpu.memory_space<vmem>>, vector<16xf32>,
      %add3A_761 = arith.addf %get3A_757, %get3A_760 : vector<16xf32>
      %get3A_762 = arith.index_cast %add3A_713 : i32 to index
      %get3A_763 = arith.constant 48 : index
      %get3A_764 = tpu.vector_load %arg13[%get3A_762, %get3A_763] {strides = array<i32>} : memref<512x64xf32, #tpu.memory_space<vmem>>, vector<16xf32>,
      %sub3A_765 = arith.subf %add3A_761, %get3A_764 : vector<16xf32>
      %mul3A_766 = arith.mulf %sub3A_765, %sub3A_765 : vector<16xf32>
      %add3A_767 = arith.addf %add3A_754, %mul3A_766 : vector<16xf32>
      %eq3A_768 = arith.constant 7 : i32
      %eq3A_769 = vector.broadcast %eq3A_768 : i32 to vector<16xi32>
      %eq3A_770 = arith.cmpi eq, %iota3A, %eq3A_769 : vector<16xi32>
      %reduce_sum3A_771 = arith.constant true
      %reduce_sum3A_772 = vector.broadcast %reduce_sum3A_771 : i1 to vector<16xi1>
      %reduce_sum3A_773 = tpu.scan <sum>, %add3A_767 masked %reduce_sum3A_772 : vector<16xf32>, vector<16xi1> -> vector<16xf32>
      %reduce_sum3A_774 = vector.extract %reduce_sum3A_773[15] : f32 from vector<16xf32>
      %broadcast_in_dim3A_775 = vector.broadcast %reduce_sum3A_774 : f32 to vector<16xf32>
      %select_n3A_776 = arith.select %eq3A_770, %broadcast_in_dim3A_775, %select_n3A_709 : vector<16xi1>, vector<16xf32>
      %mul3A_777 = arith.constant 16 : i32
      %mul3A_778 = arith.muli %scan3A_244, %mul3A_777 : i32
      %add3A_779 = arith.constant 8 : i32
      %add3A_780 = arith.addi %mul3A_778, %add3A_779 : i32
      %broadcast_in_dim3A_781 = arith.constant 0.000000e+00 : f32
      %broadcast_in_dim3A_782 = vector.broadcast %broadcast_in_dim3A_781 : f32 to vector<16xf32>
      %get3A_783 = arith.index_cast %add3A_780 : i32 to index
      %get3A_784 = arith.constant 0 : index
      %get3A_785 = tpu.vector_load %arg11[%get3A_783, %get3A_784] {strides = array<i32>} : memref<512x64xf32, #tpu.memory_space<vmem>>, vector<16xf32>,
      %get3A_786 = arith.index_cast %add3A_780 : i32 to index
      %get3A_787 = arith.constant 0 : index
      %get3A_788 = tpu.vector_load %arg12[%get3A_786, %get3A_787] {strides = array<i32>} : memref<512x64xf32, #tpu.memory_space<vmem>>, vector<16xf32>,
      %add3A_789 = arith.addf %get3A_785, %get3A_788 : vector<16xf32>
      %get3A_790 = arith.index_cast %add3A_780 : i32 to index
      %get3A_791 = arith.constant 0 : index
      %get3A_792 = tpu.vector_load %arg13[%get3A_790, %get3A_791] {strides = array<i32>} : memref<512x64xf32, #tpu.memory_space<vmem>>, vector<16xf32>,
      %sub3A_793 = arith.subf %add3A_789, %get3A_792 : vector<16xf32>
      %mul3A_794 = arith.mulf %sub3A_793, %sub3A_793 : vector<16xf32>
      %add3A_795 = arith.addf %broadcast_in_dim3A_782, %mul3A_794 : vector<16xf32>
      %get3A_796 = arith.index_cast %add3A_780 : i32 to index
      %get3A_797 = arith.constant 16 : index
      %get3A_798 = tpu.vector_load %arg11[%get3A_796, %get3A_797] {strides = array<i32>} : memref<512x64xf32, #tpu.memory_space<vmem>>, vector<16xf32>,
      %get3A_799 = arith.index_cast %add3A_780 : i32 to index
      %get3A_800 = arith.constant 16 : index
      %get3A_801 = tpu.vector_load %arg12[%get3A_799, %get3A_800] {strides = array<i32>} : memref<512x64xf32, #tpu.memory_space<vmem>>, vector<16xf32>,
      %add3A_802 = arith.addf %get3A_798, %get3A_801 : vector<16xf32>
      %get3A_803 = arith.index_cast %add3A_780 : i32 to index
      %get3A_804 = arith.constant 16 : index
      %get3A_805 = tpu.vector_load %arg13[%get3A_803, %get3A_804] {strides = array<i32>} : memref<512x64xf32, #tpu.memory_space<vmem>>, vector<16xf32>,
      %sub3A_806 = arith.subf %add3A_802, %get3A_805 : vector<16xf32>
      %mul3A_807 = arith.mulf %sub3A_806, %sub3A_806 : vector<16xf32>
      %add3A_808 = arith.addf %add3A_795, %mul3A_807 : vector<16xf32>
      %get3A_809 = arith.index_cast %add3A_780 : i32 to index
      %get3A_810 = arith.constant 32 : index
      %get3A_811 = tpu.vector_load %arg11[%get3A_809, %get3A_810] {strides = array<i32>} : memref<512x64xf32, #tpu.memory_space<vmem>>, vector<16xf32>,
      %get3A_812 = arith.index_cast %add3A_780 : i32 to index
      %get3A_813 = arith.constant 32 : index
      %get3A_814 = tpu.vector_load %arg12[%get3A_812, %get3A_813] {strides = array<i32>} : memref<512x64xf32, #tpu.memory_space<vmem>>, vector<16xf32>,
      %add3A_815 = arith.addf %get3A_811, %get3A_814 : vector<16xf32>
      %get3A_816 = arith.index_cast %add3A_780 : i32 to index
      %get3A_817 = arith.constant 32 : index
      %get3A_818 = tpu.vector_load %arg13[%get3A_816, %get3A_817] {strides = array<i32>} : memref<512x64xf32, #tpu.memory_space<vmem>>, vector<16xf32>,
      %sub3A_819 = arith.subf %add3A_815, %get3A_818 : vector<16xf32>
      %mul3A_820 = arith.mulf %sub3A_819, %sub3A_819 : vector<16xf32>
      %add3A_821 = arith.addf %add3A_808, %mul3A_820 : vector<16xf32>
      %get3A_822 = arith.index_cast %add3A_780 : i32 to index
      %get3A_823 = arith.constant 48 : index
      %get3A_824 = tpu.vector_load %arg11[%get3A_822, %get3A_823] {strides = array<i32>} : memref<512x64xf32, #tpu.memory_space<vmem>>, vector<16xf32>,
      %get3A_825 = arith.index_cast %add3A_780 : i32 to index
      %get3A_826 = arith.constant 48 : index
      %get3A_827 = tpu.vector_load %arg12[%get3A_825, %get3A_826] {strides = array<i32>} : memref<512x64xf32, #tpu.memory_space<vmem>>, vector<16xf32>,
      %add3A_828 = arith.addf %get3A_824, %get3A_827 : vector<16xf32>
      %get3A_829 = arith.index_cast %add3A_780 : i32 to index
      %get3A_830 = arith.constant 48 : index
      %get3A_831 = tpu.vector_load %arg13[%get3A_829, %get3A_830] {strides = array<i32>} : memref<512x64xf32, #tpu.memory_space<vmem>>, vector<16xf32>,
      %sub3A_832 = arith.subf %add3A_828, %get3A_831 : vector<16xf32>
      %mul3A_833 = arith.mulf %sub3A_832, %sub3A_832 : vector<16xf32>
      %add3A_834 = arith.addf %add3A_821, %mul3A_833 : vector<16xf32>
      %eq3A_835 = arith.constant 8 : i32
      %eq3A_836 = vector.broadcast %eq3A_835 : i32 to vector<16xi32>
      %eq3A_837 = arith.cmpi eq, %iota3A, %eq3A_836 : vector<16xi32>
      %reduce_sum3A_838 = arith.constant true
      %reduce_sum3A_839 = vector.broadcast %reduce_sum3A_838 : i1 to vector<16xi1>
      %reduce_sum3A_840 = tpu.scan <sum>, %add3A_834 masked %reduce_sum3A_839 : vector<16xf32>, vector<16xi1> -> vector<16xf32>
      %reduce_sum3A_841 = vector.extract %reduce_sum3A_840[15] : f32 from vector<16xf32>
      %broadcast_in_dim3A_842 = vector.broadcast %reduce_sum3A_841 : f32 to vector<16xf32>
      %select_n3A_843 = arith.select %eq3A_837, %broadcast_in_dim3A_842, %select_n3A_776 : vector<16xi1>, vector<16xf32>
      %mul3A_844 = arith.constant 16 : i32
      %mul3A_845 = arith.muli %scan3A_244, %mul3A_844 : i32
      %add3A_846 = arith.constant 9 : i32
      %add3A_847 = arith.addi %mul3A_845, %add3A_846 : i32
      %broadcast_in_dim3A_848 = arith.constant 0.000000e+00 : f32
      %broadcast_in_dim3A_849 = vector.broadcast %broadcast_in_dim3A_848 : f32 to vector<16xf32>
      %get3A_850 = arith.index_cast %add3A_847 : i32 to index
      %get3A_851 = arith.constant 0 : index
      %get3A_852 = tpu.vector_load %arg11[%get3A_850, %get3A_851] {strides = array<i32>} : memref<512x64xf32, #tpu.memory_space<vmem>>, vector<16xf32>,
      %get3A_853 = arith.index_cast %add3A_847 : i32 to index
      %get3A_854 = arith.constant 0 : index
      %get3A_855 = tpu.vector_load %arg12[%get3A_853, %get3A_854] {strides = array<i32>} : memref<512x64xf32, #tpu.memory_space<vmem>>, vector<16xf32>,
      %add3A_856 = arith.addf %get3A_852, %get3A_855 : vector<16xf32>
      %get3A_857 = arith.index_cast %add3A_847 : i32 to index
      %get3A_858 = arith.constant 0 : index
      %get3A_859 = tpu.vector_load %arg13[%get3A_857, %get3A_858] {strides = array<i32>} : memref<512x64xf32, #tpu.memory_space<vmem>>, vector<16xf32>,
      %sub3A_860 = arith.subf %add3A_856, %get3A_859 : vector<16xf32>
      %mul3A_861 = arith.mulf %sub3A_860, %sub3A_860 : vector<16xf32>
      %add3A_862 = arith.addf %broadcast_in_dim3A_849, %mul3A_861 : vector<16xf32>
      %get3A_863 = arith.index_cast %add3A_847 : i32 to index
      %get3A_864 = arith.constant 16 : index
      %get3A_865 = tpu.vector_load %arg11[%get3A_863, %get3A_864] {strides = array<i32>} : memref<512x64xf32, #tpu.memory_space<vmem>>, vector<16xf32>,
      %get3A_866 = arith.index_cast %add3A_847 : i32 to index
      %get3A_867 = arith.constant 16 : index
      %get3A_868 = tpu.vector_load %arg12[%get3A_866, %get3A_867] {strides = array<i32>} : memref<512x64xf32, #tpu.memory_space<vmem>>, vector<16xf32>,
      %add3A_869 = arith.addf %get3A_865, %get3A_868 : vector<16xf32>
      %get3A_870 = arith.index_cast %add3A_847 : i32 to index
      %get3A_871 = arith.constant 16 : index
      %get3A_872 = tpu.vector_load %arg13[%get3A_870, %get3A_871] {strides = array<i32>} : memref<512x64xf32, #tpu.memory_space<vmem>>, vector<16xf32>,
      %sub3A_873 = arith.subf %add3A_869, %get3A_872 : vector<16xf32>
      %mul3A_874 = arith.mulf %sub3A_873, %sub3A_873 : vector<16xf32>
      %add3A_875 = arith.addf %add3A_862, %mul3A_874 : vector<16xf32>
      %get3A_876 = arith.index_cast %add3A_847 : i32 to index
      %get3A_877 = arith.constant 32 : index
      %get3A_878 = tpu.vector_load %arg11[%get3A_876, %get3A_877] {strides = array<i32>} : memref<512x64xf32, #tpu.memory_space<vmem>>, vector<16xf32>,
      %get3A_879 = arith.index_cast %add3A_847 : i32 to index
      %get3A_880 = arith.constant 32 : index
      %get3A_881 = tpu.vector_load %arg12[%get3A_879, %get3A_880] {strides = array<i32>} : memref<512x64xf32, #tpu.memory_space<vmem>>, vector<16xf32>,
      %add3A_882 = arith.addf %get3A_878, %get3A_881 : vector<16xf32>
      %get3A_883 = arith.index_cast %add3A_847 : i32 to index
      %get3A_884 = arith.constant 32 : index
      %get3A_885 = tpu.vector_load %arg13[%get3A_883, %get3A_884] {strides = array<i32>} : memref<512x64xf32, #tpu.memory_space<vmem>>, vector<16xf32>,
      %sub3A_886 = arith.subf %add3A_882, %get3A_885 : vector<16xf32>
      %mul3A_887 = arith.mulf %sub3A_886, %sub3A_886 : vector<16xf32>
      %add3A_888 = arith.addf %add3A_875, %mul3A_887 : vector<16xf32>
      %get3A_889 = arith.index_cast %add3A_847 : i32 to index
      %get3A_890 = arith.constant 48 : index
      %get3A_891 = tpu.vector_load %arg11[%get3A_889, %get3A_890] {strides = array<i32>} : memref<512x64xf32, #tpu.memory_space<vmem>>, vector<16xf32>,
      %get3A_892 = arith.index_cast %add3A_847 : i32 to index
      %get3A_893 = arith.constant 48 : index
      %get3A_894 = tpu.vector_load %arg12[%get3A_892, %get3A_893] {strides = array<i32>} : memref<512x64xf32, #tpu.memory_space<vmem>>, vector<16xf32>,
      %add3A_895 = arith.addf %get3A_891, %get3A_894 : vector<16xf32>
      %get3A_896 = arith.index_cast %add3A_847 : i32 to index
      %get3A_897 = arith.constant 48 : index
      %get3A_898 = tpu.vector_load %arg13[%get3A_896, %get3A_897] {strides = array<i32>} : memref<512x64xf32, #tpu.memory_space<vmem>>, vector<16xf32>,
      %sub3A_899 = arith.subf %add3A_895, %get3A_898 : vector<16xf32>
      %mul3A_900 = arith.mulf %sub3A_899, %sub3A_899 : vector<16xf32>
      %add3A_901 = arith.addf %add3A_888, %mul3A_900 : vector<16xf32>
      %eq3A_902 = arith.constant 9 : i32
      %eq3A_903 = vector.broadcast %eq3A_902 : i32 to vector<16xi32>
      %eq3A_904 = arith.cmpi eq, %iota3A, %eq3A_903 : vector<16xi32>
      %reduce_sum3A_905 = arith.constant true
      %reduce_sum3A_906 = vector.broadcast %reduce_sum3A_905 : i1 to vector<16xi1>
      %reduce_sum3A_907 = tpu.scan <sum>, %add3A_901 masked %reduce_sum3A_906 : vector<16xf32>, vector<16xi1> -> vector<16xf32>
      %reduce_sum3A_908 = vector.extract %reduce_sum3A_907[15] : f32 from vector<16xf32>
      %broadcast_in_dim3A_909 = vector.broadcast %reduce_sum3A_908 : f32 to vector<16xf32>
      %select_n3A_910 = arith.select %eq3A_904, %broadcast_in_dim3A_909, %select_n3A_843 : vector<16xi1>, vector<16xf32>
      %mul3A_911 = arith.constant 16 : i32
      %mul3A_912 = arith.muli %scan3A_244, %mul3A_911 : i32
      %add3A_913 = arith.constant 10 : i32
      %add3A_914 = arith.addi %mul3A_912, %add3A_913 : i32
      %broadcast_in_dim3A_915 = arith.constant 0.000000e+00 : f32
      %broadcast_in_dim3A_916 = vector.broadcast %broadcast_in_dim3A_915 : f32 to vector<16xf32>
      %get3A_917 = arith.index_cast %add3A_914 : i32 to index
      %get3A_918 = arith.constant 0 : index
      %get3A_919 = tpu.vector_load %arg11[%get3A_917, %get3A_918] {strides = array<i32>} : memref<512x64xf32, #tpu.memory_space<vmem>>, vector<16xf32>,
      %get3A_920 = arith.index_cast %add3A_914 : i32 to index
      %get3A_921 = arith.constant 0 : index
      %get3A_922 = tpu.vector_load %arg12[%get3A_920, %get3A_921] {strides = array<i32>} : memref<512x64xf32, #tpu.memory_space<vmem>>, vector<16xf32>,
      %add3A_923 = arith.addf %get3A_919, %get3A_922 : vector<16xf32>
      %get3A_924 = arith.index_cast %add3A_914 : i32 to index
      %get3A_925 = arith.constant 0 : index
      %get3A_926 = tpu.vector_load %arg13[%get3A_924, %get3A_925] {strides = array<i32>} : memref<512x64xf32, #tpu.memory_space<vmem>>, vector<16xf32>,
      %sub3A_927 = arith.subf %add3A_923, %get3A_926 : vector<16xf32>
      %mul3A_928 = arith.mulf %sub3A_927, %sub3A_927 : vector<16xf32>
      %add3A_929 = arith.addf %broadcast_in_dim3A_916, %mul3A_928 : vector<16xf32>
      %get3A_930 = arith.index_cast %add3A_914 : i32 to index
      %get3A_931 = arith.constant 16 : index
      %get3A_932 = tpu.vector_load %arg11[%get3A_930, %get3A_931] {strides = array<i32>} : memref<512x64xf32, #tpu.memory_space<vmem>>, vector<16xf32>,
      %get3A_933 = arith.index_cast %add3A_914 : i32 to index
      %get3A_934 = arith.constant 16 : index
      %get3A_935 = tpu.vector_load %arg12[%get3A_933, %get3A_934] {strides = array<i32>} : memref<512x64xf32, #tpu.memory_space<vmem>>, vector<16xf32>,
      %add3A_936 = arith.addf %get3A_932, %get3A_935 : vector<16xf32>
      %get3A_937 = arith.index_cast %add3A_914 : i32 to index
      %get3A_938 = arith.constant 16 : index
      %get3A_939 = tpu.vector_load %arg13[%get3A_937, %get3A_938] {strides = array<i32>} : memref<512x64xf32, #tpu.memory_space<vmem>>, vector<16xf32>,
      %sub3A_940 = arith.subf %add3A_936, %get3A_939 : vector<16xf32>
      %mul3A_941 = arith.mulf %sub3A_940, %sub3A_940 : vector<16xf32>
      %add3A_942 = arith.addf %add3A_929, %mul3A_941 : vector<16xf32>
      %get3A_943 = arith.index_cast %add3A_914 : i32 to index
      %get3A_944 = arith.constant 32 : index
      %get3A_945 = tpu.vector_load %arg11[%get3A_943, %get3A_944] {strides = array<i32>} : memref<512x64xf32, #tpu.memory_space<vmem>>, vector<16xf32>,
      %get3A_946 = arith.index_cast %add3A_914 : i32 to index
      %get3A_947 = arith.constant 32 : index
      %get3A_948 = tpu.vector_load %arg12[%get3A_946, %get3A_947] {strides = array<i32>} : memref<512x64xf32, #tpu.memory_space<vmem>>, vector<16xf32>,
      %add3A_949 = arith.addf %get3A_945, %get3A_948 : vector<16xf32>
      %get3A_950 = arith.index_cast %add3A_914 : i32 to index
      %get3A_951 = arith.constant 32 : index
      %get3A_952 = tpu.vector_load %arg13[%get3A_950, %get3A_951] {strides = array<i32>} : memref<512x64xf32, #tpu.memory_space<vmem>>, vector<16xf32>,
      %sub3A_953 = arith.subf %add3A_949, %get3A_952 : vector<16xf32>
      %mul3A_954 = arith.mulf %sub3A_953, %sub3A_953 : vector<16xf32>
      %add3A_955 = arith.addf %add3A_942, %mul3A_954 : vector<16xf32>
      %get3A_956 = arith.index_cast %add3A_914 : i32 to index
      %get3A_957 = arith.constant 48 : index
      %get3A_958 = tpu.vector_load %arg11[%get3A_956, %get3A_957] {strides = array<i32>} : memref<512x64xf32, #tpu.memory_space<vmem>>, vector<16xf32>,
      %get3A_959 = arith.index_cast %add3A_914 : i32 to index
      %get3A_960 = arith.constant 48 : index
      %get3A_961 = tpu.vector_load %arg12[%get3A_959, %get3A_960] {strides = array<i32>} : memref<512x64xf32, #tpu.memory_space<vmem>>, vector<16xf32>,
      %add3A_962 = arith.addf %get3A_958, %get3A_961 : vector<16xf32>
      %get3A_963 = arith.index_cast %add3A_914 : i32 to index
      %get3A_964 = arith.constant 48 : index
      %get3A_965 = tpu.vector_load %arg13[%get3A_963, %get3A_964] {strides = array<i32>} : memref<512x64xf32, #tpu.memory_space<vmem>>, vector<16xf32>,
      %sub3A_966 = arith.subf %add3A_962, %get3A_965 : vector<16xf32>
      %mul3A_967 = arith.mulf %sub3A_966, %sub3A_966 : vector<16xf32>
      %add3A_968 = arith.addf %add3A_955, %mul3A_967 : vector<16xf32>
      %eq3A_969 = arith.constant 10 : i32
      %eq3A_970 = vector.broadcast %eq3A_969 : i32 to vector<16xi32>
      %eq3A_971 = arith.cmpi eq, %iota3A, %eq3A_970 : vector<16xi32>
      %reduce_sum3A_972 = arith.constant true
      %reduce_sum3A_973 = vector.broadcast %reduce_sum3A_972 : i1 to vector<16xi1>
      %reduce_sum3A_974 = tpu.scan <sum>, %add3A_968 masked %reduce_sum3A_973 : vector<16xf32>, vector<16xi1> -> vector<16xf32>
      %reduce_sum3A_975 = vector.extract %reduce_sum3A_974[15] : f32 from vector<16xf32>
      %broadcast_in_dim3A_976 = vector.broadcast %reduce_sum3A_975 : f32 to vector<16xf32>
      %select_n3A_977 = arith.select %eq3A_971, %broadcast_in_dim3A_976, %select_n3A_910 : vector<16xi1>, vector<16xf32>
      %mul3A_978 = arith.constant 16 : i32
      %mul3A_979 = arith.muli %scan3A_244, %mul3A_978 : i32
      %add3A_980 = arith.constant 11 : i32
      %add3A_981 = arith.addi %mul3A_979, %add3A_980 : i32
      %broadcast_in_dim3A_982 = arith.constant 0.000000e+00 : f32
      %broadcast_in_dim3A_983 = vector.broadcast %broadcast_in_dim3A_982 : f32 to vector<16xf32>
      %get3A_984 = arith.index_cast %add3A_981 : i32 to index
      %get3A_985 = arith.constant 0 : index
      %get3A_986 = tpu.vector_load %arg11[%get3A_984, %get3A_985] {strides = array<i32>} : memref<512x64xf32, #tpu.memory_space<vmem>>, vector<16xf32>,
      %get3A_987 = arith.index_cast %add3A_981 : i32 to index
      %get3A_988 = arith.constant 0 : index
      %get3A_989 = tpu.vector_load %arg12[%get3A_987, %get3A_988] {strides = array<i32>} : memref<512x64xf32, #tpu.memory_space<vmem>>, vector<16xf32>,
      %add3A_990 = arith.addf %get3A_986, %get3A_989 : vector<16xf32>
      %get3A_991 = arith.index_cast %add3A_981 : i32 to index
      %get3A_992 = arith.constant 0 : index
      %get3A_993 = tpu.vector_load %arg13[%get3A_991, %get3A_992] {strides = array<i32>} : memref<512x64xf32, #tpu.memory_space<vmem>>, vector<16xf32>,
      %sub3A_994 = arith.subf %add3A_990, %get3A_993 : vector<16xf32>
      %mul3A_995 = arith.mulf %sub3A_994, %sub3A_994 : vector<16xf32>
      %add3A_996 = arith.addf %broadcast_in_dim3A_983, %mul3A_995 : vector<16xf32>
      %get3A_997 = arith.index_cast %add3A_981 : i32 to index
      %get3A_998 = arith.constant 16 : index
      %get3A_999 = tpu.vector_load %arg11[%get3A_997, %get3A_998] {strides = array<i32>} : memref<512x64xf32, #tpu.memory_space<vmem>>, vector<16xf32>,
      %get3A_1000 = arith.index_cast %add3A_981 : i32 to index
      %get3A_1001 = arith.constant 16 : index
      %get3A_1002 = tpu.vector_load %arg12[%get3A_1000, %get3A_1001] {strides = array<i32>} : memref<512x64xf32, #tpu.memory_space<vmem>>, vector<16xf32>,
      %add3A_1003 = arith.addf %get3A_999, %get3A_1002 : vector<16xf32>
      %get3A_1004 = arith.index_cast %add3A_981 : i32 to index
      %get3A_1005 = arith.constant 16 : index
      %get3A_1006 = tpu.vector_load %arg13[%get3A_1004, %get3A_1005] {strides = array<i32>} : memref<512x64xf32, #tpu.memory_space<vmem>>, vector<16xf32>,
      %sub3A_1007 = arith.subf %add3A_1003, %get3A_1006 : vector<16xf32>
      %mul3A_1008 = arith.mulf %sub3A_1007, %sub3A_1007 : vector<16xf32>
      %add3A_1009 = arith.addf %add3A_996, %mul3A_1008 : vector<16xf32>
      %get3A_1010 = arith.index_cast %add3A_981 : i32 to index
      %get3A_1011 = arith.constant 32 : index
      %get3A_1012 = tpu.vector_load %arg11[%get3A_1010, %get3A_1011] {strides = array<i32>} : memref<512x64xf32, #tpu.memory_space<vmem>>, vector<16xf32>,
      %get3A_1013 = arith.index_cast %add3A_981 : i32 to index
      %get3A_1014 = arith.constant 32 : index
      %get3A_1015 = tpu.vector_load %arg12[%get3A_1013, %get3A_1014] {strides = array<i32>} : memref<512x64xf32, #tpu.memory_space<vmem>>, vector<16xf32>,
      %add3A_1016 = arith.addf %get3A_1012, %get3A_1015 : vector<16xf32>
      %get3A_1017 = arith.index_cast %add3A_981 : i32 to index
      %get3A_1018 = arith.constant 32 : index
      %get3A_1019 = tpu.vector_load %arg13[%get3A_1017, %get3A_1018] {strides = array<i32>} : memref<512x64xf32, #tpu.memory_space<vmem>>, vector<16xf32>,
      %sub3A_1020 = arith.subf %add3A_1016, %get3A_1019 : vector<16xf32>
      %mul3A_1021 = arith.mulf %sub3A_1020, %sub3A_1020 : vector<16xf32>
      %add3A_1022 = arith.addf %add3A_1009, %mul3A_1021 : vector<16xf32>
      %get3A_1023 = arith.index_cast %add3A_981 : i32 to index
      %get3A_1024 = arith.constant 48 : index
      %get3A_1025 = tpu.vector_load %arg11[%get3A_1023, %get3A_1024] {strides = array<i32>} : memref<512x64xf32, #tpu.memory_space<vmem>>, vector<16xf32>,
      %get3A_1026 = arith.index_cast %add3A_981 : i32 to index
      %get3A_1027 = arith.constant 48 : index
      %get3A_1028 = tpu.vector_load %arg12[%get3A_1026, %get3A_1027] {strides = array<i32>} : memref<512x64xf32, #tpu.memory_space<vmem>>, vector<16xf32>,
      %add3A_1029 = arith.addf %get3A_1025, %get3A_1028 : vector<16xf32>
      %get3A_1030 = arith.index_cast %add3A_981 : i32 to index
      %get3A_1031 = arith.constant 48 : index
      %get3A_1032 = tpu.vector_load %arg13[%get3A_1030, %get3A_1031] {strides = array<i32>} : memref<512x64xf32, #tpu.memory_space<vmem>>, vector<16xf32>,
      %sub3A_1033 = arith.subf %add3A_1029, %get3A_1032 : vector<16xf32>
      %mul3A_1034 = arith.mulf %sub3A_1033, %sub3A_1033 : vector<16xf32>
      %add3A_1035 = arith.addf %add3A_1022, %mul3A_1034 : vector<16xf32>
      %eq3A_1036 = arith.constant 11 : i32
      %eq3A_1037 = vector.broadcast %eq3A_1036 : i32 to vector<16xi32>
      %eq3A_1038 = arith.cmpi eq, %iota3A, %eq3A_1037 : vector<16xi32>
      %reduce_sum3A_1039 = arith.constant true
      %reduce_sum3A_1040 = vector.broadcast %reduce_sum3A_1039 : i1 to vector<16xi1>
      %reduce_sum3A_1041 = tpu.scan <sum>, %add3A_1035 masked %reduce_sum3A_1040 : vector<16xf32>, vector<16xi1> -> vector<16xf32>
      %reduce_sum3A_1042 = vector.extract %reduce_sum3A_1041[15] : f32 from vector<16xf32>
      %broadcast_in_dim3A_1043 = vector.broadcast %reduce_sum3A_1042 : f32 to vector<16xf32>
      %select_n3A_1044 = arith.select %eq3A_1038, %broadcast_in_dim3A_1043, %select_n3A_977 : vector<16xi1>, vector<16xf32>
      %mul3A_1045 = arith.constant 16 : i32
      %mul3A_1046 = arith.muli %scan3A_244, %mul3A_1045 : i32
      %add3A_1047 = arith.constant 12 : i32
      %add3A_1048 = arith.addi %mul3A_1046, %add3A_1047 : i32
      %broadcast_in_dim3A_1049 = arith.constant 0.000000e+00 : f32
      %broadcast_in_dim3A_1050 = vector.broadcast %broadcast_in_dim3A_1049 : f32 to vector<16xf32>
      %get3A_1051 = arith.index_cast %add3A_1048 : i32 to index
      %get3A_1052 = arith.constant 0 : index
      %get3A_1053 = tpu.vector_load %arg11[%get3A_1051, %get3A_1052] {strides = array<i32>} : memref<512x64xf32, #tpu.memory_space<vmem>>, vector<16xf32>,
      %get3A_1054 = arith.index_cast %add3A_1048 : i32 to index
      %get3A_1055 = arith.constant 0 : index
      %get3A_1056 = tpu.vector_load %arg12[%get3A_1054, %get3A_1055] {strides = array<i32>} : memref<512x64xf32, #tpu.memory_space<vmem>>, vector<16xf32>,
      %add3A_1057 = arith.addf %get3A_1053, %get3A_1056 : vector<16xf32>
      %get3A_1058 = arith.index_cast %add3A_1048 : i32 to index
      %get3A_1059 = arith.constant 0 : index
      %get3A_1060 = tpu.vector_load %arg13[%get3A_1058, %get3A_1059] {strides = array<i32>} : memref<512x64xf32, #tpu.memory_space<vmem>>, vector<16xf32>,
      %sub3A_1061 = arith.subf %add3A_1057, %get3A_1060 : vector<16xf32>
      %mul3A_1062 = arith.mulf %sub3A_1061, %sub3A_1061 : vector<16xf32>
      %add3A_1063 = arith.addf %broadcast_in_dim3A_1050, %mul3A_1062 : vector<16xf32>
      %get3A_1064 = arith.index_cast %add3A_1048 : i32 to index
      %get3A_1065 = arith.constant 16 : index
      %get3A_1066 = tpu.vector_load %arg11[%get3A_1064, %get3A_1065] {strides = array<i32>} : memref<512x64xf32, #tpu.memory_space<vmem>>, vector<16xf32>,
      %get3A_1067 = arith.index_cast %add3A_1048 : i32 to index
      %get3A_1068 = arith.constant 16 : index
      %get3A_1069 = tpu.vector_load %arg12[%get3A_1067, %get3A_1068] {strides = array<i32>} : memref<512x64xf32, #tpu.memory_space<vmem>>, vector<16xf32>,
      %add3A_1070 = arith.addf %get3A_1066, %get3A_1069 : vector<16xf32>
      %get3A_1071 = arith.index_cast %add3A_1048 : i32 to index
      %get3A_1072 = arith.constant 16 : index
      %get3A_1073 = tpu.vector_load %arg13[%get3A_1071, %get3A_1072] {strides = array<i32>} : memref<512x64xf32, #tpu.memory_space<vmem>>, vector<16xf32>,
      %sub3A_1074 = arith.subf %add3A_1070, %get3A_1073 : vector<16xf32>
      %mul3A_1075 = arith.mulf %sub3A_1074, %sub3A_1074 : vector<16xf32>
      %add3A_1076 = arith.addf %add3A_1063, %mul3A_1075 : vector<16xf32>
      %get3A_1077 = arith.index_cast %add3A_1048 : i32 to index
      %get3A_1078 = arith.constant 32 : index
      %get3A_1079 = tpu.vector_load %arg11[%get3A_1077, %get3A_1078] {strides = array<i32>} : memref<512x64xf32, #tpu.memory_space<vmem>>, vector<16xf32>,
      %get3A_1080 = arith.index_cast %add3A_1048 : i32 to index
      %get3A_1081 = arith.constant 32 : index
      %get3A_1082 = tpu.vector_load %arg12[%get3A_1080, %get3A_1081] {strides = array<i32>} : memref<512x64xf32, #tpu.memory_space<vmem>>, vector<16xf32>,
      %add3A_1083 = arith.addf %get3A_1079, %get3A_1082 : vector<16xf32>
      %get3A_1084 = arith.index_cast %add3A_1048 : i32 to index
      %get3A_1085 = arith.constant 32 : index
      %get3A_1086 = tpu.vector_load %arg13[%get3A_1084, %get3A_1085] {strides = array<i32>} : memref<512x64xf32, #tpu.memory_space<vmem>>, vector<16xf32>,
      %sub3A_1087 = arith.subf %add3A_1083, %get3A_1086 : vector<16xf32>
      %mul3A_1088 = arith.mulf %sub3A_1087, %sub3A_1087 : vector<16xf32>
      %add3A_1089 = arith.addf %add3A_1076, %mul3A_1088 : vector<16xf32>
      %get3A_1090 = arith.index_cast %add3A_1048 : i32 to index
      %get3A_1091 = arith.constant 48 : index
      %get3A_1092 = tpu.vector_load %arg11[%get3A_1090, %get3A_1091] {strides = array<i32>} : memref<512x64xf32, #tpu.memory_space<vmem>>, vector<16xf32>,
      %get3A_1093 = arith.index_cast %add3A_1048 : i32 to index
      %get3A_1094 = arith.constant 48 : index
      %get3A_1095 = tpu.vector_load %arg12[%get3A_1093, %get3A_1094] {strides = array<i32>} : memref<512x64xf32, #tpu.memory_space<vmem>>, vector<16xf32>,
      %add3A_1096 = arith.addf %get3A_1092, %get3A_1095 : vector<16xf32>
      %get3A_1097 = arith.index_cast %add3A_1048 : i32 to index
      %get3A_1098 = arith.constant 48 : index
      %get3A_1099 = tpu.vector_load %arg13[%get3A_1097, %get3A_1098] {strides = array<i32>} : memref<512x64xf32, #tpu.memory_space<vmem>>, vector<16xf32>,
      %sub3A_1100 = arith.subf %add3A_1096, %get3A_1099 : vector<16xf32>
      %mul3A_1101 = arith.mulf %sub3A_1100, %sub3A_1100 : vector<16xf32>
      %add3A_1102 = arith.addf %add3A_1089, %mul3A_1101 : vector<16xf32>
      %eq3A_1103 = arith.constant 12 : i32
      %eq3A_1104 = vector.broadcast %eq3A_1103 : i32 to vector<16xi32>
      %eq3A_1105 = arith.cmpi eq, %iota3A, %eq3A_1104 : vector<16xi32>
      %reduce_sum3A_1106 = arith.constant true
      %reduce_sum3A_1107 = vector.broadcast %reduce_sum3A_1106 : i1 to vector<16xi1>
      %reduce_sum3A_1108 = tpu.scan <sum>, %add3A_1102 masked %reduce_sum3A_1107 : vector<16xf32>, vector<16xi1> -> vector<16xf32>
      %reduce_sum3A_1109 = vector.extract %reduce_sum3A_1108[15] : f32 from vector<16xf32>
      %broadcast_in_dim3A_1110 = vector.broadcast %reduce_sum3A_1109 : f32 to vector<16xf32>
      %select_n3A_1111 = arith.select %eq3A_1105, %broadcast_in_dim3A_1110, %select_n3A_1044 : vector<16xi1>, vector<16xf32>
      %mul3A_1112 = arith.constant 16 : i32
      %mul3A_1113 = arith.muli %scan3A_244, %mul3A_1112 : i32
      %add3A_1114 = arith.constant 13 : i32
      %add3A_1115 = arith.addi %mul3A_1113, %add3A_1114 : i32
      %broadcast_in_dim3A_1116 = arith.constant 0.000000e+00 : f32
      %broadcast_in_dim3A_1117 = vector.broadcast %broadcast_in_dim3A_1116 : f32 to vector<16xf32>
      %get3A_1118 = arith.index_cast %add3A_1115 : i32 to index
      %get3A_1119 = arith.constant 0 : index
      %get3A_1120 = tpu.vector_load %arg11[%get3A_1118, %get3A_1119] {strides = array<i32>} : memref<512x64xf32, #tpu.memory_space<vmem>>, vector<16xf32>,
      %get3A_1121 = arith.index_cast %add3A_1115 : i32 to index
      %get3A_1122 = arith.constant 0 : index
      %get3A_1123 = tpu.vector_load %arg12[%get3A_1121, %get3A_1122] {strides = array<i32>} : memref<512x64xf32, #tpu.memory_space<vmem>>, vector<16xf32>,
      %add3A_1124 = arith.addf %get3A_1120, %get3A_1123 : vector<16xf32>
      %get3A_1125 = arith.index_cast %add3A_1115 : i32 to index
      %get3A_1126 = arith.constant 0 : index
      %get3A_1127 = tpu.vector_load %arg13[%get3A_1125, %get3A_1126] {strides = array<i32>} : memref<512x64xf32, #tpu.memory_space<vmem>>, vector<16xf32>,
      %sub3A_1128 = arith.subf %add3A_1124, %get3A_1127 : vector<16xf32>
      %mul3A_1129 = arith.mulf %sub3A_1128, %sub3A_1128 : vector<16xf32>
      %add3A_1130 = arith.addf %broadcast_in_dim3A_1117, %mul3A_1129 : vector<16xf32>
      %get3A_1131 = arith.index_cast %add3A_1115 : i32 to index
      %get3A_1132 = arith.constant 16 : index
      %get3A_1133 = tpu.vector_load %arg11[%get3A_1131, %get3A_1132] {strides = array<i32>} : memref<512x64xf32, #tpu.memory_space<vmem>>, vector<16xf32>,
      %get3A_1134 = arith.index_cast %add3A_1115 : i32 to index
      %get3A_1135 = arith.constant 16 : index
      %get3A_1136 = tpu.vector_load %arg12[%get3A_1134, %get3A_1135] {strides = array<i32>} : memref<512x64xf32, #tpu.memory_space<vmem>>, vector<16xf32>,
      %add3A_1137 = arith.addf %get3A_1133, %get3A_1136 : vector<16xf32>
      %get3A_1138 = arith.index_cast %add3A_1115 : i32 to index
      %get3A_1139 = arith.constant 16 : index
      %get3A_1140 = tpu.vector_load %arg13[%get3A_1138, %get3A_1139] {strides = array<i32>} : memref<512x64xf32, #tpu.memory_space<vmem>>, vector<16xf32>,
      %sub3A_1141 = arith.subf %add3A_1137, %get3A_1140 : vector<16xf32>
      %mul3A_1142 = arith.mulf %sub3A_1141, %sub3A_1141 : vector<16xf32>
      %add3A_1143 = arith.addf %add3A_1130, %mul3A_1142 : vector<16xf32>
      %get3A_1144 = arith.index_cast %add3A_1115 : i32 to index
      %get3A_1145 = arith.constant 32 : index
      %get3A_1146 = tpu.vector_load %arg11[%get3A_1144, %get3A_1145] {strides = array<i32>} : memref<512x64xf32, #tpu.memory_space<vmem>>, vector<16xf32>,
      %get3A_1147 = arith.index_cast %add3A_1115 : i32 to index
      %get3A_1148 = arith.constant 32 : index
      %get3A_1149 = tpu.vector_load %arg12[%get3A_1147, %get3A_1148] {strides = array<i32>} : memref<512x64xf32, #tpu.memory_space<vmem>>, vector<16xf32>,
      %add3A_1150 = arith.addf %get3A_1146, %get3A_1149 : vector<16xf32>
      %get3A_1151 = arith.index_cast %add3A_1115 : i32 to index
      %get3A_1152 = arith.constant 32 : index
      %get3A_1153 = tpu.vector_load %arg13[%get3A_1151, %get3A_1152] {strides = array<i32>} : memref<512x64xf32, #tpu.memory_space<vmem>>, vector<16xf32>,
      %sub3A_1154 = arith.subf %add3A_1150, %get3A_1153 : vector<16xf32>
      %mul3A_1155 = arith.mulf %sub3A_1154, %sub3A_1154 : vector<16xf32>
      %add3A_1156 = arith.addf %add3A_1143, %mul3A_1155 : vector<16xf32>
      %get3A_1157 = arith.index_cast %add3A_1115 : i32 to index
      %get3A_1158 = arith.constant 48 : index
      %get3A_1159 = tpu.vector_load %arg11[%get3A_1157, %get3A_1158] {strides = array<i32>} : memref<512x64xf32, #tpu.memory_space<vmem>>, vector<16xf32>,
      %get3A_1160 = arith.index_cast %add3A_1115 : i32 to index
      %get3A_1161 = arith.constant 48 : index
      %get3A_1162 = tpu.vector_load %arg12[%get3A_1160, %get3A_1161] {strides = array<i32>} : memref<512x64xf32, #tpu.memory_space<vmem>>, vector<16xf32>,
      %add3A_1163 = arith.addf %get3A_1159, %get3A_1162 : vector<16xf32>
      %get3A_1164 = arith.index_cast %add3A_1115 : i32 to index
      %get3A_1165 = arith.constant 48 : index
      %get3A_1166 = tpu.vector_load %arg13[%get3A_1164, %get3A_1165] {strides = array<i32>} : memref<512x64xf32, #tpu.memory_space<vmem>>, vector<16xf32>,
      %sub3A_1167 = arith.subf %add3A_1163, %get3A_1166 : vector<16xf32>
      %mul3A_1168 = arith.mulf %sub3A_1167, %sub3A_1167 : vector<16xf32>
      %add3A_1169 = arith.addf %add3A_1156, %mul3A_1168 : vector<16xf32>
      %eq3A_1170 = arith.constant 13 : i32
      %eq3A_1171 = vector.broadcast %eq3A_1170 : i32 to vector<16xi32>
      %eq3A_1172 = arith.cmpi eq, %iota3A, %eq3A_1171 : vector<16xi32>
      %reduce_sum3A_1173 = arith.constant true
      %reduce_sum3A_1174 = vector.broadcast %reduce_sum3A_1173 : i1 to vector<16xi1>
      %reduce_sum3A_1175 = tpu.scan <sum>, %add3A_1169 masked %reduce_sum3A_1174 : vector<16xf32>, vector<16xi1> -> vector<16xf32>
      %reduce_sum3A_1176 = vector.extract %reduce_sum3A_1175[15] : f32 from vector<16xf32>
      %broadcast_in_dim3A_1177 = vector.broadcast %reduce_sum3A_1176 : f32 to vector<16xf32>
      %select_n3A_1178 = arith.select %eq3A_1172, %broadcast_in_dim3A_1177, %select_n3A_1111 : vector<16xi1>, vector<16xf32>
      %mul3A_1179 = arith.constant 16 : i32
      %mul3A_1180 = arith.muli %scan3A_244, %mul3A_1179 : i32
      %add3A_1181 = arith.constant 14 : i32
      %add3A_1182 = arith.addi %mul3A_1180, %add3A_1181 : i32
      %broadcast_in_dim3A_1183 = arith.constant 0.000000e+00 : f32
      %broadcast_in_dim3A_1184 = vector.broadcast %broadcast_in_dim3A_1183 : f32 to vector<16xf32>
      %get3A_1185 = arith.index_cast %add3A_1182 : i32 to index
      %get3A_1186 = arith.constant 0 : index
      %get3A_1187 = tpu.vector_load %arg11[%get3A_1185, %get3A_1186] {strides = array<i32>} : memref<512x64xf32, #tpu.memory_space<vmem>>, vector<16xf32>,
      %get3A_1188 = arith.index_cast %add3A_1182 : i32 to index
      %get3A_1189 = arith.constant 0 : index
      %get3A_1190 = tpu.vector_load %arg12[%get3A_1188, %get3A_1189] {strides = array<i32>} : memref<512x64xf32, #tpu.memory_space<vmem>>, vector<16xf32>,
      %add3A_1191 = arith.addf %get3A_1187, %get3A_1190 : vector<16xf32>
      %get3A_1192 = arith.index_cast %add3A_1182 : i32 to index
      %get3A_1193 = arith.constant 0 : index
      %get3A_1194 = tpu.vector_load %arg13[%get3A_1192, %get3A_1193] {strides = array<i32>} : memref<512x64xf32, #tpu.memory_space<vmem>>, vector<16xf32>,
      %sub3A_1195 = arith.subf %add3A_1191, %get3A_1194 : vector<16xf32>
      %mul3A_1196 = arith.mulf %sub3A_1195, %sub3A_1195 : vector<16xf32>
      %add3A_1197 = arith.addf %broadcast_in_dim3A_1184, %mul3A_1196 : vector<16xf32>
      %get3A_1198 = arith.index_cast %add3A_1182 : i32 to index
      %get3A_1199 = arith.constant 16 : index
      %get3A_1200 = tpu.vector_load %arg11[%get3A_1198, %get3A_1199] {strides = array<i32>} : memref<512x64xf32, #tpu.memory_space<vmem>>, vector<16xf32>,
      %get3A_1201 = arith.index_cast %add3A_1182 : i32 to index
      %get3A_1202 = arith.constant 16 : index
      %get3A_1203 = tpu.vector_load %arg12[%get3A_1201, %get3A_1202] {strides = array<i32>} : memref<512x64xf32, #tpu.memory_space<vmem>>, vector<16xf32>,
      %add3A_1204 = arith.addf %get3A_1200, %get3A_1203 : vector<16xf32>
      %get3A_1205 = arith.index_cast %add3A_1182 : i32 to index
      %get3A_1206 = arith.constant 16 : index
      %get3A_1207 = tpu.vector_load %arg13[%get3A_1205, %get3A_1206] {strides = array<i32>} : memref<512x64xf32, #tpu.memory_space<vmem>>, vector<16xf32>,
      %sub3A_1208 = arith.subf %add3A_1204, %get3A_1207 : vector<16xf32>
      %mul3A_1209 = arith.mulf %sub3A_1208, %sub3A_1208 : vector<16xf32>
      %add3A_1210 = arith.addf %add3A_1197, %mul3A_1209 : vector<16xf32>
      %get3A_1211 = arith.index_cast %add3A_1182 : i32 to index
      %get3A_1212 = arith.constant 32 : index
      %get3A_1213 = tpu.vector_load %arg11[%get3A_1211, %get3A_1212] {strides = array<i32>} : memref<512x64xf32, #tpu.memory_space<vmem>>, vector<16xf32>,
      %get3A_1214 = arith.index_cast %add3A_1182 : i32 to index
      %get3A_1215 = arith.constant 32 : index
      %get3A_1216 = tpu.vector_load %arg12[%get3A_1214, %get3A_1215] {strides = array<i32>} : memref<512x64xf32, #tpu.memory_space<vmem>>, vector<16xf32>,
      %add3A_1217 = arith.addf %get3A_1213, %get3A_1216 : vector<16xf32>
      %get3A_1218 = arith.index_cast %add3A_1182 : i32 to index
      %get3A_1219 = arith.constant 32 : index
      %get3A_1220 = tpu.vector_load %arg13[%get3A_1218, %get3A_1219] {strides = array<i32>} : memref<512x64xf32, #tpu.memory_space<vmem>>, vector<16xf32>,
      %sub3A_1221 = arith.subf %add3A_1217, %get3A_1220 : vector<16xf32>
      %mul3A_1222 = arith.mulf %sub3A_1221, %sub3A_1221 : vector<16xf32>
      %add3A_1223 = arith.addf %add3A_1210, %mul3A_1222 : vector<16xf32>
      %get3A_1224 = arith.index_cast %add3A_1182 : i32 to index
      %get3A_1225 = arith.constant 48 : index
      %get3A_1226 = tpu.vector_load %arg11[%get3A_1224, %get3A_1225] {strides = array<i32>} : memref<512x64xf32, #tpu.memory_space<vmem>>, vector<16xf32>,
      %get3A_1227 = arith.index_cast %add3A_1182 : i32 to index
      %get3A_1228 = arith.constant 48 : index
      %get3A_1229 = tpu.vector_load %arg12[%get3A_1227, %get3A_1228] {strides = array<i32>} : memref<512x64xf32, #tpu.memory_space<vmem>>, vector<16xf32>,
      %add3A_1230 = arith.addf %get3A_1226, %get3A_1229 : vector<16xf32>
      %get3A_1231 = arith.index_cast %add3A_1182 : i32 to index
      %get3A_1232 = arith.constant 48 : index
      %get3A_1233 = tpu.vector_load %arg13[%get3A_1231, %get3A_1232] {strides = array<i32>} : memref<512x64xf32, #tpu.memory_space<vmem>>, vector<16xf32>,
      %sub3A_1234 = arith.subf %add3A_1230, %get3A_1233 : vector<16xf32>
      %mul3A_1235 = arith.mulf %sub3A_1234, %sub3A_1234 : vector<16xf32>
      %add3A_1236 = arith.addf %add3A_1223, %mul3A_1235 : vector<16xf32>
      %eq3A_1237 = arith.constant 14 : i32
      %eq3A_1238 = vector.broadcast %eq3A_1237 : i32 to vector<16xi32>
      %eq3A_1239 = arith.cmpi eq, %iota3A, %eq3A_1238 : vector<16xi32>
      %reduce_sum3A_1240 = arith.constant true
      %reduce_sum3A_1241 = vector.broadcast %reduce_sum3A_1240 : i1 to vector<16xi1>
      %reduce_sum3A_1242 = tpu.scan <sum>, %add3A_1236 masked %reduce_sum3A_1241 : vector<16xf32>, vector<16xi1> -> vector<16xf32>
      %reduce_sum3A_1243 = vector.extract %reduce_sum3A_1242[15] : f32 from vector<16xf32>
      %broadcast_in_dim3A_1244 = vector.broadcast %reduce_sum3A_1243 : f32 to vector<16xf32>
      %select_n3A_1245 = arith.select %eq3A_1239, %broadcast_in_dim3A_1244, %select_n3A_1178 : vector<16xi1>, vector<16xf32>
      %mul3A_1246 = arith.constant 16 : i32
      %mul3A_1247 = arith.muli %scan3A_244, %mul3A_1246 : i32
      %add3A_1248 = arith.constant 15 : i32
      %add3A_1249 = arith.addi %mul3A_1247, %add3A_1248 : i32
      %broadcast_in_dim3A_1250 = arith.constant 0.000000e+00 : f32
      %broadcast_in_dim3A_1251 = vector.broadcast %broadcast_in_dim3A_1250 : f32 to vector<16xf32>
      %get3A_1252 = arith.index_cast %add3A_1249 : i32 to index
      %get3A_1253 = arith.constant 0 : index
      %get3A_1254 = tpu.vector_load %arg11[%get3A_1252, %get3A_1253] {strides = array<i32>} : memref<512x64xf32, #tpu.memory_space<vmem>>, vector<16xf32>,
      %get3A_1255 = arith.index_cast %add3A_1249 : i32 to index
      %get3A_1256 = arith.constant 0 : index
      %get3A_1257 = tpu.vector_load %arg12[%get3A_1255, %get3A_1256] {strides = array<i32>} : memref<512x64xf32, #tpu.memory_space<vmem>>, vector<16xf32>,
      %add3A_1258 = arith.addf %get3A_1254, %get3A_1257 : vector<16xf32>
      %get3A_1259 = arith.index_cast %add3A_1249 : i32 to index
      %get3A_1260 = arith.constant 0 : index
      %get3A_1261 = tpu.vector_load %arg13[%get3A_1259, %get3A_1260] {strides = array<i32>} : memref<512x64xf32, #tpu.memory_space<vmem>>, vector<16xf32>,
      %sub3A_1262 = arith.subf %add3A_1258, %get3A_1261 : vector<16xf32>
      %mul3A_1263 = arith.mulf %sub3A_1262, %sub3A_1262 : vector<16xf32>
      %add3A_1264 = arith.addf %broadcast_in_dim3A_1251, %mul3A_1263 : vector<16xf32>
      %get3A_1265 = arith.index_cast %add3A_1249 : i32 to index
      %get3A_1266 = arith.constant 16 : index
      %get3A_1267 = tpu.vector_load %arg11[%get3A_1265, %get3A_1266] {strides = array<i32>} : memref<512x64xf32, #tpu.memory_space<vmem>>, vector<16xf32>,
      %get3A_1268 = arith.index_cast %add3A_1249 : i32 to index
      %get3A_1269 = arith.constant 16 : index
      %get3A_1270 = tpu.vector_load %arg12[%get3A_1268, %get3A_1269] {strides = array<i32>} : memref<512x64xf32, #tpu.memory_space<vmem>>, vector<16xf32>,
      %add3A_1271 = arith.addf %get3A_1267, %get3A_1270 : vector<16xf32>
      %get3A_1272 = arith.index_cast %add3A_1249 : i32 to index
      %get3A_1273 = arith.constant 16 : index
      %get3A_1274 = tpu.vector_load %arg13[%get3A_1272, %get3A_1273] {strides = array<i32>} : memref<512x64xf32, #tpu.memory_space<vmem>>, vector<16xf32>,
      %sub3A_1275 = arith.subf %add3A_1271, %get3A_1274 : vector<16xf32>
      %mul3A_1276 = arith.mulf %sub3A_1275, %sub3A_1275 : vector<16xf32>
      %add3A_1277 = arith.addf %add3A_1264, %mul3A_1276 : vector<16xf32>
      %get3A_1278 = arith.index_cast %add3A_1249 : i32 to index
      %get3A_1279 = arith.constant 32 : index
      %get3A_1280 = tpu.vector_load %arg11[%get3A_1278, %get3A_1279] {strides = array<i32>} : memref<512x64xf32, #tpu.memory_space<vmem>>, vector<16xf32>,
      %get3A_1281 = arith.index_cast %add3A_1249 : i32 to index
      %get3A_1282 = arith.constant 32 : index
      %get3A_1283 = tpu.vector_load %arg12[%get3A_1281, %get3A_1282] {strides = array<i32>} : memref<512x64xf32, #tpu.memory_space<vmem>>, vector<16xf32>,
      %add3A_1284 = arith.addf %get3A_1280, %get3A_1283 : vector<16xf32>
      %get3A_1285 = arith.index_cast %add3A_1249 : i32 to index
      %get3A_1286 = arith.constant 32 : index
      %get3A_1287 = tpu.vector_load %arg13[%get3A_1285, %get3A_1286] {strides = array<i32>} : memref<512x64xf32, #tpu.memory_space<vmem>>, vector<16xf32>,
      %sub3A_1288 = arith.subf %add3A_1284, %get3A_1287 : vector<16xf32>
      %mul3A_1289 = arith.mulf %sub3A_1288, %sub3A_1288 : vector<16xf32>
      %add3A_1290 = arith.addf %add3A_1277, %mul3A_1289 : vector<16xf32>
      %get3A_1291 = arith.index_cast %add3A_1249 : i32 to index
      %get3A_1292 = arith.constant 48 : index
      %get3A_1293 = tpu.vector_load %arg11[%get3A_1291, %get3A_1292] {strides = array<i32>} : memref<512x64xf32, #tpu.memory_space<vmem>>, vector<16xf32>,
      %get3A_1294 = arith.index_cast %add3A_1249 : i32 to index
      %get3A_1295 = arith.constant 48 : index
      %get3A_1296 = tpu.vector_load %arg12[%get3A_1294, %get3A_1295] {strides = array<i32>} : memref<512x64xf32, #tpu.memory_space<vmem>>, vector<16xf32>,
      %add3A_1297 = arith.addf %get3A_1293, %get3A_1296 : vector<16xf32>
      %get3A_1298 = arith.index_cast %add3A_1249 : i32 to index
      %get3A_1299 = arith.constant 48 : index
      %get3A_1300 = tpu.vector_load %arg13[%get3A_1298, %get3A_1299] {strides = array<i32>} : memref<512x64xf32, #tpu.memory_space<vmem>>, vector<16xf32>,
      %sub3A_1301 = arith.subf %add3A_1297, %get3A_1300 : vector<16xf32>
      %mul3A_1302 = arith.mulf %sub3A_1301, %sub3A_1301 : vector<16xf32>
      %add3A_1303 = arith.addf %add3A_1290, %mul3A_1302 : vector<16xf32>
      %eq3A_1304 = arith.constant 15 : i32
      %eq3A_1305 = vector.broadcast %eq3A_1304 : i32 to vector<16xi32>
      %eq3A_1306 = arith.cmpi eq, %iota3A, %eq3A_1305 : vector<16xi32>
      %reduce_sum3A_1307 = arith.constant true
      %reduce_sum3A_1308 = vector.broadcast %reduce_sum3A_1307 : i1 to vector<16xi1>
      %reduce_sum3A_1309 = tpu.scan <sum>, %add3A_1303 masked %reduce_sum3A_1308 : vector<16xf32>, vector<16xi1> -> vector<16xf32>
      %reduce_sum3A_1310 = vector.extract %reduce_sum3A_1309[15] : f32 from vector<16xf32>
      %broadcast_in_dim3A_1311 = vector.broadcast %reduce_sum3A_1310 : f32 to vector<16xf32>
      %select_n3A_1312 = arith.select %eq3A_1306, %broadcast_in_dim3A_1311, %select_n3A_1245 : vector<16xi1>, vector<16xf32>
      %bitcast3A = vector.bitcast %select_n3A_1312 : vector<16xf32> to vector<16xi32>
      %shift_right_arithmetic3A = arith.constant 1 : i32
      %shift_right_arithmetic3A_1313 = vector.broadcast %shift_right_arithmetic3A : i32 to vector<16xi32>
      %shift_right_arithmetic3A_1314 = arith.shrsi %bitcast3A, %shift_right_arithmetic3A_1313 : vector<16xi32>
      %sub3A_1315 = arith.constant 1597463007 : i32
      %sub3A_1316 = vector.broadcast %sub3A_1315 : i32 to vector<16xi32>
      %sub3A_1317 = arith.subi %sub3A_1316, %shift_right_arithmetic3A_1314 : vector<16xi32>
      %bitcast3A_1318 = vector.bitcast %sub3A_1317 : vector<16xi32> to vector<16xf32>
      %mul3A_1319 = arith.constant 5.000000e-01 : f32
      %mul3A_1320 = vector.broadcast %mul3A_1319 : f32 to vector<16xf32>
      %mul3A_1321 = arith.mulf %mul3A_1320, %select_n3A_1312 : vector<16xf32>
      %mul3A_1322 = arith.mulf %mul3A_1321, %bitcast3A_1318 : vector<16xf32>
      %mul3A_1323 = arith.mulf %mul3A_1322, %bitcast3A_1318 : vector<16xf32>
      %sub3A_1324 = arith.constant 1.500000e+00 : f32
      %sub3A_1325 = vector.broadcast %sub3A_1324 : f32 to vector<16xf32>
      %sub3A_1326 = arith.subf %sub3A_1325, %mul3A_1323 : vector<16xf32>
      %mul3A_1327 = arith.mulf %bitcast3A_1318, %sub3A_1326 : vector<16xf32>
      %mul3A_1328 = arith.mulf %mul3A_1321, %mul3A_1327 : vector<16xf32>
      %mul3A_1329 = arith.mulf %mul3A_1328, %mul3A_1327 : vector<16xf32>
      %sub3A_1330 = arith.constant 1.500000e+00 : f32
      %sub3A_1331 = vector.broadcast %sub3A_1330 : f32 to vector<16xf32>
      %sub3A_1332 = arith.subf %sub3A_1331, %mul3A_1329 : vector<16xf32>
      %mul3A_1333 = arith.mulf %mul3A_1327, %sub3A_1332 : vector<16xf32>
      %mul3A_1334 = arith.mulf %mul3A_1321, %mul3A_1333 : vector<16xf32>
      %mul3A_1335 = arith.mulf %mul3A_1334, %mul3A_1333 : vector<16xf32>
      %sub3A_1336 = arith.constant 1.500000e+00 : f32
      %sub3A_1337 = vector.broadcast %sub3A_1336 : f32 to vector<16xf32>
      %sub3A_1338 = arith.subf %sub3A_1337, %mul3A_1335 : vector<16xf32>
      %mul3A_1339 = arith.mulf %mul3A_1333, %sub3A_1338 : vector<16xf32>
      %mul3A_1340 = arith.mulf %select_n3A_1312, %mul3A_1339 : vector<16xf32>
      %mul3A_1341 = arith.constant 16 : i32
      %mul3A_1342 = arith.muli %scan3A_244, %mul3A_1341 : i32
      %swap3A = arith.index_cast %mul3A_1342 : i32 to index
      %swap3A_1343 = tpu.vector_load %arg14[%swap3A] {strides = array<i32>} : memref<512xf32, #tpu.memory_space<vmem>>, vector<16xf32>,
      tpu.vector_store %arg14[%swap3A], %mul3A_1340 {strides = array<i32>} : memref<512xf32, #tpu.memory_space<vmem>>, vector<16xf32>,
    }
    %scan3A_243 = arith.constant 32 : i32
    "tpu.region"() ({
      %run_scoped3A = tpu.sem_alloc : memref<!tpu.dma_semaphore, #tpu.memory_space<semaphore_mem>>
      %dma_start3A_244 = arith.constant 0 : i32
      %dma_start3A_245 = tpu.memref_slice %arg7[%add3A, %dma_start3A_244] : memref<32x512xf32, #tpu.memory_space<hbm>> -> memref<1x512xf32, #tpu.memory_space<hbm>>
      %dma_start3A_246 = tpu.memref_squeeze %dma_start3A_245 : memref<1x512xf32, #tpu.memory_space<hbm>> -> memref<512xf32, #tpu.memory_space<hbm>>
      %dma_start3A_247 = arith.constant 0 : i32
      %dma_start3A_248 = tpu.memref_slice %arg7[%add3A, %dma_start3A_247] : memref<32x512xf32, #tpu.memory_space<hbm>> -> memref<1x512xf32, #tpu.memory_space<hbm>>
      %dma_start3A_249 = tpu.memref_squeeze %dma_start3A_248 : memref<1x512xf32, #tpu.memory_space<hbm>> -> memref<512xf32, #tpu.memory_space<hbm>>
      tpu.enqueue_dma source(%arg14 : memref<512xf32, #tpu.memory_space<vmem>>) target(%dma_start3A_249 : memref<512xf32, #tpu.memory_space<hbm>>) target_semaphore(%run_scoped3A : memref<!tpu.dma_semaphore, #tpu.memory_space<semaphore_mem>>)
      %dma_wait3A_250 = arith.constant 0 : i32
      %dma_wait3A_251 = tpu.memref_slice %arg7[%add3A, %dma_wait3A_250] : memref<32x512xf32, #tpu.memory_space<hbm>> -> memref<1x512xf32, #tpu.memory_space<hbm>>
      %dma_wait3A_252 = tpu.memref_squeeze %dma_wait3A_251 : memref<1x512xf32, #tpu.memory_space<hbm>> -> memref<512xf32, #tpu.memory_space<hbm>>
      %dma_wait3A_253 = arith.constant 0 : i32
      %dma_wait3A_254 = tpu.memref_slice %arg7[%add3A, %dma_wait3A_253] : memref<32x512xf32, #tpu.memory_space<hbm>> -> memref<1x512xf32, #tpu.memory_space<hbm>>
      %dma_wait3A_255 = tpu.memref_squeeze %dma_wait3A_254 : memref<1x512xf32, #tpu.memory_space<hbm>> -> memref<512xf32, #tpu.memory_space<hbm>>
      tpu.wait_dma2 semaphore(%run_scoped3A : memref<!tpu.dma_semaphore, #tpu.memory_space<semaphore_mem>>) src(%arg14 : memref<512xf32, #tpu.memory_space<vmem>>) dst(%dma_wait3A_255 : memref<512xf32, #tpu.memory_space<hbm>>)
      tpu.yield
    }) : () -> ()
    return
  }
}

</mosaic_0001>

<sc_bundles>
// kernel: kernel.3.cloned.1.call-start
scs
__scs_entry_jumppad:
0x0: {  	(pc) =	sbr.rel $0x88, $3  }
0x1: {  	(tag) =	ssettag $0x0;
	lr =	simm.s32 $0x1  }
0x2: {  	[smem:$0x3F9C] =	sst lr;
	_ =	strace $0xD0000000  }
0x3: {  	_ = 	snop  }
0x4: {  	_ = 	snop  }
0x5: {  	_ = 	snop  }
0x6: {  	_ = 	snop  }
0x7: {  	_ = 	snop  }
__scs_overlays_trampoline_lowered:
0x8: {  	[smem:$0x3FAB] =	sst s0  }
0x9: {  	[smem:$0x3FAC] =	sst s1  }
0xa: {  	[smem:$0x3FAD] =	sst s2  }
0xb: {  	[smem:$0x3FAE] =	sst s3  }
0xc: {  	[smem:$0x3FAF] =	sst s4  }
0xd: {  	[smem:$0x3FB0] =	sst s5  }
0xe: {  	[smem:$0x3FB1] =	sst s6  }
0xf: {  	[smem:$0x3FB2] =	sst s7  }
0x10: {  	[smem:$0x3FB3] =	sst s8  }
0x11: {  	[smem:$0x3FB4] =	sst s9;
	s0 =	simm.s32 @!p0 $0x0  }
0x12: {  	s1 =	sld [smem:$0x3F9A];
	s0 =	simm.s32 @p0 $0x1  }
0x13: {  	[smem:$0x3FB5] =	sst s0;
	s0 =	simm.s32 @!p1 $0x0  }
0x14: {  	s2 =	sld [smem:$0x3F99];
	s0 =	simm.s32 @p1 $0x1  }
0x15: {  	[smem:$0x3FB6] =	sst s0;
	s0 =	simm.s32 @!p2 $0x0  }
0x16: {  	s3 =	sld [smem:$0x3FDB];
	s0 =	simm.s32 @p2 $0x1  }
0x17: {  	s4 =	simm.s32 $0x1BF5;
	[smem:$0x3FB8] =	sst s0  }
0x18: {  	s0 =	sld [smem:$0x3F9B];
	_ =	swait.ge [sflag:s4], $0x0  }
0x19: {  	s7 =	sld [smem:$0x3F9C]  }
0x1a: {  	s8 =	sadd.s32 $0xFFFFE003, lr  }
0x1b: {  	s9 =	sadd.s32 $0xFFFFFEF7, lr;
	s5 =	simm.s32 $0xFFFFFFFF;
	p2 =	slt.u32 s8, $0xFFFFF086  }
0x1c: {  	p1 =	slt.u32 s9, $0xF7A;
	s5 =	simm.s32 @!p2 $0x0  }
0x1d: {  	s5 =	simm.s32 @p1 $0x1;
	p0 =	seq.s32 s7, s2  }
0x1e: {  	s7 =	smul.u32 @!p0 $0xF7A, s2;
	p2 =	seq.s32 @!p0 s5, $0x0  }
0x1f: {  	s9 =	smul.u32 $0xF7A, s1;
	s8 =	simm.s32 @!p0 $0x1BF5;
	p2 =	por !p2, p0  }
0x20: {  	[sflag:s8] =	ssyncset.s32 @!p0 $0xFFFFF086;
	s6 =	sadd.s32 @!p0 s3, s7;
	s7 =	simm.s32 @!p0 $0x108  }
0x21: {  	s3 =	sadd.s32 s3, s9;
	s6 =	sadd.s32 @!p0 $0x88, s6;
	s7 =	simm.s32 @p2 $0x1082  }
0x22: {  	[simem:s7], [sflag:s8] =	dma.local @!p0 [hbm:s6], $0xF7A  }
0x23: {  	s9 =	sor.u32 $0xD0000000, s2;
	s6 =	simm.s32 $0x108;
	_ =	swait.ge @!p0 [sflag:s8], $0x0  }
0x24: {  	s3 =	sadd.s32 $0x88, s3;
	s6 =	simm.s32 @!p1 $0x1082;
	[sflag:s4] =	ssyncset.s32 $0xFFFFF086  }
0x25: {  	[simem:s6], [sflag:s4] =	dma.local [hbm:s3], $0xF7A  }
0x26: {  	[smem:$0x3F9C] =	sst s1;
	(tag) =	ssettag s2;
	_ =	strace s9  }
0x27: {  	s1 =	sld [smem:$0x3FAC]  }
0x28: {  	s2 =	sld [smem:$0x3FAD]  }
0x29: {  	s4 =	sld [smem:$0x3FAF]  }
0x2a: {  	p0 =	seq.s32 s5, $0x0;
	s5 =	sld [smem:$0x3FB0]  }
0x2b: {  	s6 =	sld [smem:$0x3FB1]  }
0x2c: {  	s7 =	sld [smem:$0x3FB2]  }
0x2d: {  	s3 =	simm.s32 $0x108;
	s8 =	sld [smem:$0x3FB3]  }
0x2e: {  	s3 =	simm.s32 @!p0 $0x1082;
	s9 =	sld [smem:$0x3FB4]  }
0x2f: {  	lr =	sadd.s32 s0, s3;
	s0 =	sld [smem:$0x3FAB]  }
0x30: {  	s3 =	sld [smem:$0x3FAE]  }
0x31: {  	[smem:$0x3FB7] =	sst s10  }
0x32: {  	s10 =	sld [smem:$0x3FB5];
	_ =	sdelay $0x3  }
0x33: {  	p0 =	seq.s32 s10, $0x1;
	s10 =	sld [smem:$0x3FB7];
	_ =	sdelay $0x3  }
0x34: {  	[smem:$0x3FB7] =	sst s10  }
0x35: {  	s10 =	sld [smem:$0x3FB6];
	_ =	sdelay $0x3  }
0x36: {  	p1 =	seq.s32 s10, $0x1;
	s10 =	sld [smem:$0x3FB7];
	_ =	sdelay $0x3  }
0x37: {  	[smem:$0x3FB7] =	sst s10  }
0x38: {  	s10 =	sld [smem:$0x3FB8]  }
0x39: {  	_ = 	snop;
	(pc) =	sbr.ind lr, $3  }
0x3a: {  	_ = 	snop  }
0x3b: {  	_ = 	snop  }
0x3c: {  	p2 =	seq.s32 s10, $0x1;
	s10 =	sld [smem:$0x3FB7]  }
0x3d: {  	_ =	shalt  }
0x3e: {  	_ =	shalt  }
0x3f: {  	_ =	shalt  }
0x40: {  	_ =	shalt  }
0x41: {  	_ =	shalt  }
0x42: {  	_ =	shalt  }
0x43: {  	_ =	shalt  }
0x44: {  	_ =	shalt  }
0x45: {  	_ =	shalt  }
0x46: {  	_ =	shalt  }
0x47: {  	_ =	shalt  }
0x48: {  	_ =	shalt  }
0x49: {  	_ =	shalt  }
0x4a: {  	_ =	shalt  }
0x4b: {  	_ =	shalt  }
0x4c: {  	_ =	shalt  }
0x4d: {  	_ =	shalt  }
0x4e: {  	_ =	shalt  }
0x4f: {  	_ =	shalt  }
0x50: {  	_ =	shalt  }
0x51: {  	_ =	shalt  }
0x52: {  	_ =	shalt  }
0x53: {  	_ =	shalt  }
0x54: {  	_ =	shalt  }
0x55: {  	_ =	shalt  }
0x56: {  	_ =	shalt  }
0x57: {  	_ =	shalt  }
0x58: {  	_ =	shalt  }
0x59: {  	_ =	shalt  }
0x5a: {  	_ =	shalt  }
0x5b: {  	_ =	shalt  }
0x5c: {  	_ =	shalt  }
0x5d: {  	_ =	shalt  }
0x5e: {  	_ =	shalt  }
0x5f: {  	_ =	shalt  }
0x60: {  	_ =	shalt  }
0x61: {  	_ =	shalt  }
0x62: {  	_ =	shalt  }
0x63: {  	_ =	shalt  }
0x64: {  	_ =	shalt  }
0x65: {  	_ =	shalt  }
0x66: {  	_ =	shalt  }
0x67: {  	_ =	shalt  }
0x68: {  	_ =	shalt  }
0x69: {  	_ =	shalt  }
0x6a: {  	_ =	shalt  }
0x6b: {  	_ =	shalt  }
0x6c: {  	_ =	shalt  }
0x6d: {  	_ =	shalt  }
0x6e: {  	_ =	shalt  }
0x6f: {  	_ =	shalt  }
0x70: {  	_ =	shalt  }
0x71: {  	_ =	shalt  }
0x72: {  	_ =	shalt  }
0x73: {  	_ =	shalt  }
0x74: {  	_ =	shalt  }
0x75: {  	_ =	shalt  }
0x76: {  	_ =	shalt  }
0x77: {  	_ =	shalt  }
0x78: {  	_ =	shalt  }
0x79: {  	_ =	shalt  }
0x7a: {  	_ =	shalt  }
0x7b: {  	_ =	shalt  }
0x7c: {  	_ =	shalt  }
0x7d: {  	_ =	shalt  }
0x7e: {  	_ =	shalt  }
0x7f: {  	_ =	shalt  }
0x80: {  	_ =	shalt  }
0x81: {  	_ =	shalt  }
0x82: {  	_ =	shalt  }
0x83: {  	_ =	shalt  }
0x84: {  	_ =	shalt  }
0x85: {  	_ =	shalt  }
0x86: {  	_ =	shalt  }
0x87: {  	_ =	shalt  }
.Lfunc_end0:
.L_simem_size_0:
called_computation_lowered:
.L_overlay_start_0:
0x88: {  	s2 =	sld [smem:$0x3FD9]  }
0x89: {  	s3 =	sld [smem:$0x3FFE];
	_ =	sdelay $0x1  }
0x8a: {  	s1 =	srdreg.scid  }
0x8b: {  	s0 =	sand.u32 $0x1, s1  }
0x8c: {  	s17 =	sshll.u32 s0, $0xA;
	s2 =	sadd.s32 s3, s2  }
0x8d: {  	s2 =	sadd.s32 s2, s17  }
0x8e: {  	[smem:$0x3FC3] =	sst s2  }
0x8f: {  	_ = 	snop  }
0x90: {  	s2 =	sld [smem:$0x3FC9]  }
0x91: {  	s18 =	sld [smem:$0x3FC8]  }
0x92: {  	s4 =	sld [smem:$0x3FC7]  }
0x93: {  	s5 =	sld [smem:$0x3FD0];
	(tm) =	ssettm $0x1  }
0x94: {  	s6 =	sld [smem:$0x3FFB];
	_ =	sdelay $0x3  }
0x95: {  	_ =	strace s6  }
0x96: {  	s6 =	sld [smem:$0x3FFC];
	_ =	sdelay $0x3  }
0x97: {  	_ =	strace s6  }
0x98: {  	s6 =	sld [smem:$0x3FFD];
	_ =	sdelay $0x3  }
0x99: {  	_ =	strace s6  }
0x9a: {  	_ =	strace $0x8FFFFFFF  }
0x9b: {  	s19 =	sld [smem:$0x3FDB];
	_ =	sdelay $0x1  }
0x9c: {  	s7 =	simm.s32 $_scs_section_size  }
0x9d: {  	s8 =	simm.s32 $_size__tile_overlayer_lowered;
	s9 =	simm.s32 $_tile_overlayer_lowered  }
0x9e: {  	s22 =	simm.s32 $0x1BFF;
	s21 =	sshll.u32 s9, $0x1;
	s6 =	sadd.s32 s7, s19  }
0x9f: {  	s10 =	simm.s32 $0x0;
	s20 =	sshll.u32 s8, $0x1;
	s8 =	sadd.s32 s21, s6  }
0xa0: {  	[timem:s10], [sflag:s22] =	dma.local [hbm:s8], s20  }
0xa1: {  	_ =	swait.ge [sflag:s22], s20  }
0xa2: {  	s7 =	ssub.s32 $0x0, s20;
	[sflag:s22] =	ssyncset.done $0x0  }
0xa3: {  	[sflag:s22] =	ssyncadd.s32 s7;
	_ =	sdelay $0x1  }
0xa4: {  	s23 =	simm.s32 $0x1B8B  }
0xa5: {  	_ =	swait.ge [sflag:s23], $0x1  }
0xa6: {  	[sflag:s23] =	ssyncset.done $0x0  }
0xa7: {  	s25 =	simm.s32 $0x1B8E;
	s24 =	sld [smem:$0x3FFE];
	[sflag:s23] =	ssyncadd.s32 $0xFFFFFFFF  }
0xa8: {  	s26 =	simm.s32 $execute0_lowered;
	[smem:$0x3FD2] =	sst s25  }
0xa9: {  	s8 =	sshll.u32 s26, $0x1;
	_ =	strace $0x80000046;
	[dreg:$0x1] =	wrdreg $0xFFFFFFFF  }
0xaa: {  	s28 =	simm.s32 $_size_execute0_lowered;
	s6 =	sadd.s32 s6, s8;
	[dreg:$0x0] =	wrdreg $0x0  }
0xab: {  	s8 =	sshll.u32 s28, $0x1;
	[dreg:$0x2] =	wrdreg s6  }
0xac: {  	[dreg:$0x3] =	wrdreg s8  }
0xad: {  	[dreg:$0x4] =	wrdreg $0xC0  }
0xae: {  	_ =	task [dreg:s10], $0x5FFFF  }
0xaf: {  	[dreg:$0x1] =	wrdreg $0xFFFFFFFF  }
0xb0: {  	[dreg:$0x0] =	wrdreg $0x60  }
0xb1: {  	[dreg:$0x2] =	wrdreg s2  }
0xb2: {  	[dreg:$0x3] =	wrdreg s18  }
0xb3: {  	[dreg:$0x4] =	wrdreg s4  }
0xb4: {  	[dreg:$0x5] =	wrdreg s24  }
0xb5: {  	[dreg:$0x6] =	wrdreg s5  }
0xb6: {  	[dreg:$0x7] =	wrdreg $0x9  }
0xb7: {  	_ =	task.clear_ibuf [dreg:s10], $0x8FFFF;
	_ =	strace $0x90000046  }
0xb8: {  	s29 =	simm.s32 $0x9;
	_ =	strace $0x80000048  }
0xb9: {  	_ =	swait.ge [sflag:s29], $0x1  }
0xba: {  	[sflag:s29] =	ssyncadd.s32 $0xFFFFFFFF  }
0xbb: {  	_ =	strace $0x90000048  }
0xbc: {  	_ =	sfence  }
0xbd: {  	s30 =	sld [smem:$0x0];
	_ =	sdelay $0x2  }
0xbe: {  	s31 =	sshll.u32 s1, $0xD;
	s1 =	sshrl.u32 s1, $0x2  }
0xbf: {  	s3 =	sand.u32 $0x4000, s31;
	s1 =	sadd.s32 s1, s30  }
0xc0: {  	s0 =	sor.u32 s3, s0;
	s1 =	sshll.u32 s1, $0x11  }
0xc1: {  	s0 =	sor.u32 s1, s0  }
0xc2: {  	s0 =	sadd.s32 $0x8F2B, s0  }
0xc3: {  	[sflag:s0] =	ssyncadd.remote.s32 $0x1  }
0xc4: {  	_ =	sfence.sel $0xFFFF  }
0xc5: {  	[dreg:$0x0] =	wrdreg $0xFFFFFFFF;
	(pc) =	sbr.abs _section_cstart, $3  }
0xc6: {  	[dreg:$0x1] =	wrdreg $0xFFFFFFFF  }
0xc7: {  	_ =	task.clear_ibuf [dreg:s10], $0x2FFFF;
	_ =	strace $0x9FFFFFFF  }
0xc8: {  	(tm) =	ssettm $0x7FFFFFFF  }
0xc9: {  	_ =	shalt  }
tec
execute0_lowered:
.L_overlay_start_1:
0x0: {  	(tag) =	ssettag $0x1  }
0x1: {  	s0 =	rddreg [dreg:$0x0]  }
0x2: {  	s2 =	rddreg [dreg:$0x1]  }
0x3: {  	s7 =	rddreg [dreg:$0x2]  }
0x4: {  	s4 =	rddreg [dreg:$0x3]  }
0x5: {  	s8 =	rddreg [dreg:$0x4]  }
0x6: {  	s1 =	simm.s32 $0x0;
	s5 =	srdreg.scid;
	s9 =	stileid.u32  }
0x7: {  	s11 =	simm.s32 $0x200;
	s12 =	simm.s32 $0x400;
	s13 =	simm.s32 $0x80  }
0x8: {  	s21 =	simm.s32 $0x12600;
	s22 =	simm.s32 $0x100;
	s23 =	simm.s32 $0x4600  }
0x9: {  	s24 =	simm.s32 $0x300;
	s25 =	simm.s32 $0xC600;
	s26 =	simm.s32 $0x500  }
0xa: {  	s28 =	simm.s32 $0x14600;
	s29 =	simm.s32 $0x180;
	s30 =	simm.s32 $0x6600  }
0xb: {  	s31 =	simm.s32 $0x380;
	s14 =	simm.s32 $0x16600;
	s15 =	simm.s32 $0x1  }
0xc: {  	s16 =	simm.s32 $0x18600;
	s17 =	simm.s32 $0x0;
	[smem:$0x7FF] =	sst s1  }
0xd: {  	s3 =	sadd.s32 $0xF42A00, s4;
	s5 =	sand.u32 $0x1, s5;
	s9 =	sshll.u32 s9, $0x7  }
0xe: {  	vm0 =	vmmov $0x1;
	vm1 =	vmmov $0x3;
	vm2 =	vmmov $0x7;
	s4 =	sadd.s32 $0x600, s4;
	s6 =	ssub.s32 $0x2, s5;
	s5 =	sshll.u32 s5, $0x6  }
0xf: {  	vm3 =	vmmov $0xf;
	vm4 =	vmmov $0x1f;
	vm5 =	vmmov $0x3f;
	_ =	strace $0x80000047;
	s10 =	sshrl.u32 s6, $0x1;
	s9 =	sor.u32 s5, s9  }
0x10: {  	vm6 =	vmmov $0x7f;
	vm7 =	vmmov $0xff;
	vm8 =	vmmov $0x1ff;
	s10 =	ssub.s32 s6, s10;
	s5 =	sadd.s32 s0, s9;
	s6 =	sadd.s32 s2, s9  }
0x11: {  	vm9 =	vmmov $0x3ff;
	vm10 =	vmmov $0x7ff;
	vm11 =	vmmov $0xfff;
	s7 =	sadd.s32 s7, s9;
	s8 =	sadd.s32 s8, s9;
	s0 =	simm.s32 $0xE600  }
0x12: {  	vm12 =	vmmov $0x1fff;
	vm13 =	vmmov $0x3fff;
	vm14 =	vmmov $0x7fff;
	s2 =	simm.s32 $0x580;
	s9 =	smax.u32 s10, $0x1;
	s10 =	simm.s32 $0x2  }
.LBB2_1:
0x13: {  	[tilespmem:s1], [sflag:$0x2] =	stream.linear.gather [hbm4b:s5+s1], $0x200, $0x38;
	[tilespmem:$0x18800] =	vst v63  }
0x14: {  	_ =	swait.ge [sflag:s10], $0x200  }
0x15: {  	[sflag:s10] =	ssyncset.done $0x0  }
0x16: {  	[sflag:s10] =	ssyncadd.s32 $0xFFFFFE00  }
0x17: {  	[tilespmem:s11], [sflag:$0x2] =	stream.linear.gather [hbm4b:s6+s1], $0x200, $0x38;
	[tilespmem:$0x18800] =	vst v63  }
0x18: {  	_ =	swait.ge [sflag:s10], $0x200  }
0x19: {  	[sflag:s10] =	ssyncset.done $0x0  }
0x1a: {  	[sflag:s10] =	ssyncadd.s32 $0xFFFFFE00  }
0x1b: {  	[tilespmem:s12], [sflag:$0x2] =	stream.linear.gather [hbm4b:s7+s1], $0x200, $0x38;
	[tilespmem:$0x18800] =	vst v63  }
0x1c: {  	_ =	swait.ge [sflag:s10], $0x200  }
0x1d: {  	[sflag:s10] =	ssyncset.done $0x0  }
0x1e: {  	s18 =	simm.s32 $0x600;
	[sflag:s10] =	ssyncadd.s32 $0xFFFFFE00  }
0x1f: {  	[tilespmem:s18], [sflag:$0x1] =	stream.indirect.gather [hbm4b:s3+s13], $0x40, s1, s13, $0xb8;
	[tilespmem:$0x18800] =	vst v63  }
0x20: {  	s19 =	simm.s32 $0x8600  }
0x21: {  	[tilespmem:s19], [sflag:$0x1] =	stream.indirect.gather [hbm4b:s4+s13], $0x40, s11, s13, $0xb8;
	[tilespmem:$0x18800] =	vst v63  }
0x22: {  	s20 =	simm.s32 $0x10600  }
0x23: {  	[tilespmem:s20], [sflag:$0x1] =	stream.indirect.gather [hbm4b:s3+s13], $0x40, s12, s13, $0xb8;
	[tilespmem:$0x18800] =	vst v63  }
0x24: {  	s19 =	simm.s32 $0x2600  }
0x25: {  	[tilespmem:s19], [sflag:$0x1] =	stream.indirect.gather [hbm4b:s3+s13], $0x40, s13, s13, $0xb8;
	[tilespmem:$0x18800] =	vst v63  }
0x26: {  	s20 =	simm.s32 $0x280;
	s19 =	simm.s32 $0xA600  }
0x27: {  	[tilespmem:s19], [sflag:$0x1] =	stream.indirect.gather [hbm4b:s4+s13], $0x40, s20, s13, $0xb8;
	[tilespmem:$0x18800] =	vst v63  }
0x28: {  	s19 =	simm.s32 $0x480  }
0x29: {  	[tilespmem:s21], [sflag:$0x1] =	stream.indirect.gather [hbm4b:s3+s13], $0x40, s19, s13, $0xb8;
	[tilespmem:$0x18800] =	vst v63  }
0x2a: {  	_ = 	snop  }
0x2b: {  	[tilespmem:s23], [sflag:$0x1] =	stream.indirect.gather [hbm4b:s3+s13], $0x40, s22, s13, $0xb8;
	[tilespmem:$0x18800] =	vst v63  }
0x2c: {  	_ = 	snop  }
0x2d: {  	[tilespmem:s25], [sflag:$0x1] =	stream.indirect.gather [hbm4b:s4+s13], $0x40, s24, s13, $0xb8;
	[tilespmem:$0x18800] =	vst v63  }
0x2e: {  	_ = 	snop  }
0x2f: {  	[tilespmem:s28], [sflag:$0x1] =	stream.indirect.gather [hbm4b:s3+s13], $0x40, s26, s13, $0xb8;
	[tilespmem:$0x18800] =	vst v63  }
0x30: {  	_ = 	snop  }
0x31: {  	[tilespmem:s30], [sflag:$0x1] =	stream.indirect.gather [hbm4b:s3+s13], $0x40, s29, s13, $0xb8;
	[tilespmem:$0x18800] =	vst v63  }
0x32: {  	_ = 	snop  }
0x33: {  	[tilespmem:s0], [sflag:$0x1] =	stream.indirect.gather [hbm4b:s4+s13], $0x40, s31, s13, $0xb8;
	[tilespmem:$0x18800] =	vst v63  }
0x34: {  	_ = 	snop  }
0x35: {  	[tilespmem:s14], [sflag:$0x1] =	stream.indirect.gather [hbm4b:s3+s13], $0x40, s2, s13, $0xb8;
	[tilespmem:$0x18800] =	vst v63  }
0x36: {  	_ =	swait.ge [sflag:s15], $0x2000  }
0x37: {  	[sflag:s15] =	ssyncset.done $0x0  }
0x38: {  	[sflag:s15] =	ssyncadd.s32 $0xFFFFE000  }
0x39: {  	_ =	swait.ge [sflag:s15], $0x2000  }
0x3a: {  	[sflag:s15] =	ssyncset.done $0x0  }
0x3b: {  	[sflag:s15] =	ssyncadd.s32 $0xFFFFE000  }
0x3c: {  	_ =	swait.ge [sflag:s15], $0x2000  }
0x3d: {  	[sflag:s15] =	ssyncset.done $0x0  }
0x3e: {  	[sflag:s15] =	ssyncadd.s32 $0xFFFFE000  }
0x3f: {  	_ =	swait.ge [sflag:s15], $0x2000  }
0x40: {  	[sflag:s15] =	ssyncset.done $0x0  }
0x41: {  	[sflag:s15] =	ssyncadd.s32 $0xFFFFE000  }
0x42: {  	_ =	swait.ge [sflag:s15], $0x2000  }
0x43: {  	[sflag:s15] =	ssyncset.done $0x0  }
0x44: {  	[sflag:s15] =	ssyncadd.s32 $0xFFFFE000  }
0x45: {  	_ =	swait.ge [sflag:s15], $0x2000  }
0x46: {  	[sflag:s15] =	ssyncset.done $0x0  }
0x47: {  	[sflag:s15] =	ssyncadd.s32 $0xFFFFE000  }
0x48: {  	_ =	swait.ge [sflag:s15], $0x2000  }
0x49: {  	[sflag:s15] =	ssyncset.done $0x0  }
0x4a: {  	[sflag:s15] =	ssyncadd.s32 $0xFFFFE000  }
0x4b: {  	_ =	swait.ge [sflag:s15], $0x2000  }
0x4c: {  	[sflag:s15] =	ssyncset.done $0x0  }
0x4d: {  	[sflag:s15] =	ssyncadd.s32 $0xFFFFE000  }
0x4e: {  	_ =	swait.ge [sflag:s15], $0x2000  }
0x4f: {  	[sflag:s15] =	ssyncset.done $0x0  }
0x50: {  	[sflag:s15] =	ssyncadd.s32 $0xFFFFE000  }
0x51: {  	_ =	swait.ge [sflag:s15], $0x2000  }
0x52: {  	[sflag:s15] =	ssyncset.done $0x0  }
0x53: {  	[sflag:s15] =	ssyncadd.s32 $0xFFFFE000  }
0x54: {  	_ =	swait.ge [sflag:s15], $0x2000  }
0x55: {  	[sflag:s15] =	ssyncset.done $0x0  }
0x56: {  	[sflag:s15] =	ssyncadd.s32 $0xFFFFE000  }
0x57: {  	_ =	swait.ge [sflag:s15], $0x2000  }
0x58: {  	[sflag:s15] =	ssyncset.done $0x0  }
0x59: {  	s20 =	simm.s32 $0x0;
	[sflag:s15] =	ssyncadd.s32 $0xFFFFE000  }
0x5a: {  	v0 =	vld [tilespmem:s20+$0x89F0]  }
0x5b: {  	v51 =	vld [tilespmem:s20+$0x9F0]  }
0x5c: {  	v47 =	vld [tilespmem:s20+$0x89E0]  }
0x5d: {  	v46 =	vld [tilespmem:s20+$0x9E0]  }
0x5e: {  	v54 =	vld [tilespmem:s20+$0x109D0]  }
0x5f: {  	v36 =	vld [tilespmem:s20+$0x109B0]  }
0x60: {  	v26 =	vld [tilespmem:s20+$0x89D0]  }
0x61: {  	v35 =	vld [tilespmem:s20+$0x9D0]  }
0x62: {  	v55 =	vld [tilespmem:s20+$0x89C0]  }
0x63: {  	v50 =	vld [tilespmem:s20+$0x9C0]  }
0x64: {  	v29 =	vld [tilespmem:s20+$0x89B0]  }
0x65: {  	v43 =	vld [tilespmem:s20+$0x9B0]  }
0x66: {  	v52 =	vld [tilespmem:s20+$0x109A0]  }
0x67: {  	v27 =	vld [tilespmem:s20+$0x89A0]  }
0x68: {  	v33 =	vld [tilespmem:s20+$0x9A0]  }
0x69: {  	v59 =	vld [tilespmem:s20+$0x10990]  }
0x6a: {  	v3 =	vld [tilespmem:s20+$0x10950]  }
0x6b: {  	v60 =	vld [tilespmem:s20+$0x10980]  }
0x6c: {  	v61 =	vld [tilespmem:s20+$0x8970]  }
0x6d: {  	v62 =	vld [tilespmem:s20+$0x970]  }
0x6e: {  	v63 =	vld [tilespmem:s20+$0x10960]  }
0x6f: {  	[tilespmem:$0x1FA90] =	vst v3;
	v3 =	vld [tilespmem:s20+$0x108F0]  }
0x70: {  	v53 =	vld [tilespmem:s20+$0x10930]  }
0x71: {  	v32 =	vld [tilespmem:s20+$0x8990]  }
0x72: {  	v2 =	vld [tilespmem:s20+$0x990]  }
0x73: {  	v1 =	vld [tilespmem:s20+$0x8980]  }
0x74: {  	[tilespmem:$0x1FA80] =	vst v3;
	v3 =	vld [tilespmem:s20+$0x8950]  }
0x75: {  	v18 =	vld [tilespmem:s20+$0x88A0]  }
0x76: {  	v22 =	vld [tilespmem:s20+$0x8960]  }
0x77: {  	v17 =	vld [tilespmem:s20+$0x960]  }
0x78: {  	v23 =	vld [tilespmem:s20+$0x8930]  }
0x79: {  	[tilespmem:$0x1FA60] =	vst v3;
	v3 =	vld [tilespmem:s20+$0x950]  }
0x7a: {  	[tilespmem:$0x1FAE0] =	vst v18;
	v18 =	vld [tilespmem:s20+$0x10890]  }
0x7b: {  	v19 =	vld [tilespmem:s20+$0x930]  }
0x7c: {  	v28 =	vld [tilespmem:s20+$0x10920]  }
0x7d: {  	v12 =	vld [tilespmem:s20+$0x8920]  }
0x7e: {  	[tilespmem:$0x1FA70] =	vst v3;
	v3 =	vld [tilespmem:s20+$0x8940]  }
0x7f: {  	[tilespmem:$0x1FBC0] =	vst v18;
	v18 =	vld [tilespmem:s20+$0x8870]  }
0x80: {  	v9 =	vld [tilespmem:s20+$0x920]  }
0x81: {  	v20 =	vld [tilespmem:s20+$0x10910]  }
0x82: {  	v34 =	vld [tilespmem:s20+$0x10900]  }
0x83: {  	[tilespmem:$0x1FAA0] =	vst v3;
	v3 =	vld [tilespmem:s20+$0x940]  }
0x84: {  	[tilespmem:$0x1FAF0] =	vst v18;
	v18 =	vld [tilespmem:s20+$0x870]  }
0x85: {  	v42 =	vld [tilespmem:s20+$0x88F0]  }
0x86: {  	v39 =	vld [tilespmem:s20+$0x8F0]  }
0x87: {  	v44 =	vld [tilespmem:s20+$0x108E0]  }
0x88: {  	[tilespmem:$0x1FAB0] =	vst v3;
	v3 =	vld [tilespmem:s20+$0x88B0]  }
0x89: {  	[tilespmem:$0x1FB00] =	vst v18;
	v18 =	vld [tilespmem:s20+$0x10860]  }
0x8a: {  	v8 =	vld [tilespmem:s20+$0x8910]  }
0x8b: {  	v7 =	vld [tilespmem:s20+$0x910]  }
0x8c: {  	v11 =	vld [tilespmem:s20+$0x8900]  }
0x8d: {  	[tilespmem:$0x1FAC0] =	vst v3;
	v3 =	vld [tilespmem:s20+$0x8B0]  }
0x8e: {  	[tilespmem:$0x1FB20] =	vst v18;
	v18 =	vld [tilespmem:s20+$0x10830]  }
0x8f: {  	v10 =	vld [tilespmem:s20+$0x900]  }
0x90: {  	v14 =	vld [tilespmem:s20+$0x88E0]  }
0x91: {  	v13 =	vld [tilespmem:s20+$0x8E0]  }
0x92: {  	[tilespmem:$0x1FAD0] =	vst v3;
	v3 =	vld [tilespmem:s20+$0x108A0]  }
0x93: {  	[tilespmem:$0x1FBB0] =	vst v18;
	v18 =	vld [tilespmem:s20+$0x8890]  }
0x94: {  	v16 =	vld [tilespmem:s20+$0x108D0]  }
0x95: {  	v15 =	vld [tilespmem:s20+$0x108C0]  }
0x96: {  	v6 =	vld [tilespmem:s20+$0x88D0]  }
0x97: {  	[tilespmem:$0x1FB10] =	vst v3;
	v3 =	vld [tilespmem:s20+$0x10870]  }
0x98: {  	[tilespmem:$0x1FB90] =	vst v18;
	v18 =	vld [tilespmem:s20+$0x890]  }
0x99: {  	v5 =	vld [tilespmem:s20+$0x8D0]  }
0x9a: {  	v4 =	vld [tilespmem:s20+$0x88C0]  }
0x9b: {  	v58 =	vld [tilespmem:s20+$0x8A0];
	[tilespmem:$0x1FA50] =	vst v0  }
0x9c: {  	v0 =	vld [tilespmem:s20+$0x980];
	[tilespmem:$0x1FB30] =	vst v3  }
0x9d: {  	v3 =	vld [tilespmem:s20+$0x8C0];
	[tilespmem:$0x1FBA0] =	vst v18  }
0x9e: {  	v18 =	vld [tilespmem:s20+$0x8880]  }
0x9f: {  	v41 =	vld [tilespmem:s20+$0x8860]  }
0xa0: {  	v37 =	vld [tilespmem:s20+$0x860]  }
0xa1: {  	v31 =	vld [tilespmem:s20+$0x8850]  }
0xa2: {  	v30 =	vld [tilespmem:s20+$0x850]  }
0xa3: {  	v40 =	vld [tilespmem:s20+$0x8840]  }
0xa4: {  	v38 =	vld [tilespmem:s20+$0x840]  }
0xa5: {  	v49 =	vld [tilespmem:s20+$0x8820]  }
0xa6: {  	v45 =	vld [tilespmem:s20+$0x820]  }
0xa7: {  	v56 =	vld [tilespmem:s20+$0x10810]  }
0xa8: {  	v48 =	vld [tilespmem:s20+$0x10800]  }
0xa9: {  	v25 =	vld [tilespmem:s20+$0x8810]  }
0xaa: {  	v24 =	vld [tilespmem:s20+$0x810]  }
0xab: {  	v21 =	vld [tilespmem:s20+$0x8800]  }
0xac: {  	v57 =	vld [tilespmem:s20+$0x87E0]  }
0xad: {  	v0 =	vadd.f32 v1, v0;
	v1 =	vadd.f32 v32, v2;
	v32 =	vld [tilespmem:s20+$0x10780]  }
0xae: {  	v2 =	vadd.f32 v27, v33;
	v27 =	vld [tilespmem:s20+$0x8770]  }
0xaf: {  	v0 =	vsub.f32 v0, v60;
	v1 =	vsub.f32 v1, v59;
	v33 =	vld [tilespmem:s20+$0x770]  }
0xb0: {  	v43 =	vadd.f32 v29, v43;
	v29 =	vld [tilespmem:s20+$0x10760]  }
0xb1: {  	v0 =	vmul.f32 v0, v0;
	v1 =	vmul.f32 v1, v1;
	v60 =	vld [tilespmem:s20+$0x8790]  }
0xb2: {  	v59 =	vld [tilespmem:s20+$0x790]  }
0xb3: {  	v0 =	vadd.f32 v1, v0;
	v1 =	vld [tilespmem:s20+$0x8780]  }
0xb4: {  	v26 =	vadd.f32 v26, v35;
	v2 =	vsub.f32 v2, v52;
	v52 =	vld [tilespmem:$0x1FA50]  }
0xb5: {  	v35 =	vsub.f32 v43, v36;
	v36 =	vadd.f32 v55, v50;
	v50 =	vld [tilespmem:s20+$0x760]  }
0xb6: {  	v55 =	vld [tilespmem:s20+$0x10750]  }
0xb7: {  	v9 =	vadd.f32 v12, v9;
	v12 =	vld [tilespmem:s20+$0x8730]  }
0xb8: {  	v43 =	vld [tilespmem:s20+$0x730]  }
0xb9: {  	[tilespmem:$0x1FC10] =	vst v57;
	v57 =	vld [tilespmem:s20+$0x7E0]  }
0xba: {  	v7 =	vadd.f32 v8, v7;
	v11 =	vadd.f32 v11, v10;
	v10 =	vld [tilespmem:s20+$0x10720]  }
0xbb: {  	v23 =	vadd.f32 v23, v19;
	v8 =	vsub.f32 v9, v28;
	v28 =	vld [tilespmem:s20+$0x740]  }
0xbc: {  	v7 =	vsub.f32 v7, v20;
	v20 =	vld [tilespmem:$0x1FB00]  }
0xbd: {  	v9 =	vsub.f32 v23, v53;
	v23 =	vld [tilespmem:$0x1FB10]  }
0xbe: {  	[tilespmem:$0x1FC20] =	vst v57;
	v57 =	vld [tilespmem:s20+$0x107D0]  }
0xbf: {  	v53 =	vld [tilespmem:s20+$0x106A0];
	v3 =	vadd.f32 v4, v3  }
0xc0: {  	v4 =	vadd.f32 v6, v5;
	v6 =	vsub.f32 v11, v34;
	v11 =	vld [tilespmem:s20+$0x8750]  }
0xc1: {  	v5 =	vadd.f32 v14, v13;
	v14 =	vld [tilespmem:s20+$0x750]  }
0xc2: {  	v34 =	vld [tilespmem:s20+$0x8720]  }
0xc3: {  	[tilespmem:$0x1FCE0] =	vst v57;
	v57 =	vld [tilespmem:s20+$0x87B0]  }
0xc4: {  	v13 =	vadd.f32 v42, v39;
	v39 =	vld [tilespmem:s20+$0x720]  }
0xc5: {  	v42 =	vld [tilespmem:s20+$0x6F0]  }
0xc6: {  	[tilespmem:$0x1FBD0] =	vst v18;
	v18 =	vld [tilespmem:s20+$0x880]  }
0xc7: {  	v47 =	vadd.f32 v47, v46;
	v46 =	vadd.f32 v52, v51;
	v51 =	vld [tilespmem:s20+$0x780]  }
0xc8: {  	[tilespmem:$0x1FC50] =	vst v57;
	v57 =	vld [tilespmem:s20+$0x7B0]  }
0xc9: {  	v52 =	vld [tilespmem:s20+$0x10710]  }
0xca: {  	v12 =	vadd.f32 v12, v43;
	v43 =	vld [tilespmem:s20+$0x8650]  }
0xcb: {  	v4 =	vsub.f32 v4, v16;
	v16 =	vld [tilespmem:s20+$0x8740]  }
0xcc: {  	[tilespmem:$0x1FBE0] =	vst v18;
	v18 =	vld [tilespmem:s20+$0x10850]  }
0xcd: {  	[tilespmem:$0x1FC60] =	vst v57;
	v57 =	vld [tilespmem:s20+$0x107A0]  }
0xce: {  	v7 =	vmul.f32 v7, v7;
	v3 =	vsub.f32 v3, v15;
	v6 =	vmul.f32 v6, v6;
	v15 =	vld [tilespmem:$0x1FA70]  }
0xcf: {  	v5 =	vsub.f32 v5, v44;
	v44 =	vld [tilespmem:s20+$0x106D0]  }
0xd0: {  	v6 =	vadd.f32 v7, v6;
	v7 =	vld [tilespmem:$0x1FA60]  }
0xd1: {  	[tilespmem:$0x1FB40] =	vst v18;
	v18 =	vld [tilespmem:s20+$0x10840]  }
0xd2: {  	v3 =	vmul.f32 v3, v3;
	v4 =	vmul.f32 v4, v4;
	[tilespmem:$0x1FC80] =	vst v57;
	v57 =	vld [tilespmem:s20+$0x10770]  }
0xd3: {  	v17 =	vadd.f32 v22, v17;
	v11 =	vadd.f32 v11, v14;
	v14 =	vld [tilespmem:s20+$0x10690]  }
0xd4: {  	v3 =	vadd.f32 v4, v3;
	v4 =	vld [tilespmem:$0x1FA80]  }
0xd5: {  	v19 =	vsub.f32 v17, v63;
	v63 =	vld [tilespmem:$0x1FC20]  }
0xd6: {  	v34 =	vadd.f32 v34, v39;
	[tilespmem:$0x1FB50] =	vst v18;
	v18 =	vld [tilespmem:s20+$0x8830]  }
0xd7: {  	v5 =	vmul.f32 v5, v5;
	[tilespmem:$0x1FCD0] =	vst v57;
	v57 =	vld [tilespmem:s20+$0x87D0]  }
0xd8: {  	v1 =	vadd.f32 v1, v51;
	v10 =	vsub.f32 v34, v10;
	v34 =	vld [tilespmem:s20+$0x660]  }
0xd9: {  	v3 =	vadd.f32 v5, v3;
	v5 =	vld [tilespmem:$0x1FAA0]  }
0xda: {  	v8 =	vmul.f32 v8, v8;
	v1 =	vsub.f32 v1, v32;
	v32 =	vld [tilespmem:s20+$0x10680]  }
0xdb: {  	[tilespmem:$0x1FB60] =	vst v18;
	v18 =	vld [tilespmem:s20+$0x830]  }
0xdc: {  	v9 =	vmul.f32 v9, v9;
	v4 =	vsub.f32 v13, v4;
	v13 =	vadd.f32 v8, v6;
	[tilespmem:$0x1FCB0] =	vst v57;
	v57 =	vld [tilespmem:s20+$0x7D0]  }
0xdd: {  	v6 =	vld [tilespmem:$0x1FA90]  }
0xde: {  	v17 =	vadd.f32 v9, v13;
	v9 =	vld [tilespmem:$0x1FAE0]  }
0xdf: {  	v13 =	vld [tilespmem:$0x1FAF0]  }
0xe0: {  	[tilespmem:$0x1FB70] =	vst v18;
	v18 =	vld [tilespmem:s20+$0x10820]  }
0xe1: {  	v7 =	vadd.f32 v7, v15;
	[tilespmem:$0x1FCC0] =	vst v57;
	v57 =	vld [tilespmem:s20+$0x87C0]  }
0xe2: {  	v15 =	vld [tilespmem:$0x1FAD0]  }
0xe3: {  	v6 =	vsub.f32 v7, v6;
	v7 =	vld [tilespmem:$0x1FAB0]  }
0xe4: {  	v13 =	vadd.f32 v13, v20;
	v20 =	vadd.f32 v31, v30;
	v30 =	vld [tilespmem:s20+$0x8710]  }
0xe5: {  	[tilespmem:$0x1FB80] =	vst v18;
	v18 =	vld [tilespmem:s20+$0x87F0]  }
0xe6: {  	v9 =	vadd.f32 v9, v58;
	[tilespmem:$0x1FCF0] =	vst v57;
	v57 =	vld [tilespmem:s20+$0x7C0]  }
0xe7: {  	v31 =	vld [tilespmem:s20+$0x710]  }
0xe8: {  	v9 =	vsub.f32 v9, v23;
	v23 =	vld [tilespmem:$0x1FB20]  }
0xe9: {  	v8 =	vadd.f32 v5, v7;
	v7 =	vld [tilespmem:$0x1FAC0]  }
0xea: {  	[tilespmem:$0x1FBF0] =	vst v18;
	v18 =	vld [tilespmem:s20+$0x7F0]  }
0xeb: {  	[tilespmem:$0x1FD00] =	vst v57;
	v57 =	vld [tilespmem:s20+$0x87A0]  }
0xec: {  	v5 =	vld [tilespmem:s20+$0x86F0];
	v30 =	vadd.f32 v30, v31  }
0xed: {  	v31 =	vld [tilespmem:s20+$0x620]  }
0xee: {  	v30 =	vsub.f32 v30, v52;
	v52 =	vld [tilespmem:s20+$0x8640]  }
0xef: {  	v4 =	vmul.f32 v4, v4;
	[tilespmem:$0x1FC00] =	vst v18;
	v18 =	vld [tilespmem:s20+$0x107E0]  }
0xf0: {  	v7 =	vadd.f32 v7, v15;
	[tilespmem:$0x1FC30] =	vst v57;
	v57 =	vld [tilespmem:s20+$0x7A0]  }
0xf1: {  	v15 =	vadd.f32 v4, v3;
	v3 =	vld [tilespmem:s20+$0x106E0];
	v4 =	vadd.f32 v41, v37  }
0xf2: {  	v37 =	vld [tilespmem:s20+$0x106B0]  }
0xf3: {  	v4 =	vsub.f32 v4, v23;
	v23 =	vld [tilespmem:$0x1FB30]  }
0xf4: {  	[tilespmem:$0x1FC70] =	vst v18;
	v18 =	vld [tilespmem:s20+$0x107B0]  }
0xf5: {  	[tilespmem:$0x1FC40] =	vst v57;
	v57 =	vld [tilespmem:s20+$0x10790]  }
0xf6: {  	v41 =	vld [tilespmem:s20+$0x6E0]  }
0xf7: {  	v5 =	vadd.f32 v5, v42;
	v42 =	vld [tilespmem:s20+$0x8620]  }
0xf8: {  	v2 =	vmul.f32 v2, v2;
	v58 =	vld [tilespmem:$0x1FB70]  }
0xf9: {  	v23 =	vsub.f32 v13, v23;
	v13 =	vadd.f32 v40, v38;
	v38 =	vld [tilespmem:s20+$0x8700];
	[tilespmem:$0x1FC90] =	vst v18  }
0xfa: {  	v18 =	vld [tilespmem:s20+$0x800];
	[tilespmem:$0x1FCA0] =	vst v57;
	v57 =	vadd.f32 v2, v0;
	v2 =	vsub.f32 v26, v54;
	v26 =	vmul.f32 v35, v35  }
0xfb: {  	v40 =	vld [tilespmem:s20+$0x86E0]  }
0xfc: {  	v22 =	vadd.f32 v26, v57;
	v26 =	vld [tilespmem:$0x1FB40]  }
0xfd: {  	v27 =	vadd.f32 v27, v33;
	v33 =	vld [tilespmem:$0x1FCB0]  }
0xfe: {  	v59 =	vadd.f32 v60, v59;
	v60 =	vld [tilespmem:$0x1FC70]  }
0xff: {  	v18 =	vadd.f32 v21, v18;
	v21 =	vadd.f32 v25, v24;
	v24 =	vld [tilespmem:s20+$0x700]  }
0x100: {  	v25 =	vadd.f32 v49, v45;
	v45 =	vld [tilespmem:s20+$0x106C0]  }
0x101: {  	v20 =	vsub.f32 v20, v26;
	v26 =	vld [tilespmem:$0x1FB50]  }
0x102: {  	v49 =	vld [tilespmem:s20+$0x6B0]  }
0x103: {  	v18 =	vsub.f32 v18, v48;
	v48 =	vld [tilespmem:s20+$0x86B0]  }
0x104: {  	v21 =	vsub.f32 v21, v56;
	v56 =	vld [tilespmem:s20+$0x10670]  }
0x105: {  	v18 =	vmul.f32 v18, v18;
	v24 =	vadd.f32 v38, v24;
	v38 =	vld [tilespmem:s20+$0x650]  }
0x106: {  	v21 =	vmul.f32 v21, v21;
	v0 =	vadd.f32 v61, v62;
	v61 =	vld [tilespmem:$0x1FB80];
	v13 =	vsub.f32 v13, v26  }
0x107: {  	v26 =	vld [tilespmem:$0x1FB60]  }
0x108: {  	v18 =	vadd.f32 v21, v18;
	v21 =	vld [tilespmem:$0x1FBB0];
	v20 =	vmul.f32 v20, v20;
	v13 =	vmul.f32 v13, v13  }
0x109: {  	v49 =	vadd.f32 v48, v49;
	v62 =	vld [tilespmem:$0x1FBA0]  }
0x10a: {  	v4 =	vmul.f32 v4, v4;
	v13 =	vadd.f32 v20, v13;
	v20 =	vld [tilespmem:$0x1FB90]  }
0x10b: {  	v37 =	vsub.f32 v49, v37;
	v49 =	vld [tilespmem:s20+$0x10700];
	v25 =	vsub.f32 v25, v61  }
0x10c: {  	v26 =	vadd.f32 v26, v58;
	v4 =	vadd.f32 v4, v13;
	v13 =	vld [tilespmem:$0x1FBC0]  }
0x10d: {  	v54 =	vld [tilespmem:s20+$0x8760]  }
0x10e: {  	v35 =	vld [tilespmem:s20+$0x106F0];
	v26 =	vsub.f32 v26, v21;
	v21 =	vmul.f32 v25, v25  }
0x10f: {  	v57 =	vld [tilespmem:s20+$0x10740];
	v20 =	vadd.f32 v20, v62  }
0x110: {  	v18 =	vadd.f32 v21, v18;
	v21 =	vld [tilespmem:$0x1FBE0]  }
0x111: {  	v13 =	vsub.f32 v20, v13;
	v20 =	vld [tilespmem:$0x1FBD0]  }
0x112: {  	v51 =	vld [tilespmem:$0x1FCA0]  }
0x113: {  	v61 =	vld [tilespmem:$0x1FC40]  }
0x114: {  	v16 =	vadd.f32 v16, v28;
	v28 =	vadd.f32 v54, v50;
	v50 =	vld [tilespmem:s20+$0x8670]  }
0x115: {  	v11 =	vsub.f32 v11, v55;
	v25 =	vmul.f32 v26, v26;
	v26 =	vld [tilespmem:$0x1FC00]  }
0x116: {  	v16 =	vsub.f32 v16, v57;
	v21 =	vadd.f32 v20, v21;
	v20 =	vld [tilespmem:$0x1FBF0]  }
0x117: {  	v54 =	vld [tilespmem:s20+$0x8690]  }
0x118: {  	v11 =	vmul.f32 v11, v11;
	v5 =	vsub.f32 v5, v35;
	v35 =	vld [tilespmem:s20+$0x10640];
	v16 =	vmul.f32 v16, v16  }
0x119: {  	v23 =	vmul.f32 v23, v23;
	v58 =	vld [tilespmem:$0x1FC30]  }
0x11a: {  	v11 =	vadd.f32 v11, v16;
	v16 =	vld [tilespmem:$0x1FCD0]  }
0x11b: {  	v20 =	vadd.f32 v20, v26;
	v26 =	vadd.f32 v23, v4;
	v23 =	vld [tilespmem:$0x1FC10]  }
0x11c: {  	v51 =	vsub.f32 v59, v51;
	v59 =	vld [tilespmem:s20+$0x6A0]  }
0x11d: {  	v28 =	vsub.f32 v28, v29;
	v62 =	vld [tilespmem:$0x1FC60]  }
0x11e: {  	v58 =	vadd.f32 v58, v61;
	v61 =	vld [tilespmem:$0x1FC50]  }
0x11f: {  	v57 =	vld [tilespmem:$0x1FCC0];
	v16 =	vsub.f32 v27, v16;
	v27 =	vmul.f32 v28, v28  }
0x120: {  	v23 =	vadd.f32 v23, v63;
	v63 =	vld [tilespmem:$0x1FC80]  }
0x121: {  	v11 =	vadd.f32 v27, v11;
	v27 =	vld [tilespmem:s20+$0x690]  }
0x122: {  	v25 =	vadd.f32 v25, v18;
	v18 =	vld [tilespmem:s20+$0x6D0]  }
0x123: {  	v61 =	vadd.f32 v61, v62;
	v62 =	vld [tilespmem:s20+$0x86C0]  }
0x124: {  	v4 =	vld [tilespmem:s20+$0x86D0]  }
0x125: {  	v23 =	vsub.f32 v23, v60;
	v60 =	vld [tilespmem:s20+$0x6C0];
	v58 =	vsub.f32 v58, v63  }
0x126: {  	v1 =	vmul.f32 v1, v1;
	v55 =	vmul.f32 v51, v51;
	v63 =	vld [tilespmem:$0x1FC90]  }
0x127: {  	v33 =	vadd.f32 v33, v57;
	v16 =	vmul.f32 v16, v16;
	v57 =	vmul.f32 v58, v58;
	v58 =	vld [tilespmem:$0x1FCE0]  }
0x128: {  	v40 =	vadd.f32 v40, v41;
	v29 =	vld [tilespmem:s20+$0x10660]  }
0x129: {  	v51 =	vld [tilespmem:s20+$0x670];
	v1 =	vadd.f32 v55, v1;
	v11 =	vadd.f32 v16, v11  }
0x12a: {  	v16 =	vld [tilespmem:s20+$0x8660];
	v27 =	vadd.f32 v54, v27;
	v4 =	vadd.f32 v4, v18  }
0x12b: {  	v54 =	vld [tilespmem:s20+$0x640];
	v62 =	vadd.f32 v62, v60;
	v61 =	vsub.f32 v61, v63  }
0x12c: {  	v4 =	vsub.f32 v4, v44;
	v33 =	vsub.f32 v33, v58;
	v58 =	vld [tilespmem:$0x1FCF0]  }
0x12d: {  	v1 =	vadd.f32 v57, v1;
	v45 =	vsub.f32 v62, v45;
	v57 =	vmul.f32 v61, v61;
	v61 =	vld [tilespmem:$0x1FD00]  }
0x12e: {  	v14 =	vsub.f32 v27, v14;
	v27 =	vld [tilespmem:s20+$0x610]  }
0x12f: {  	v3 =	vsub.f32 v40, v3;
	v18 =	vld [tilespmem:s20+$0x10650];
	v4 =	vmul.f32 v4, v4;
	v41 =	vmul.f32 v45, v45  }
0x130: {  	v63 =	vld [tilespmem:s20+$0x86A0]  }
0x131: {  	v3 =	vmul.f32 v3, v3;
	v4 =	vadd.f32 v4, v41;
	v1 =	vadd.f32 v57, v1;
	v57 =	vld [tilespmem:s20+$0x680]  }
0x132: {  	v58 =	vadd.f32 v58, v61;
	v61 =	vld [tilespmem:s20+$0x8680]  }
0x133: {  	v60 =	vld [tilespmem:s20+$0x600];
	v3 =	vadd.f32 v3, v4;
	v4 =	vmul.f32 v5, v5  }
0x134: {  	v31 =	vadd.f32 v42, v31;
	v16 =	vadd.f32 v16, v34;
	v5 =	vld [tilespmem:s20+$0x8610]  }
0x135: {  	v38 =	vadd.f32 v43, v38;
	v3 =	vadd.f32 v4, v3;
	v4 =	vld [tilespmem:s20+$0x8600]  }
0x136: {  	v24 =	vsub.f32 v24, v49;
	v55 =	vld [tilespmem:s20+$0x8630];
	v16 =	vsub.f32 v16, v29  }
0x137: {  	v39 =	vadd.f32 v61, v57;
	v57 =	vadd.f32 v63, v59;
	v63 =	vld [tilespmem:s20+$0x10600]  }
0x138: {  	v40 =	vadd.f32 v52, v54;
	v18 =	vsub.f32 v38, v18;
	v61 =	vld [tilespmem:s20+$0x10610]  }
0x139: {  	v28 =	vld [tilespmem:s20+$0x630];
	v32 =	vsub.f32 v39, v32;
	v44 =	vsub.f32 v57, v53  }
0x13a: {  	v14 =	vmul.f32 v14, v14;
	v5 =	vadd.f32 v5, v27;
	v4 =	vadd.f32 v4, v60  }
0x13b: {  	v29 =	vld [tilespmem:s20+$0x10620];
	v32 =	vmul.f32 v32, v32;
	v62 =	vmul.f32 v44, v44;
	v44 =	vsub.f32 v40, v35  }
0x13c: {  	v18 =	vmul.f32 v18, v18;
	v59 =	vadd.f32 v50, v51;
	v4 =	vsub.f32 v4, v63  }
0x13d: {  	v50 =	vld [tilespmem:s20+$0x10630];
	v5 =	vsub.f32 v5, v61;
	v14 =	vadd.f32 v14, v32;
	v32 =	vmul.f32 v44, v44  }
0x13e: {  	(xrf2) =	vadd.scan.msk.f32 $0xffff, v22;
	v28 =	vadd.f32 v55, v28;
	v16 =	vmul.f32 v16, v16;
	v39 =	vsub.f32 v59, v56  }
0x13f: {  	(xrf2) =	vadd.scan.msk.f32 $0xffff, v17;
	v4 =	vmul.f32 v4, v4;
	v5 =	vmul.f32 v5, v5;
	v17 =	vadd.f32 v18, v32;
	v18 =	vld [tilespmem:s20+$0x107C0]  }
0x140: {  	v22 =	vld [tilespmem:s20+$0x10730];
	(xrf2) =	vadd.scan.msk.f32 $0xffff, v15;
	v15 =	vsub.f32 v31, v29;
	v27 =	vmul.f32 v37, v37;
	v14 =	vadd.f32 v62, v14  }
0x141: {  	(xrf2) =	vadd.scan.msk.f32 $0xffff, v26;
	v4 =	vadd.f32 v5, v4;
	v16 =	vadd.f32 v16, v17;
	v17 =	vmul.f32 v39, v39  }
0x142: {  	(xrf2) =	vadd.scan.msk.f32 $0xffff, v25;
	v25 =	vld [tilespmem:s20+$0x10880];
	v5 =	vmul.f32 v15, v15;
	v15 =	vsub.f32 v28, v50;
	v14 =	vadd.f32 v27, v14  }
0x143: {  	(xrf2) =	vadd.scan.msk.f32 $0xffff, v1;
	v1 =	vadd.f32 v17, v16;
	v16 =	vmul.f32 v24, v24;
	v17 =	vmul.f32 v30, v30;
	v24 =	vld [tilespmem:s20+$0x107F0]  }
0x144: {  	(xrf2) =	vadd.scan.msk.f32 $0xffff, v11;
	v4 =	vadd.f32 v5, v4;
	v5 =	vmul.f32 v15, v15;
	v15 =	vld [tilespmem:s20+$0x10940];
	v11 =	vsub.f32 v58, v18  }
0x145: {  	v10 =	vmul.f32 v10, v10;
	v12 =	vsub.f32 v12, v22;
	(xrf2) =	vadd.scan.msk.f32 $0xffff, v3;
	v3 =	vadd.f32 v17, v16  }
0x146: {  	(xrf2) =	vadd.scan.msk.f32 $0xffff, v14;
	v4 =	vadd.f32 v5, v4;
	v5 =	vmul.f32 v11, v11;
	v11 =	vmul.f32 v33, v33  }
0x147: {  	(xrf2) =	vadd.scan.msk.f32 $0xffff, v1;
	v1 =	vadd.f32 v10, v3;
	v3 =	vmul.f32 v12, v12;
	v10 =	vsub.f32 v21, v25  }
0x148: {  	v14 =	vld [tilespmem:s20+$0x108B0];
	v5 =	vadd.f32 v11, v5;
	v11 =	vmul.f32 v23, v23;
	v16 =	vsub.f32 v20, v24  }
0x149: {  	v17 =	vld [tilespmem:s20+$0x109C0];
	v12, _, _ =	vpop (xrf2);
	(xrf2) =	vadd.scan.msk.f32 $0xffff, v4;
	v8 =	vsub.f32 v8, v15;
	v1 =	vadd.f32 v3, v1;
	v3 =	vmul.f32 v10, v10  }
0x14a: {  	v4, _, _ =	vpop (xrf2);
	v10 =	vmul.f32 v13, v13;
	v13 =	vld [tilespmem:s20+$0x10970];
	v5 =	vadd.f32 v11, v5;
	v11 =	vmul.f32 v16, v16  }
0x14b: {  	v6 =	vmul.f32 v6, v6;
	v18, _, _ =	vpop (xrf2);
	v8 =	vmul.f32 v8, v8  }
0x14c: {  	v9 =	vmul.f32 v9, v9;
	v3 =	vadd.f32 v10, v3;
	v16, _, _ =	vpop (xrf2);
	v5 =	vadd.f32 v11, v5  }
0x14d: {  	v7 =	vsub.f32 v7, v14;
	(xrf2) =	vadd.scan.msk.f32 $0xffff, v1;
	v6 =	vadd.f32 v6, v8;
	v8 =	vmul.f32 v19, v19;
	v1, _, _ =	vpop (xrf2)  }
0x14e: {  	v3 =	vadd.f32 v9, v3;
	v9 =	vsub.f32 v36, v17;
	v11, _, _ =	vpop (xrf2)  }
0x14f: {  	v15 =	vld [tilespmem:s20+$0x109E0];
	v6 =	vadd.f32 v8, v6;
	v0 =	vsub.f32 v0, v13;
	v14, _, _ =	vpop (xrf2)  }
0x150: {  	(xrf2) =	vadd.scan.msk.f32 $0xffff, v5;
	v5, _, _ =	vpop (xrf2)  }
0x151: {  	v0 =	vmul.f32 v0, v0;
	v13, _, _ =	vpop (xrf2)  }
0x152: {  	v7 =	vmul.f32 v7, v7;
	v8 =	vmul.f32 v9, v9;
	v9, _, _ =	vpop (xrf2)  }
0x153: {  	v10 =	vld [tilespmem:s20+$0x109F0];
	v0 =	vadd.f32 v0, v6;
	v6, _, _ =	vpop (xrf2)  }
0x154: {  	v3 =	vadd.f32 v7, v3;
	v7 =	vsub.f32 v47, v15;
	v6 =	vbroadcast v6, $0xF  }
0x155: {  	v2 =	vmul.f32 v2, v2  }
0x156: {  	(xrf2) =	vadd.scan.msk.f32 $0xffff, v3;
	v3 =	vmul.f32 v7, v7;
	v7 =	vbroadcast v9, $0xF;
	_ =	sdelay $0x1  }
0x157: {  	v10 =	vsub.f32 v46, v10;
	v2 =	vadd.f32 v2, v8;
	(xrf2) =	vadd.scan.msk.f32 $0xffff, v0;
	v0 =	vsel vm0, v6, v7;
	v6, _, _ =	vpop (xrf2)  }
0x158: {  	v8 =	vbroadcast v13, $0xF;
	v6 =	vbroadcast v6, $0xF  }
0x159: {  	v5 =	vbroadcast v5, $0xF;
	v2 =	vadd.f32 v3, v2;
	v3 =	vmul.f32 v10, v10  }
0x15a: {  	v0 =	vsel vm1, v0, v8  }
0x15b: {  	v2 =	vadd.f32 v3, v2;
	v3 =	vbroadcast v14, $0xF;
	v0 =	vsel vm2, v0, v5  }
0x15c: {  	v5 =	vbroadcast v11, $0xF;
	v0 =	vsel vm3, v0, v6;
	v6, _, _ =	vpop (xrf2)  }
0x15d: {  	v0 =	vsel vm4, v0, v3;
	(xrf2) =	vadd.scan.msk.f32 $0xffff, v2;
	v2 =	vbroadcast v6, $0xF  }
0x15e: {  	v1 =	vbroadcast v1, $0xF;
	v0 =	vsel vm5, v0, v5  }
0x15f: {  	v3, _, _ =	vpop (xrf2);
	v0 =	vsel vm6, v0, v2;
	v2 =	vbroadcast v16, $0xF  }
0x160: {  	v0 =	vsel vm7, v0, v1;
	v1 =	vbroadcast v3, $0xF  }
0x161: {  	v0 =	vsel vm8, v0, v2;
	v2 =	vbroadcast v18, $0xF  }
0x162: {  	v0 =	vsel vm9, v0, v1;
	v1 =	vbroadcast v4, $0xF  }
0x163: {  	v0 =	vsel vm10, v0, v2  }
0x164: {  	v3, _, _ =	vpop (xrf2);
	v0 =	vsel vm11, v0, v1;
	v1 =	vbroadcast v12, $0xF  }
0x165: {  	v2 =	vbroadcast v3, $0xF;
	_ =	sdelay $0x1  }
0x166: {  	v0 =	vsel vm12, v0, v2  }
0x167: {  	v0 =	vsel vm13, v0, v1;
	v1, _, _ =	vpop (xrf2)  }
0x168: {  	v0 =	vsel vm14, v0, v1  }
0x169: {  	v1 =	vshra.s32 v0, $0x1;
	v2 =	vmul.f32 $5.000000000e-01, v0  }
0x16a: {  	v1 =	vsub.s32 $0x5F3759DF, v1  }
0x16b: {  	v3 =	vmul.f32 v1, v2;
	_ =	sdelay $0x1  }
0x16c: {  	v3 =	vmul.f32 v1, v3;
	_ =	sdelay $0x1  }
0x16d: {  	v3 =	vsub.f32 $1.500000000e+00, v3;
	_ =	sdelay $0x1  }
0x16e: {  	v1 =	vmul.f32 v1, v3;
	_ =	sdelay $0x1  }
0x16f: {  	v3 =	vmul.f32 v1, v2;
	_ =	sdelay $0x1  }
0x170: {  	v3 =	vmul.f32 v3, v1;
	_ =	sdelay $0x1  }
0x171: {  	v3 =	vsub.f32 $1.500000000e+00, v3;
	_ =	sdelay $0x1  }
0x172: {  	v1 =	vmul.f32 v3, v1;
	_ =	sdelay $0x1  }
0x173: {  	v2 =	vmul.f32 v1, v2;
	_ =	sdelay $0x1  }
0x174: {  	v2 =	vmul.f32 v2, v1;
	_ =	sdelay $0x1  }
0x175: {  	v2 =	vsub.f32 $1.500000000e+00, v2;
	_ =	sdelay $0x1  }
0x176: {  	v1 =	vmul.f32 v2, v1;
	_ =	sdelay $0x1  }
0x177: {  	v0 =	vmul.f32 v1, v0;
	_ =	sdelay $0x1  }
0x178: {  	s18 =	simm.s32 $0x400;
	[tilespmem:s16+$0x0] =	vst v0  }
0x179: {  	v0 =	vld [tilespmem:s18+$0x89F0]  }
0x17a: {  	v46 =	vld [tilespmem:s18+$0x9F0]  }
0x17b: {  	v43 =	vld [tilespmem:s18+$0x89E0]  }
0x17c: {  	v41 =	vld [tilespmem:s18+$0x9E0]  }
0x17d: {  	v47 =	vld [tilespmem:s18+$0x109D0]  }
0x17e: {  	v48 =	vld [tilespmem:s18+$0x109B0]  }
0x17f: {  	v53 =	vld [tilespmem:s18+$0x89D0]  }
0x180: {  	v54 =	vld [tilespmem:s18+$0x9D0]  }
0x181: {  	v55 =	vld [tilespmem:s18+$0x89C0]  }
0x182: {  	v56 =	vld [tilespmem:s18+$0x9C0]  }
0x183: {  	v18 =	vld [tilespmem:s18+$0x89B0]  }
0x184: {  	v57 =	vld [tilespmem:s18+$0x9B0]  }
0x185: {  	v58 =	vld [tilespmem:s18+$0x109A0]  }
0x186: {  	v15 =	vld [tilespmem:s18+$0x89A0]  }
0x187: {  	v22 =	vld [tilespmem:s18+$0x9A0]  }
0x188: {  	v59 =	vld [tilespmem:s18+$0x10990]  }
0x189: {  	v60 =	vld [tilespmem:s18+$0x10980]  }
0x18a: {  	v61 =	vld [tilespmem:s18+$0x8970]  }
0x18b: {  	v62 =	vld [tilespmem:s18+$0x970]  }
0x18c: {  	v63 =	vld [tilespmem:s18+$0x10960]  }
0x18d: {  	v50 =	vld [tilespmem:s18+$0x10930]  }
0x18e: {  	v21 =	vld [tilespmem:s18+$0x8990]  }
0x18f: {  	v2 =	vld [tilespmem:s18+$0x990]  }
0x190: {  	v1 =	vld [tilespmem:s18+$0x8980]  }
0x191: {  	v26 =	vld [tilespmem:s18+$0x8960]  }
0x192: {  	v19 =	vld [tilespmem:s18+$0x960]  }
0x193: {  	v3 =	vld [tilespmem:s18+$0x10950]  }
0x194: {  	v27 =	vld [tilespmem:s18+$0x8930]  }
0x195: {  	v23 =	vld [tilespmem:s18+$0x930]  }
0x196: {  	v30 =	vld [tilespmem:s18+$0x10920]  }
0x197: {  	v12 =	vld [tilespmem:s18+$0x8920]  }
0x198: {  	v9 =	vld [tilespmem:s18+$0x920]  }
0x199: {  	v24 =	vld [tilespmem:s18+$0x10910]  }
0x19a: {  	v32 =	vld [tilespmem:s18+$0x10900]  }
0x19b: {  	v38 =	vld [tilespmem:s18+$0x88F0]  }
0x19c: {  	v34 =	vld [tilespmem:s18+$0x8F0]  }
0x19d: {  	v40 =	vld [tilespmem:s18+$0x108E0]  }
0x19e: {  	v8 =	vld [tilespmem:s18+$0x8910]  }
0x19f: {  	v7 =	vld [tilespmem:s18+$0x910]  }
0x1a0: {  	v11 =	vld [tilespmem:s18+$0x8900]  }
0x1a1: {  	v20 =	vld [tilespmem:s18+$0x88A0]  }
0x1a2: {  	[tilespmem:$0x1FD60] =	vst v3;
	v3 =	vld [tilespmem:s18+$0x108F0]  }
0x1a3: {  	v10 =	vld [tilespmem:s18+$0x900]  }
0x1a4: {  	v14 =	vld [tilespmem:s18+$0x88E0]  }
0x1a5: {  	v13 =	vld [tilespmem:s18+$0x8E0]  }
0x1a6: {  	[tilespmem:$0x1FDD0] =	vst v20;
	v20 =	vld [tilespmem:s18+$0x10890]  }
0x1a7: {  	[tilespmem:$0x1FD50] =	vst v3;
	v3 =	vld [tilespmem:s18+$0x8950]  }
0x1a8: {  	v17 =	vld [tilespmem:s18+$0x108D0]  }
0x1a9: {  	v16 =	vld [tilespmem:s18+$0x108C0]  }
0x1aa: {  	v6 =	vld [tilespmem:s18+$0x88D0]  }
0x1ab: {  	[tilespmem:$0x1FEB0] =	vst v20;
	v20 =	vld [tilespmem:s18+$0x8870]  }
0x1ac: {  	[tilespmem:$0x1FD30] =	vst v3;
	v3 =	vld [tilespmem:s18+$0x950]  }
0x1ad: {  	v5 =	vld [tilespmem:s18+$0x8D0]  }
0x1ae: {  	v4 =	vld [tilespmem:s18+$0x88C0]  }
0x1af: {  	v52 =	vld [tilespmem:s18+$0x8A0]  }
0x1b0: {  	[tilespmem:$0x1FDE0] =	vst v20;
	v20 =	vld [tilespmem:s18+$0x870]  }
0x1b1: {  	[tilespmem:$0x1FD40] =	vst v3;
	v3 =	vld [tilespmem:s18+$0x8940]  }
0x1b2: {  	v39 =	vld [tilespmem:s18+$0x8860]  }
0x1b3: {  	v36 =	vld [tilespmem:s18+$0x860]  }
0x1b4: {  	v33 =	vld [tilespmem:s18+$0x8850]  }
0x1b5: {  	[tilespmem:$0x1FDF0] =	vst v20;
	v20 =	vld [tilespmem:s18+$0x10860]  }
0x1b6: {  	[tilespmem:$0x1FD70] =	vst v3;
	v3 =	vld [tilespmem:s18+$0x940]  }
0x1b7: {  	v31 =	vld [tilespmem:s18+$0x850]  }
0x1b8: {  	v37 =	vld [tilespmem:s18+$0x8840]  }
0x1b9: {  	v35 =	vld [tilespmem:s18+$0x840]  }
0x1ba: {  	[tilespmem:$0x1FE10] =	vst v20;
	v20 =	vld [tilespmem:s18+$0x10830]  }
0x1bb: {  	[tilespmem:$0x1FD80] =	vst v3;
	v3 =	vld [tilespmem:s18+$0x88B0]  }
0x1bc: {  	v45 =	vld [tilespmem:s18+$0x8820]  }
0x1bd: {  	v42 =	vld [tilespmem:s18+$0x820]  }
0x1be: {  	v49 =	vld [tilespmem:s18+$0x10810]  }
0x1bf: {  	[tilespmem:$0x1FEA0] =	vst v20;
	v20 =	vld [tilespmem:s18+$0x8890]  }
0x1c0: {  	[tilespmem:$0x1FDA0] =	vst v3;
	v3 =	vld [tilespmem:s18+$0x8B0]  }
0x1c1: {  	v44 =	vld [tilespmem:s18+$0x10800]  }
0x1c2: {  	v29 =	vld [tilespmem:s18+$0x8810]  }
0x1c3: {  	v28 =	vld [tilespmem:s18+$0x810]  }
0x1c4: {  	[tilespmem:$0x1FE80] =	vst v20;
	v20 =	vld [tilespmem:s18+$0x890]  }
0x1c5: {  	[tilespmem:$0x1FDB0] =	vst v3;
	v3 =	vld [tilespmem:s18+$0x108A0]  }
0x1c6: {  	v51 =	vld [tilespmem:s18+$0x87E0]  }
0x1c7: {  	v25 =	vld [tilespmem:s18+$0x8800]  }
0x1c8: {  	[tilespmem:$0x1FD10] =	vst v0;
	v0 =	vld [tilespmem:s18+$0x980]  }
0x1c9: {  	[tilespmem:$0x1FE90] =	vst v20;
	v20 =	vld [tilespmem:s18+$0x8880]  }
0x1ca: {  	[tilespmem:$0x1FE00] =	vst v3;
	v3 =	vld [tilespmem:s18+$0x10870]  }
0x1cb: {  	[tilespmem:$0x1FF00] =	vst v51;
	v51 =	vld [tilespmem:s18+$0x7E0];
	v57 =	vadd.f32 v18, v57  }
0x1cc: {  	v18 =	vld [tilespmem:s18+$0x10760];
	v7 =	vadd.f32 v8, v7;
	v10 =	vadd.f32 v11, v10  }
0x1cd: {  	v53 =	vadd.f32 v53, v54;
	v54 =	vld [tilespmem:s18+$0x790]  }
0x1ce: {  	v11 =	vsub.f32 v7, v24;
	v10 =	vsub.f32 v10, v32;
	[tilespmem:$0x1FEC0] =	vst v20;
	v20 =	vld [tilespmem:s18+$0x880]  }
0x1cf: {  	[tilespmem:$0x1FE20] =	vst v3;
	v3 =	vld [tilespmem:s18+$0x8C0]  }
0x1d0: {  	v9 =	vadd.f32 v12, v9;
	v10 =	vmul.f32 v10, v10;
	v11 =	vmul.f32 v11, v11;
	[tilespmem:$0x1FF10] =	vst v51;
	v51 =	vld [tilespmem:s18+$0x107D0]  }
0x1d1: {  	v19 =	vadd.f32 v26, v19;
	v26 =	vld [tilespmem:s18+$0x10740]  }
0x1d2: {  	v8 =	vsub.f32 v9, v30;
	v10 =	vadd.f32 v11, v10;
	v11 =	vld [tilespmem:$0x1FD30]  }
0x1d3: {  	v5 =	vadd.f32 v6, v5;
	[tilespmem:$0x1FED0] =	vst v20;
	v20 =	vld [tilespmem:s18+$0x10850]  }
0x1d4: {  	v6 =	vadd.f32 v14, v13;
	v8 =	vmul.f32 v8, v8;
	v13 =	vld [tilespmem:$0x1FD40];
	v3 =	vadd.f32 v4, v3  }
0x1d5: {  	v5 =	vsub.f32 v5, v17;
	[tilespmem:$0x1FFD0] =	vst v51;
	v51 =	vld [tilespmem:s18+$0x87B0]  }
0x1d6: {  	v8 =	vadd.f32 v8, v10;
	v10 =	vld [tilespmem:$0x1FD60];
	v3 =	vsub.f32 v3, v16  }
0x1d7: {  	v12 =	vadd.f32 v27, v23;
	v27 =	vld [tilespmem:s18+$0x8750]  }
0x1d8: {  	v6 =	vsub.f32 v6, v40;
	v5 =	vmul.f32 v5, v5;
	[tilespmem:$0x1FE30] =	vst v20;
	v20 =	vld [tilespmem:s18+$0x10840];
	v3 =	vmul.f32 v3, v3  }
0x1d9: {  	v23 =	vld [tilespmem:s18+$0x720];
	v11 =	vadd.f32 v11, v13  }
0x1da: {  	v6 =	vmul.f32 v6, v6;
	[tilespmem:$0x1FF40] =	vst v51;
	v51 =	vld [tilespmem:s18+$0x7B0];
	v3 =	vadd.f32 v5, v3  }
0x1db: {  	v40 =	vsub.f32 v11, v10;
	v10 =	vld [tilespmem:$0x1FD80]  }
0x1dc: {  	v3 =	vadd.f32 v6, v3;
	v6 =	vld [tilespmem:$0x1FD70]  }
0x1dd: {  	[tilespmem:$0x1FE40] =	vst v20;
	v20 =	vld [tilespmem:s18+$0x8830]  }
0x1de: {  	v63 =	vsub.f32 v19, v63;
	v19 =	vld [tilespmem:s18+$0x730]  }
0x1df: {  	[tilespmem:$0x1FF50] =	vst v51;
	v51 =	vld [tilespmem:s18+$0x107A0]  }
0x1e0: {  	v7 =	vld [tilespmem:s18+$0x10720]  }
0x1e1: {  	v11 =	vld [tilespmem:$0x1FDB0];
	v6 =	vadd.f32 v6, v10  }
0x1e2: {  	[tilespmem:$0x1FE50] =	vst v20;
	v20 =	vld [tilespmem:s18+$0x830]  }
0x1e3: {  	[tilespmem:$0x1FD90] =	vst v6;
	v6 =	vld [tilespmem:$0x1FDA0]  }
0x1e4: {  	[tilespmem:$0x1FF70] =	vst v51;
	v51 =	vld [tilespmem:s18+$0x10770]  }
0x1e5: {  	v17 =	vld [tilespmem:s18+$0x750]  }
0x1e6: {  	v32 =	vld [tilespmem:s18+$0x8740]  }
0x1e7: {  	v9 =	vsub.f32 v12, v50;
	v12 =	vadd.f32 v38, v34;
	v34 =	vld [tilespmem:s18+$0x740]  }
0x1e8: {  	[tilespmem:$0x1FE60] =	vst v20;
	v20 =	vld [tilespmem:s18+$0x10820];
	v6 =	vadd.f32 v6, v11  }
0x1e9: {  	[tilespmem:$0x1FFC0] =	vst v51;
	v51 =	vld [tilespmem:s18+$0x87D0]  }
0x1ea: {  	v9 =	vmul.f32 v9, v9;
	[tilespmem:$0x1FDC0] =	vst v6;
	v6 =	vld [tilespmem:$0x1FDD0]  }
0x1eb: {  	v5 =	vld [tilespmem:$0x1FD50]  }
0x1ec: {  	v14 =	vadd.f32 v9, v8;
	v9 =	vld [tilespmem:$0x1FE00]  }
0x1ed: {  	[tilespmem:$0x1FE70] =	vst v20;
	v20 =	vld [tilespmem:s18+$0x87F0]  }
0x1ee: {  	[tilespmem:$0x1FFA0] =	vst v51;
	v51 =	vld [tilespmem:s18+$0x7D0]  }
0x1ef: {  	v38 =	vld [tilespmem:s18+$0x8720];
	v6 =	vadd.f32 v6, v52  }
0x1f0: {  	v8 =	vld [tilespmem:$0x1FDF0];
	v5 =	vsub.f32 v12, v5  }
0x1f1: {  	v61 =	vadd.f32 v61, v62;
	v62 =	vsub.f32 v6, v9;
	v6 =	vld [tilespmem:$0x1FE10]  }
0x1f2: {  	v5 =	vmul.f32 v5, v5;
	[tilespmem:$0x1FEE0] =	vst v20;
	v20 =	vld [tilespmem:s18+$0x7F0]  }
0x1f3: {  	[tilespmem:$0x1FFB0] =	vst v51;
	v51 =	vld [tilespmem:s18+$0x87C0]  }
0x1f4: {  	v24 =	vadd.f32 v5, v3;
	v3 =	vadd.f32 v39, v36;
	v5 =	vld [tilespmem:$0x1FDE0]  }
0x1f5: {  	v50 =	vld [tilespmem:s18+$0x106E0]  }
0x1f6: {  	v3 =	vsub.f32 v3, v6;
	v6 =	vld [tilespmem:$0x1FE20]  }
0x1f7: {  	[tilespmem:$0x1FEF0] =	vst v20;
	v20 =	vld [tilespmem:s18+$0x107E0]  }
0x1f8: {  	v16 =	vld [tilespmem:$0x1FE40]  }
0x1f9: {  	[tilespmem:$0x1FFE0] =	vst v51;
	v51 =	vld [tilespmem:s18+$0x7C0];
	v5 =	vadd.f32 v5, v8  }
0x1fa: {  	v11 =	vadd.f32 v29, v28;
	v28 =	vld [tilespmem:$0x1FE60]  }
0x1fb: {  	v9 =	vld [tilespmem:$0x1FE30];
	v5 =	vsub.f32 v5, v6;
	v6 =	vadd.f32 v37, v35  }
0x1fc: {  	[tilespmem:$0x1FF60] =	vst v20;
	v20 =	vld [tilespmem:s18+$0x107B0]  }
0x1fd: {  	v6 =	vsub.f32 v6, v16;
	v16 =	vld [tilespmem:$0x1FE50]  }
0x1fe: {  	v0 =	vadd.f32 v1, v0;
	v1 =	vadd.f32 v21, v2;
	v21 =	vld [tilespmem:s18+$0x10780]  }
0x1ff: {  	v2 =	vadd.f32 v15, v22;
	v15 =	vld [tilespmem:s18+$0x8770]  }
0x200: {  	[tilespmem:$0x1FFF0] =	vst v51;
	v51 =	vld [tilespmem:s18+$0x87A0];
	v8 =	vadd.f32 v33, v31  }
0x201: {  	[tilespmem:$0x1FF80] =	vst v20;
	v20 =	vld [tilespmem:s18+$0x800]  }
0x202: {  	v8 =	vsub.f32 v8, v9;
	v16 =	vadd.f32 v16, v28;
	v28 =	vld [tilespmem:$0x1FE70]  }
0x203: {  	v22 =	vld [tilespmem:s18+$0x770]  }
0x204: {  	v2 =	vsub.f32 v2, v58;
	v58 =	vld [tilespmem:s18+$0x8790];
	v8 =	vmul.f32 v8, v8;
	v6 =	vmul.f32 v6, v6  }
0x205: {  	v1 =	vsub.f32 v1, v59;
	v13 =	vadd.f32 v45, v42;
	[tilespmem:$0x1FF20] =	vst v51;
	v51 =	vld [tilespmem:s18+$0x7A0]  }
0x206: {  	v9 =	vadd.f32 v25, v20;
	v6 =	vadd.f32 v8, v6;
	v8 =	vld [tilespmem:$0x1FE80]  }
0x207: {  	v59 =	vadd.f32 v43, v41;
	v3 =	vmul.f32 v3, v3;
	v13 =	vsub.f32 v13, v28;
	v28 =	vld [tilespmem:$0x1FE90]  }
0x208: {  	v41 =	vld [tilespmem:s18+$0x780];
	v11 =	vsub.f32 v11, v49;
	v9 =	vsub.f32 v9, v44  }
0x209: {  	v5 =	vmul.f32 v5, v5;
	v6 =	vadd.f32 v3, v6;
	v3 =	vld [tilespmem:$0x1FEB0]  }
0x20a: {  	v43 =	vld [tilespmem:s18+$0x8760];
	v11 =	vmul.f32 v11, v11;
	v9 =	vmul.f32 v9, v9  }
0x20b: {  	[tilespmem:$0x1FF30] =	vst v51;
	v51 =	vld [tilespmem:s18+$0x10790];
	v49 =	vadd.f32 v5, v6  }
0x20c: {  	v5 =	vld [tilespmem:$0x1FF00];
	v9 =	vadd.f32 v11, v9;
	v13 =	vmul.f32 v13, v13;
	v8 =	vadd.f32 v8, v28  }
0x20d: {  	v11 =	vld [tilespmem:$0x1FEA0]  }
0x20e: {  	v3 =	vsub.f32 v8, v3;
	v8 =	vadd.f32 v13, v9;
	v9 =	vld [tilespmem:$0x1FEC0]  }
0x20f: {  	v13 =	vld [tilespmem:$0x1FED0]  }
0x210: {  	v0 =	vsub.f32 v0, v60;
	v6 =	vld [tilespmem:$0x1FF10]  }
0x211: {  	v60 =	vsub.f32 v53, v47;
	[tilespmem:$0x1FF90] =	vst v51;
	v51 =	vld [tilespmem:$0x1FD10]  }
0x212: {  	v47 =	vld [tilespmem:s18+$0x6F0];
	v0 =	vmul.f32 v0, v0;
	v1 =	vmul.f32 v1, v1;
	v11 =	vsub.f32 v16, v11  }
0x213: {  	v53 =	vld [tilespmem:s18+$0x86C0];
	v32 =	vadd.f32 v32, v34;
	v34 =	vadd.f32 v38, v23  }
0x214: {  	v23 =	vld [tilespmem:s18+$0x680];
	v0 =	vadd.f32 v1, v0;
	v9 =	vadd.f32 v9, v13;
	v13 =	vmul.f32 v11, v11  }
0x215: {  	v1 =	vsub.f32 v57, v48;
	v5 =	vadd.f32 v5, v6;
	v6 =	vld [tilespmem:$0x1FF20]  }
0x216: {  	v48 =	vadd.f32 v51, v46;
	v51 =	vadd.f32 v13, v8;
	v8 =	vld [tilespmem:$0x1FF30]  }
0x217: {  	v2 =	vmul.f32 v2, v2;
	v57 =	vld [tilespmem:s18+$0x8780]  }
0x218: {  	v54 =	vadd.f32 v58, v54;
	v58 =	vld [tilespmem:s18+$0x86A0]  }
0x219: {  	v0 =	vadd.f32 v2, v0;
	v2 =	vadd.f32 v55, v56;
	v55 =	vld [tilespmem:s18+$0x6C0]  }
0x21a: {  	v1 =	vmul.f32 v1, v1;
	v13 =	vld [tilespmem:$0x1FF50]  }
0x21b: {  	v6 =	vadd.f32 v6, v8;
	v8 =	vld [tilespmem:$0x1FF40]  }
0x21c: {  	[tilespmem:$0x1FD20] =	vst v2;
	v2 =	vadd.f32 v1, v0;
	v0 =	vld [tilespmem:s18+$0x10750]  }
0x21d: {  	v1 =	vld [tilespmem:s18+$0x8730]  }
0x21e: {  	v42 =	vld [tilespmem:s18+$0x86B0]  }
0x21f: {  	v45 =	vld [tilespmem:s18+$0x106A0]  }
0x220: {  	v8 =	vadd.f32 v8, v13;
	v13 =	vld [tilespmem:$0x1FF60]  }
0x221: {  	v4 =	vld [tilespmem:s18+$0x106F0]  }
0x222: {  	v12 =	vld [tilespmem:s18+$0x10710]  }
0x223: {  	v10 =	vld [tilespmem:s18+$0x86F0]  }
0x224: {  	v36 =	vld [tilespmem:s18+$0x106B0]  }
0x225: {  	v13 =	vsub.f32 v5, v13;
	v5 =	vld [tilespmem:$0x1FF70]  }
0x226: {  	v39 =	vld [tilespmem:s18+$0x106C0]  }
0x227: {  	v46 =	vld [tilespmem:s18+$0x760]  }
0x228: {  	v31 =	vld [tilespmem:s18+$0x8710]  }
0x229: {  	v33 =	vld [tilespmem:s18+$0x710]  }
0x22a: {  	v5 =	vsub.f32 v6, v5;
	v6 =	vld [tilespmem:$0x1FF80]  }
0x22b: {  	v29 =	vld [tilespmem:s18+$0x700]  }
0x22c: {  	v17 =	vadd.f32 v27, v17;
	v27 =	vadd.f32 v43, v46;
	v43 =	vld [tilespmem:s18+$0x10680]  }
0x22d: {  	v46 =	vld [tilespmem:s18+$0x8670]  }
0x22e: {  	v20 =	vld [tilespmem:s18+$0x86E0]  }
0x22f: {  	v56 =	vsub.f32 v8, v6;
	v8 =	vld [tilespmem:$0x1FF90]  }
0x230: {  	v25 =	vld [tilespmem:s18+$0x6E0]  }
0x231: {  	v52 =	vld [tilespmem:s18+$0x6D0]  }
0x232: {  	v35 =	vld [tilespmem:s18+$0x8700];
	v6 =	vadd.f32 v57, v41  }
0x233: {  	v37 =	vld [tilespmem:s18+$0x106D0]  }
0x234: {  	v44 =	vld [tilespmem:s18+$0x6B0];
	v6 =	vsub.f32 v6, v21;
	v8 =	vsub.f32 v54, v8  }
0x235: {  	(xrf2) =	vadd.scan.msk.f32 $0xffff, v2;
	v2 =	vadd.f32 v20, v25;
	v20 =	vld [tilespmem:s18+$0x8620]  }
0x236: {  	v28 =	vld [tilespmem:$0x1FEF0];
	v6 =	vmul.f32 v6, v6;
	v8 =	vmul.f32 v8, v8  }
0x237: {  	v11 =	vld [tilespmem:$0x1FEE0]  }
0x238: {  	v15 =	vadd.f32 v15, v22;
	v22 =	vadd.f32 v8, v6;
	v6 =	vld [tilespmem:$0x1FFA0]  }
0x239: {  	v8 =	vld [tilespmem:$0x1FFB0]  }
0x23a: {  	v0 =	vsub.f32 v17, v0;
	v25 =	vld [tilespmem:s18+$0x620];
	v21 =	vsub.f32 v32, v26  }
0x23b: {  	v17 =	vsub.f32 v27, v18;
	v16 =	vld [tilespmem:s18+$0x10670]  }
0x23c: {  	v11 =	vadd.f32 v11, v28;
	v28 =	vld [tilespmem:s18+$0x86D0];
	v18 =	vmul.f32 v21, v21;
	v21 =	vmul.f32 v0, v0  }
0x23d: {  	v41 =	vld [tilespmem:s18+$0x6A0]  }
0x23e: {  	v17 =	vmul.f32 v17, v17;
	v18 =	vadd.f32 v21, v18;
	v26 =	vadd.f32 v6, v8;
	v8 =	vld [tilespmem:$0x1FFC0]  }
0x23f: {  	v32 =	vld [tilespmem:s18+$0x690]  }
0x240: {  	v5 =	vmul.f32 v5, v5;
	v27 =	vadd.f32 v17, v18;
	v17 =	vld [tilespmem:$0x1FFE0]  }
0x241: {  	v18 =	vld [tilespmem:$0x1FFF0]  }
0x242: {  	v5 =	vadd.f32 v5, v22;
	v22 =	vld [tilespmem:s18+$0x8690]  }
0x243: {  	v21 =	vsub.f32 v15, v8;
	v15 =	vld [tilespmem:$0x1FFD0]  }
0x244: {  	v10 =	vadd.f32 v10, v47;
	v57 =	vld [tilespmem:s18+$0x670]  }
0x245: {  	v0 =	vld [tilespmem:s18+$0x10660]  }
0x246: {  	v47 =	vsub.f32 v10, v4;
	v54 =	vld [tilespmem:s18+$0x10690];
	v17 =	vadd.f32 v17, v18  }
0x247: {  	v18 =	vadd.f32 v1, v19;
	v19 =	vsub.f32 v34, v7;
	v7 =	vld [tilespmem:s18+$0x10650];
	v21 =	vmul.f32 v21, v21  }
0x248: {  	v34 =	vld [tilespmem:s18+$0x640];
	v22 =	vadd.f32 v22, v32;
	v15 =	vsub.f32 v26, v15;
	v26 =	vmul.f32 v56, v56  }
0x249: {  	v6 =	vld [tilespmem:s18+$0x8630];
	v1 =	vadd.f32 v21, v27;
	v21 =	vadd.f32 v53, v55  }
0x24a: {  	v32 =	vld [tilespmem:s18+$0x8640];
	v5 =	vadd.f32 v26, v5;
	v26 =	vadd.f32 v28, v52  }
0x24b: {  	(xrf2) =	vadd.scan.msk.f32 $0xffff, v14;
	v14 =	vadd.f32 v58, v41;
	v58 =	vsub.f32 v22, v54;
	v56 =	vld [tilespmem:s18+$0x8680]  }
0x24c: {  	v22 =	vld [tilespmem:s18+$0x8610];
	v4 =	vsub.f32 v21, v39;
	v10 =	vsub.f32 v26, v37  }
0x24d: {  	v8 =	vld [tilespmem:s18+$0x630];
	v21 =	vadd.f32 v31, v33  }
0x24e: {  	v2 =	vsub.f32 v2, v50;
	v27 =	vld [tilespmem:s18+$0x8660];
	v55 =	vmul.f32 v4, v4;
	v37 =	vmul.f32 v10, v10  }
0x24f: {  	v53 =	vadd.f32 v42, v44;
	v31 =	vld [tilespmem:s18+$0x8650];
	v4 =	vsub.f32 v21, v12  }
0x250: {  	v2 =	vmul.f32 v2, v2;
	v33 =	vld [tilespmem:s18+$0x610];
	v56 =	vadd.f32 v56, v23;
	v12 =	vadd.f32 v37, v55  }
0x251: {  	v28 =	vld [tilespmem:s18+$0x660];
	v21 =	vsub.f32 v53, v36  }
0x252: {  	(xrf2) =	vadd.scan.msk.f32 $0xffff, v24;
	v26 =	vld [tilespmem:s18+$0x10640];
	v24 =	vsub.f32 v56, v43;
	v2 =	vadd.f32 v2, v12;
	v12 =	vmul.f32 v47, v47  }
0x253: {  	(xrf2) =	vadd.scan.msk.f32 $0xffff, v49;
	v39 =	vmul.f32 v58, v58;
	v36 =	vsub.f32 v14, v45;
	v10 =	vadd.f32 v35, v29;
	v29 =	vld [tilespmem:s18+$0x650]  }
0x254: {  	s19 =	simm.s32 $0x18600;
	s20 =	simm.s32 $0x2000;
	v14, _, _ =	vpop (xrf2);
	(xrf2) =	vadd.scan.msk.f32 $0xffff, v51;
	v35 =	vld [tilespmem:s18+$0x8600];
	v37 =	vadd.f32 v46, v57;
	v38 =	vmul.f32 v24, v24;
	v12 =	vadd.f32 v12, v2  }
.LBB2_2:
0x255: {  	v24 =	vld [tilespmem:s18+$0x600];
	_ =	sdelay $0x1  }
0x256: {  	v6 =	vadd.f32 v6, v8;
	v8 =	vsub.f32 v37, v16  }
0x257: {  	v58 =	vld [tilespmem:s18+$0x10600];
	v27 =	vadd.f32 v27, v28;
	v28 =	vadd.f32 v39, v38  }
0x258: {  	v16 =	vld [tilespmem:s18+$0x10610];
	v32 =	vadd.f32 v32, v34;
	v29 =	vadd.f32 v31, v29  }
0x259: {  	v36 =	vmul.f32 v36, v36;
	v22 =	vadd.f32 v22, v33;
	v24 =	vadd.f32 v35, v24  }
0x25a: {  	v26 =	vsub.f32 v32, v26;
	v7 =	vsub.f32 v29, v7  }
0x25b: {  	v2, _, _ =	vpop (xrf2);
	(xrf2) =	vadd.scan.msk.f32 $0xffff, v5;
	v5 =	vsub.f32 v27, v0;
	v27 =	vadd.f32 v36, v28;
	v28 =	vld [tilespmem:s18+$0x10620]  }
0x25c: {  	v20 =	vadd.f32 v20, v25;
	v29 =	vld [tilespmem:s18+$0x10700];
	v23 =	vmul.f32 v26, v26;
	v7 =	vmul.f32 v7, v7  }
0x25d: {  	v25 =	vld [tilespmem:s18+$0x10630];
	v24 =	vsub.f32 v24, v58;
	v16 =	vsub.f32 v22, v16  }
0x25e: {  	v0, _, _ =	vpop (xrf2);
	(xrf2) =	vadd.scan.msk.f32 $0xffff, v1;
	v5 =	vmul.f32 v5, v5;
	v7 =	vadd.f32 v7, v23  }
0x25f: {  	v1, _, _ =	vpop (xrf2);
	(xrf2) =	vadd.scan.msk.f32 $0xffff, v12;
	v12 =	vmul.f32 v24, v24;
	v16 =	vmul.f32 v16, v16  }
0x260: {  	v21 =	vmul.f32 v21, v21;
	v22 =	vld [tilespmem:s18+$0x107C0];
	v23 =	vsub.f32 v20, v28;
	v5 =	vadd.f32 v5, v7  }
0x261: {  	v7 =	vmul.f32 v8, v8;
	v8 =	vsub.f32 v10, v29;
	v10 =	vadd.f32 v16, v12;
	v16 =	vld [tilespmem:s18+$0x10880]  }
0x262: {  	v6 =	vsub.f32 v6, v25;
	v12 =	vmul.f32 v23, v23  }
0x263: {  	v21 =	vadd.f32 v21, v27  }
0x264: {  	v6 =	vmul.f32 v6, v6;
	v5 =	vadd.f32 v7, v5;
	v10 =	vadd.f32 v12, v10  }
0x265: {  	v24 =	vld [tilespmem:s18+$0x10730];
	v26, _, _ =	vpop (xrf2);
	(xrf2) =	vadd.scan.msk.f32 $0xffff, v21;
	v12 =	vsub.f32 v17, v22  }
0x266: {  	v7 =	vmul.f32 v8, v8;
	v8 =	vld [tilespmem:s18+$0x107F0];
	v20, _, _ =	vpop (xrf2);
	(xrf2) =	vadd.scan.msk.f32 $0xffff, v5;
	v5 =	vadd.f32 v6, v10;
	v16 =	vsub.f32 v9, v16  }
0x267: {  	v6 =	vmul.f32 v12, v12;
	v10 =	vmul.f32 v15, v15;
	v12 =	vld [tilespmem:s18+$0x108B0]  }
0x268: {  	v4 =	vmul.f32 v4, v4;
	v15, _, _ =	vpop (xrf2);
	(xrf2) =	vadd.scan.msk.f32 $0xffff, v5;
	v5 =	vmul.f32 v16, v16;
	v16 =	vld [tilespmem:$0x1FDC0]  }
0x269: {  	v6 =	vadd.f32 v10, v6;
	v10 =	vmul.f32 v13, v13  }
0x26a: {  	v17 =	vsub.f32 v18, v24;
	v18 =	vld [tilespmem:s18+$0x10940];
	v4 =	vadd.f32 v4, v7;
	v7 =	vmul.f32 v19, v19  }
0x26b: {  	v3 =	vmul.f32 v3, v3;
	v6 =	vadd.f32 v10, v6;
	v10 =	vld [tilespmem:$0x1FD90]  }
0x26c: {  	v4 =	vadd.f32 v7, v4;
	v7 =	vmul.f32 v17, v17;
	v8 =	vsub.f32 v11, v8  }
0x26d: {  	v11 =	vld [tilespmem:s18+$0x109C0];
	v3 =	vadd.f32 v3, v5;
	v5 =	vmul.f32 v62, v62;
	v12 =	vsub.f32 v16, v12  }
0x26e: {  	v4 =	vadd.f32 v7, v4;
	v7 =	vld [tilespmem:s18+$0x10970]  }
0x26f: {  	v3 =	vadd.f32 v5, v3;
	v5 =	vmul.f32 v12, v12;
	v12 =	vld [tilespmem:$0x1FD20]  }
0x270: {  	v8 =	vmul.f32 v8, v8;
	v10 =	vsub.f32 v10, v18  }
0x271: {  	v9, _, _ =	vpop (xrf2);
	v13 =	vld [tilespmem:s18+$0x109E0];
	(xrf2) =	vadd.scan.msk.f32 $0xffff, v4  }
0x272: {  	v4 =	vadd.f32 v8, v6;
	v8 =	vmul.f32 v40, v40;
	v6 =	vmul.f32 v10, v10;
	v10 =	vld [tilespmem:s18+$0x109F0]  }
0x273: {  	v7 =	vsub.f32 v61, v7  }
0x274: {  	v16, _, _ =	vpop (xrf2);
	(xrf2) =	vadd.scan.msk.f32 $0xffff, v4;
	v6 =	vadd.f32 v8, v6;
	v8 =	vmul.f32 v63, v63;
	v11 =	vsub.f32 v12, v11  }
0x275: {  	v4 =	vmul.f32 v60, v60;
	v7 =	vmul.f32 v7, v7;
	v3 =	vadd.f32 v5, v3  }
0x276: {  	v5 =	vsub.f32 v59, v13;
	v13 =	vadd.f32 v8, v6;
	v8 =	vmul.f32 v11, v11  }
0x277: {  	v12, _, _ =	vpop (xrf2);
	(xrf2) =	vadd.scan.msk.f32 $0xffff, v3;
	v10 =	vsub.f32 v48, v10  }
0x278: {  	v5 =	vmul.f32 v5, v5;
	v3 =	vadd.f32 v7, v13;
	v6, _, _ =	vpop (xrf2);
	v4 =	vadd.f32 v4, v8  }
0x279: {  	v11 =	vbroadcast v12, $0xF;
	v6 =	vbroadcast v6, $0xF  }
0x27a: {  	v8 =	vbroadcast v16, $0xF;
	(xrf2) =	vadd.scan.msk.f32 $0xffff, v3;
	v4 =	vadd.f32 v5, v4;
	v5 =	vmul.f32 v10, v10  }
0x27b: {  	v7, _, _ =	vpop (xrf2);
	v3 =	vsel vm0, v6, v11;
	v6 =	vbroadcast v9, $0xF  }
0x27c: {  	v3 =	vsel vm1, v3, v8;
	v8 =	vbroadcast v7, $0xF;
	v4 =	vadd.f32 v5, v4  }
0x27d: {  	v3 =	vsel vm2, v3, v6;
	v5 =	vbroadcast v15, $0xF  }
0x27e: {  	v7, _, _ =	vpop (xrf2);
	v6 =	vbroadcast v20, $0xF;
	v3 =	vsel vm3, v3, v8;
	(xrf2) =	vadd.scan.msk.f32 $0xffff, v4  }
0x27f: {  	v7 =	vbroadcast v7, $0xF;
	v3 =	vsel vm4, v3, v5  }
0x280: {  	v5 =	vbroadcast v26, $0xF;
	v3 =	vsel vm5, v3, v6  }
0x281: {  	v1 =	vbroadcast v1, $0xF;
	v3 =	vsel vm6, v3, v7;
	v4, _, _ =	vpop (xrf2)  }
0x282: {  	v5 =	vsel vm7, v3, v5;
	v4 =	vbroadcast v4, $0xF  }
0x283: {  	v0 =	vbroadcast v0, $0xF;
	v1 =	vsel vm8, v5, v1  }
0x284: {  	v2 =	vbroadcast v2, $0xF;
	v1 =	vsel vm9, v1, v4;
	v3, _, _ =	vpop (xrf2)  }
0x285: {  	v0 =	vsel vm10, v1, v0;
	v3 =	vbroadcast v3, $0xF  }
0x286: {  	v0 =	vsel vm11, v0, v2;
	v2 =	vbroadcast v14, $0xF  }
0x287: {  	v0 =	vsel vm12, v0, v3  }
0x288: {  	v0 =	vsel vm13, v0, v2;
	v1, _, _ =	vpop (xrf2)  }
0x289: {  	v0 =	vsel vm14, v0, v1  }
0x28a: {  	v1 =	vshra.s32 v0, $0x1;
	v2 =	vmul.f32 $5.000000000e-01, v0  }
0x28b: {  	v1 =	vsub.s32 $0x5F3759DF, v1  }
0x28c: {  	v3 =	vmul.f32 v1, v2;
	_ =	sdelay $0x1  }
0x28d: {  	v3 =	vmul.f32 v1, v3;
	_ =	sdelay $0x1  }
0x28e: {  	v3 =	vsub.f32 $1.500000000e+00, v3;
	_ =	sdelay $0x1  }
0x28f: {  	v1 =	vmul.f32 v1, v3;
	_ =	sdelay $0x1  }
0x290: {  	v3 =	vmul.f32 v1, v2;
	_ =	sdelay $0x1  }
0x291: {  	v3 =	vmul.f32 v3, v1;
	_ =	sdelay $0x1  }
0x292: {  	v3 =	vsub.f32 $1.500000000e+00, v3;
	_ =	sdelay $0x1  }
0x293: {  	v1 =	vmul.f32 v3, v1;
	_ =	sdelay $0x1  }
0x294: {  	v2 =	vmul.f32 v1, v2;
	_ =	sdelay $0x1  }
0x295: {  	v2 =	vmul.f32 v2, v1;
	_ =	sdelay $0x1  }
0x296: {  	v2 =	vsub.f32 $1.500000000e+00, v2;
	_ =	sdelay $0x1  }
0x297: {  	v1 =	vmul.f32 v2, v1;
	_ =	sdelay $0x1  }
0x298: {  	v0 =	vmul.f32 v1, v0  }
0x299: {  	s19 =	sadd.s32 $0x10, s19  }
0x29a: {  	s18 =	sshra.s32 s20, $0x2;
	[tilespmem:s19+$0x0] =	vst v0  }
0x29b: {  	v0 =	vld [tilespmem:s18+$0x89E0];
	_ =	sdelay $0x4  }
0x29c: {  	[tilespmem:$0x1F770] =	vst v0;
	v0 =	vld [tilespmem:s18+$0x9E0];
	_ =	sdelay $0x4  }
0x29d: {  	[tilespmem:$0x1F780] =	vst v0;
	v0 =	vld [tilespmem:s18+$0x109D0];
	_ =	sdelay $0x4  }
0x29e: {  	[tilespmem:$0x1F790] =	vst v0;
	v0 =	vld [tilespmem:s18+$0x109B0];
	_ =	sdelay $0x4  }
0x29f: {  	[tilespmem:$0x1F760] =	vst v0;
	v0 =	vld [tilespmem:s18+$0x89D0];
	_ =	sdelay $0x4  }
0x2a0: {  	[tilespmem:$0x1F740] =	vst v0;
	v0 =	vld [tilespmem:s18+$0x9D0];
	_ =	sdelay $0x4  }
0x2a1: {  	[tilespmem:$0x1F750] =	vst v0;
	v0 =	vld [tilespmem:s18+$0x89C0];
	_ =	sdelay $0x4  }
0x2a2: {  	[tilespmem:$0x1F7C0] =	vst v0;
	v0 =	vld [tilespmem:s18+$0x9C0];
	_ =	sdelay $0x4  }
0x2a3: {  	[tilespmem:$0x1F7D0] =	vst v0;
	v0 =	vld [tilespmem:s18+$0x8970];
	_ =	sdelay $0x4  }
0x2a4: {  	[tilespmem:$0x1F7A0] =	vst v0;
	v0 =	vld [tilespmem:s18+$0x970];
	_ =	sdelay $0x4  }
0x2a5: {  	[tilespmem:$0x1F7B0] =	vst v0;
	v0 =	vld [tilespmem:s18+$0x10960];
	_ =	sdelay $0x4  }
0x2a6: {  	[tilespmem:$0x1F7E0] =	vst v0;
	v0 =	vld [tilespmem:s18+$0x10930];
	_ =	sdelay $0x4  }
0x2a7: {  	[tilespmem:$0x1F7F0] =	vst v0;
	v0 =	vld [tilespmem:s18+$0x108F0];
	_ =	sdelay $0x4  }
0x2a8: {  	[tilespmem:$0x1F850] =	vst v0;
	v0 =	vld [tilespmem:s18+$0x8950];
	_ =	sdelay $0x4  }
0x2a9: {  	[tilespmem:$0x1F830] =	vst v0;
	v0 =	vld [tilespmem:s18+$0x950];
	_ =	sdelay $0x4  }
0x2aa: {  	[tilespmem:$0x1F840] =	vst v0;
	v0 =	vld [tilespmem:s18+$0x8940];
	_ =	sdelay $0x4  }
0x2ab: {  	[tilespmem:$0x1F860] =	vst v0;
	v0 =	vld [tilespmem:s18+$0x940];
	_ =	sdelay $0x4  }
0x2ac: {  	[tilespmem:$0x1F870] =	vst v0;
	v0 =	vld [tilespmem:s18+$0x88F0];
	_ =	sdelay $0x4  }
0x2ad: {  	[tilespmem:$0x1F800] =	vst v0;
	v0 =	vld [tilespmem:s18+$0x8F0];
	_ =	sdelay $0x4  }
0x2ae: {  	[tilespmem:$0x1F810] =	vst v0;
	v0 =	vld [tilespmem:s18+$0x108E0];
	_ =	sdelay $0x4  }
0x2af: {  	[tilespmem:$0x1F820] =	vst v0;
	v0 =	vld [tilespmem:s18+$0x88B0];
	_ =	sdelay $0x4  }
0x2b0: {  	[tilespmem:$0x1F880] =	vst v0;
	v0 =	vld [tilespmem:s18+$0x8B0];
	_ =	sdelay $0x4  }
0x2b1: {  	[tilespmem:$0x1F890] =	vst v0;
	v0 =	vld [tilespmem:s18+$0x108A0];
	_ =	sdelay $0x4  }
0x2b2: {  	[tilespmem:$0x1F8A0] =	vst v0;
	v0 =	vld [tilespmem:s18+$0x10870];
	_ =	sdelay $0x4  }
0x2b3: {  	[tilespmem:$0x1F8C0] =	vst v0;
	v0 =	vld [tilespmem:s18+$0x10890];
	_ =	sdelay $0x4  }
0x2b4: {  	[tilespmem:$0x1F920] =	vst v0;
	v0 =	vld [tilespmem:s18+$0x10860];
	_ =	sdelay $0x4  }
0x2b5: {  	[tilespmem:$0x1F8B0] =	vst v0;
	v0 =	vld [tilespmem:s18+$0x10830];
	_ =	sdelay $0x4  }
0x2b6: {  	[tilespmem:$0x1F910] =	vst v0;
	v0 =	vld [tilespmem:s18+$0x8890];
	_ =	sdelay $0x4  }
0x2b7: {  	[tilespmem:$0x1F8F0] =	vst v0;
	v0 =	vld [tilespmem:s18+$0x890];
	_ =	sdelay $0x4  }
0x2b8: {  	[tilespmem:$0x1F900] =	vst v0;
	v0 =	vld [tilespmem:s18+$0x8880];
	_ =	sdelay $0x4  }
0x2b9: {  	[tilespmem:$0x1F930] =	vst v0;
	v0 =	vld [tilespmem:s18+$0x880];
	_ =	sdelay $0x4  }
0x2ba: {  	[tilespmem:$0x1F940] =	vst v0;
	v0 =	vld [tilespmem:s18+$0x8830];
	_ =	sdelay $0x4  }
0x2bb: {  	[tilespmem:$0x1F8D0] =	vst v0;
	v0 =	vld [tilespmem:s18+$0x10820];
	_ =	sdelay $0x4  }
0x2bc: {  	[tilespmem:$0x1F8E0] =	vst v0;
	v0 =	vld [tilespmem:s18+$0x87F0];
	_ =	sdelay $0x4  }
0x2bd: {  	[tilespmem:$0x1F950] =	vst v0;
	v0 =	vld [tilespmem:s18+$0x7F0]  }
0x2be: {  	v61 =	vld [tilespmem:s18+$0x89F0]  }
0x2bf: {  	v63 =	vld [tilespmem:s18+$0x9F0]  }
0x2c0: {  	v45 =	vld [tilespmem:s18+$0x89B0]  }
0x2c1: {  	v51 =	vld [tilespmem:s18+$0x9B0]  }
0x2c2: {  	[tilespmem:$0x1F960] =	vst v0;
	v0 =	vld [tilespmem:s18+$0x107E0]  }
0x2c3: {  	v44 =	vld [tilespmem:s18+$0x109A0]  }
0x2c4: {  	v31 =	vld [tilespmem:s18+$0x89A0]  }
0x2c5: {  	v28 =	vld [tilespmem:s18+$0x9A0]  }
0x2c6: {  	v59 =	vld [tilespmem:s18+$0x10990]  }
0x2c7: {  	[tilespmem:$0x1F980] =	vst v0;
	v0 =	vld [tilespmem:s18+$0x107B0]  }
0x2c8: {  	v26 =	vld [tilespmem:s18+$0x10980]  }
0x2c9: {  	v60 =	vld [tilespmem:s18+$0x8990]  }
0x2ca: {  	v8 =	vld [tilespmem:s18+$0x990]  }
0x2cb: {  	v5 =	vld [tilespmem:s18+$0x8980]  }
0x2cc: {  	[tilespmem:$0x1F9A0] =	vst v0;
	v0 =	vld [tilespmem:s18+$0x87E0]  }
0x2cd: {  	v37 =	vld [tilespmem:s18+$0x980]  }
0x2ce: {  	v1 =	vld [tilespmem:s18+$0x8960]  }
0x2cf: {  	v55 =	vld [tilespmem:s18+$0x960]  }
0x2d0: {  	v49 =	vld [tilespmem:s18+$0x10950]  }
0x2d1: {  	[tilespmem:$0x1F970] =	vst v0;
	v0 =	vld [tilespmem:s18+$0x107D0]  }
0x2d2: {  	v50 =	vld [tilespmem:s18+$0x8930]  }
0x2d3: {  	v58 =	vld [tilespmem:s18+$0x930]  }
0x2d4: {  	v43 =	vld [tilespmem:s18+$0x10920]  }
0x2d5: {  	v36 =	vld [tilespmem:s18+$0x8920]  }
0x2d6: {  	[tilespmem:$0x1FA00] =	vst v0;
	v0 =	vld [tilespmem:s18+$0x107A0]  }
0x2d7: {  	v29 =	vld [tilespmem:s18+$0x920]  }
0x2d8: {  	v40 =	vld [tilespmem:s18+$0x10910]  }
0x2d9: {  	v57 =	vld [tilespmem:s18+$0x10900]  }
0x2da: {  	v15 =	vld [tilespmem:s18+$0x8910]  }
0x2db: {  	[tilespmem:$0x1F990] =	vst v0;
	v0 =	vld [tilespmem:s18+$0x10770]  }
0x2dc: {  	v13 =	vld [tilespmem:s18+$0x910]  }
0x2dd: {  	v19 =	vld [tilespmem:s18+$0x8900]  }
0x2de: {  	v17 =	vld [tilespmem:s18+$0x900]  }
0x2df: {  	v33 =	vld [tilespmem:s18+$0x88E0]  }
0x2e0: {  	[tilespmem:$0x1F9F0] =	vst v0;
	v0 =	vld [tilespmem:s18+$0x87D0]  }
0x2e1: {  	v22 =	vld [tilespmem:s18+$0x8E0]  }
0x2e2: {  	v34 =	vld [tilespmem:s18+$0x108D0]  }
0x2e3: {  	v21 =	vld [tilespmem:s18+$0x108C0]  }
0x2e4: {  	v11 =	vld [tilespmem:s18+$0x88D0]  }
0x2e5: {  	[tilespmem:$0x1F9D0] =	vst v0;
	v0 =	vld [tilespmem:s18+$0x7D0]  }
0x2e6: {  	v10 =	vld [tilespmem:s18+$0x8D0]  }
0x2e7: {  	v6 =	vld [tilespmem:s18+$0x88C0]  }
0x2e8: {  	v4 =	vld [tilespmem:s18+$0x8C0]  }
0x2e9: {  	v54 =	vld [tilespmem:s18+$0x88A0]  }
0x2ea: {  	[tilespmem:$0x1F9E0] =	vst v0;
	v0 =	vld [tilespmem:s18+$0x87C0]  }
0x2eb: {  	v62 =	vld [tilespmem:s18+$0x8A0]  }
0x2ec: {  	v56 =	vld [tilespmem:s18+$0x8870]  }
0x2ed: {  	v46 =	vld [tilespmem:s18+$0x870]  }
0x2ee: {  	v32 =	vld [tilespmem:s18+$0x8860]  }
0x2ef: {  	[tilespmem:$0x1FA10] =	vst v0;
	v0 =	vld [tilespmem:s18+$0x7C0]  }
0x2f0: {  	v27 =	vld [tilespmem:s18+$0x860]  }
0x2f1: {  	v39 =	vld [tilespmem:s18+$0x10850]  }
0x2f2: {  	v48 =	vld [tilespmem:s18+$0x10840]  }
0x2f3: {  	v53 =	vld [tilespmem:s18+$0x830]  }
0x2f4: {  	[tilespmem:$0x1FA20] =	vst v0;
	v0 =	vld [tilespmem:s18+$0x8770]  }
0x2f5: {  	v14 =	vld [tilespmem:s18+$0x8850]  }
0x2f6: {  	v12 =	vld [tilespmem:s18+$0x850];
	v5 =	vadd.f32 v5, v37;
	v8 =	vadd.f32 v60, v8  }
0x2f7: {  	v18 =	vld [tilespmem:s18+$0x8840]  }
0x2f8: {  	v16 =	vld [tilespmem:s18+$0x840];
	v5 =	vsub.f32 v5, v26;
	v8 =	vsub.f32 v8, v59  }
0x2f9: {  	[tilespmem:$0x1F9B0] =	vst v0;
	v0 =	vld [tilespmem:s18+$0x10760]  }
0x2fa: {  	v30 =	vld [tilespmem:s18+$0x8820];
	v28 =	vadd.f32 v31, v28;
	v5 =	vmul.f32 v5, v5;
	v8 =	vmul.f32 v8, v8  }
0x2fb: {  	v24 =	vld [tilespmem:s18+$0x820]  }
0x2fc: {  	v59 =	vsub.f32 v28, v44;
	v5 =	vadd.f32 v8, v5;
	v8 =	vld [tilespmem:$0x1F770]  }
0x2fd: {  	v28 =	vld [tilespmem:$0x1F750]  }
0x2fe: {  	v31 =	vadd.f32 v45, v51;
	v45 =	vmul.f32 v59, v59;
	[tilespmem:$0x1F9C0] =	vst v0;
	v0 =	vld [tilespmem:$0x1F740]  }
0x2ff: {  	v60 =	vld [tilespmem:$0x1F780]  }
0x300: {  	v45 =	vadd.f32 v45, v5;
	v5 =	vld [tilespmem:$0x1F790]  }
0x301: {  	v35 =	vld [tilespmem:s18+$0x10810]  }
0x302: {  	v20 =	vld [tilespmem:s18+$0x10800]  }
0x303: {  	v9 =	vld [tilespmem:s18+$0x8810];
	v51 =	vadd.f32 v0, v28  }
0x304: {  	v59 =	vadd.f32 v8, v60;
	v8 =	vadd.f32 v61, v63;
	v61 =	vld [tilespmem:$0x1F7B0]  }
0x305: {  	v60 =	vsub.f32 v51, v5;
	v5 =	vld [tilespmem:$0x1F7A0]  }
0x306: {  	v7 =	vld [tilespmem:s18+$0x810]  }
0x307: {  	v0 =	vld [tilespmem:$0x1F760]  }
0x308: {  	v63 =	vld [tilespmem:$0x1F7D0]  }
0x309: {  	v13 =	vadd.f32 v15, v13;
	v15 =	vld [tilespmem:$0x1F7E0]  }
0x30a: {  	v61 =	vadd.f32 v5, v61;
	v5 =	vld [tilespmem:$0x1F7C0]  }
0x30b: {  	v3 =	vld [tilespmem:s18+$0x8800]  }
0x30c: {  	v2 =	vld [tilespmem:s18+$0x800];
	v0 =	vsub.f32 v31, v0  }
0x30d: {  	v47 =	vld [tilespmem:s18+$0x7E0];
	v1 =	vadd.f32 v1, v55  }
0x30e: {  	v52 =	vld [tilespmem:s18+$0x87B0];
	v0 =	vmul.f32 v0, v0  }
0x30f: {  	v5 =	vadd.f32 v5, v63;
	v63 =	vsub.f32 v1, v15;
	v1 =	vld [tilespmem:$0x1F7F0]  }
0x310: {  	v42 =	vld [tilespmem:s18+$0x7B0];
	v0 =	vadd.f32 v0, v45  }
0x311: {  	v25 =	vld [tilespmem:s18+$0x87A0];
	v4 =	vadd.f32 v6, v4  }
0x312: {  	v23 =	vld [tilespmem:s18+$0x7A0];
	[tilespmem:$0x1FA30] =	vst v0;
	v0 =	vadd.f32 v36, v29;
	v29 =	vadd.f32 v50, v58  }
0x313: {  	v4 =	vsub.f32 v4, v21;
	v21 =	vld [tilespmem:$0x1F810]  }
0x314: {  	v15 =	vsub.f32 v29, v1;
	v1 =	vadd.f32 v19, v17;
	v19 =	vld [tilespmem:$0x1F800]  }
0x315: {  	v38 =	vld [tilespmem:s18+$0x10790]  }
0x316: {  	v41 =	vld [tilespmem:s18+$0x10780]  }
0x317: {  	v37 =	vld [tilespmem:s18+$0x770];
	v1 =	vsub.f32 v1, v57  }
0x318: {  	v55 =	vld [tilespmem:s18+$0x10740]  }
0x319: {  	v21 =	vadd.f32 v19, v21;
	v19 =	vmul.f32 v1, v1;
	v1 =	vld [tilespmem:$0x1F820]  }
0x31a: {  	v10 =	vadd.f32 v11, v10;
	v6 =	vld [tilespmem:s18+$0x8750]  }
0x31b: {  	v11 =	vadd.f32 v33, v22;
	v22 =	vld [tilespmem:s18+$0x740]  }
0x31c: {  	v33 =	vld [tilespmem:s18+$0x106E0];
	v2 =	vadd.f32 v3, v2;
	v10 =	vsub.f32 v10, v34  }
0x31d: {  	v3 =	vadd.f32 v9, v7;
	v7 =	vadd.f32 v30, v24;
	v30 =	vld [tilespmem:s18+$0x6E0]  }
0x31e: {  	v26 =	vld [tilespmem:s18+$0x8790];
	v4 =	vmul.f32 v4, v4;
	v10 =	vmul.f32 v10, v10;
	v11 =	vsub.f32 v11, v1  }
0x31f: {  	v44 =	vld [tilespmem:s18+$0x790]  }
0x320: {  	v13 =	vsub.f32 v13, v40;
	v4 =	vadd.f32 v10, v4;
	v10 =	vmul.f32 v11, v11;
	v11 =	vld [tilespmem:$0x1F850]  }
0x321: {  	v40 =	vld [tilespmem:s18+$0x8740]  }
0x322: {  	v2 =	vsub.f32 v2, v20;
	v20 =	vld [tilespmem:s18+$0x106D0];
	v13 =	vmul.f32 v13, v13;
	v0 =	vsub.f32 v0, v43  }
0x323: {  	v3 =	vsub.f32 v3, v35;
	v35 =	vld [tilespmem:s18+$0x106C0]  }
0x324: {  	[tilespmem:$0x1FA40] =	vst v8;
	v8 =	vld [tilespmem:s18+$0x8760];
	v0 =	vmul.f32 v0, v0;
	v13 =	vadd.f32 v13, v19  }
0x325: {  	v51 =	vld [tilespmem:s18+$0x760];
	v11 =	vsub.f32 v21, v11  }
0x326: {  	v0 =	vadd.f32 v0, v13;
	v13 =	vmul.f32 v15, v15;
	v15 =	vld [tilespmem:$0x1F870]  }
0x327: {  	v4 =	vadd.f32 v10, v4;
	v10 =	vmul.f32 v11, v11;
	v11 =	vld [tilespmem:$0x1F860]  }
0x328: {  	v22 =	vadd.f32 v40, v22;
	v40 =	vld [tilespmem:s18+$0x10680]  }
0x329: {  	v28 =	vld [tilespmem:s18+$0x8780]  }
0x32a: {  	v31 =	vld [tilespmem:s18+$0x780]  }
0x32b: {  	v8 =	vadd.f32 v8, v51;
	v51 =	vld [tilespmem:s18+$0x690]  }
0x32c: {  	v45 =	vld [tilespmem:s18+$0x730];
	v11 =	vadd.f32 v11, v15  }
0x32d: {  	v15 =	vld [tilespmem:$0x1F890]  }
0x32e: {  	[tilespmem:$0x1FD90] =	vst v11;
	v11 =	vld [tilespmem:$0x1F880]  }
0x32f: {  	v50 =	vld [tilespmem:s18+$0x8730]  }
0x330: {  	v58 =	vld [tilespmem:s18+$0x10720]  }
0x331: {  	v36 =	vld [tilespmem:s18+$0x6F0]  }
0x332: {  	v17 =	vld [tilespmem:s18+$0x750]  }
0x333: {  	v29 =	vld [tilespmem:$0x1F840];
	v11 =	vadd.f32 v11, v15  }
0x334: {  	v19 =	vld [tilespmem:$0x1F830]  }
0x335: {  	[tilespmem:$0x1FDC0] =	vst v11;
	v11 =	vadd.f32 v14, v12;
	v12 =	vld [tilespmem:$0x1F8A0]  }
0x336: {  	v34 =	vadd.f32 v13, v0;
	v13 =	vadd.f32 v18, v16;
	v15 =	vld [tilespmem:$0x1F8E0]  }
0x337: {  	v43 =	vld [tilespmem:s18+$0x106F0];
	v0 =	vadd.f32 v54, v62  }
0x338: {  	[tilespmem:$0x1FD20] =	vst v5;
	v5 =	vld [tilespmem:s18+$0x10750];
	v9 =	vsub.f32 v13, v48;
	v11 =	vsub.f32 v11, v39  }
0x339: {  	v57 =	vld [tilespmem:s18+$0x86F0];
	v6 =	vadd.f32 v6, v17;
	v29 =	vadd.f32 v19, v29  }
0x33a: {  	v9 =	vmul.f32 v9, v9;
	v11 =	vmul.f32 v11, v11;
	v62 =	vsub.f32 v0, v12;
	v0 =	vld [tilespmem:$0x1F8B0]  }
0x33b: {  	v17 =	vsub.f32 v22, v55;
	v7 =	vsub.f32 v7, v15;
	v15 =	vld [tilespmem:$0x1F900]  }
0x33c: {  	v49 =	vsub.f32 v29, v49;
	v9 =	vadd.f32 v11, v9;
	v11 =	vld [tilespmem:$0x1F8F0]  }
0x33d: {  	v55 =	vld [tilespmem:s18+$0x680];
	v29 =	vadd.f32 v10, v4;
	v4 =	vadd.f32 v32, v27  }
0x33e: {  	v13 =	vld [tilespmem:$0x1F8D0]  }
0x33f: {  	v2 =	vmul.f32 v2, v2;
	v3 =	vmul.f32 v3, v3;
	v0 =	vsub.f32 v4, v0;
	v4 =	vld [tilespmem:$0x1F8C0]  }
0x340: {  	v5 =	vsub.f32 v6, v5;
	v6 =	vld [tilespmem:$0x1F9B0]  }
0x341: {  	v11 =	vadd.f32 v11, v15;
	v15 =	vadd.f32 v3, v2;
	v2 =	vld [tilespmem:$0x1F910]  }
0x342: {  	v10 =	vadd.f32 v56, v46;
	v3 =	vld [tilespmem:$0x1F920]  }
0x343: {  	v1 =	vld [tilespmem:s18+$0x8720]  }
0x344: {  	v54 =	vld [tilespmem:s18+$0x106B0];
	v13 =	vadd.f32 v13, v53;
	v0 =	vmul.f32 v0, v0;
	v4 =	vsub.f32 v10, v4  }
0x345: {  	v16 =	vld [tilespmem:s18+$0x10670];
	v7 =	vmul.f32 v7, v7  }
0x346: {  	v0 =	vadd.f32 v0, v9;
	v9 =	vld [tilespmem:$0x1F930];
	v13 =	vsub.f32 v13, v2;
	v4 =	vmul.f32 v4, v4  }
0x347: {  	v3 =	vsub.f32 v11, v3;
	v11 =	vld [tilespmem:$0x1F940]  }
0x348: {  	v7 =	vadd.f32 v7, v15;
	v13 =	vmul.f32 v13, v13;
	v56 =	vadd.f32 v4, v0;
	v0 =	vld [tilespmem:$0x1F970]  }
0x349: {  	v18 =	vadd.f32 v52, v42;
	v42 =	vld [tilespmem:s18+$0x86A0]  }
0x34a: {  	v24 =	vadd.f32 v13, v7;
	v13 =	vld [tilespmem:$0x1F980]  }
0x34b: {  	v52 =	vld [tilespmem:s18+$0x8680]  }
0x34c: {  	v15 =	vld [tilespmem:$0x1F960]  }
0x34d: {  	v9 =	vadd.f32 v9, v11;
	v11 =	vld [tilespmem:$0x1F950];
	v0 =	vadd.f32 v0, v47  }
0x34e: {  	v19 =	vld [tilespmem:s18+$0x720]  }
0x34f: {  	v13 =	vsub.f32 v0, v13;
	v0 =	vld [tilespmem:$0x1F990]  }
0x350: {  	v22 =	vadd.f32 v6, v37;
	v6 =	vld [tilespmem:$0x1F9C0]  }
0x351: {  	v37 =	vld [tilespmem:s18+$0x8690]  }
0x352: {  	v48 =	vld [tilespmem:s18+$0x6B0];
	v11 =	vadd.f32 v11, v15;
	v15 =	vadd.f32 v25, v23  }
0x353: {  	v21 =	vld [tilespmem:s18+$0x10710]  }
0x354: {  	v15 =	vsub.f32 v15, v0;
	v0 =	vld [tilespmem:$0x1F9A0]  }
0x355: {  	v17 =	vmul.f32 v17, v17;
	v5 =	vmul.f32 v5, v5;
	v53 =	vld [tilespmem:s18+$0x86D0];
	v27 =	vsub.f32 v8, v6  }
0x356: {  	v32 =	vld [tilespmem:s18+$0x8710]  }
0x357: {  	v5 =	vadd.f32 v5, v17;
	v17 =	vmul.f32 v27, v27;
	v27 =	vld [tilespmem:$0x1F9F0]  }
0x358: {  	v46 =	vld [tilespmem:s18+$0x710];
	v25 =	vadd.f32 v26, v44  }
0x359: {  	v6 =	vld [tilespmem:s18+$0x8630];
	v18 =	vsub.f32 v18, v0;
	v0 =	vadd.f32 v28, v31  }
0x35a: {  	v8 =	vld [tilespmem:$0x1F9D0]  }
0x35b: {  	v14 =	vld [tilespmem:s18+$0x86E0];
	v25 =	vsub.f32 v25, v38;
	v0 =	vsub.f32 v0, v41  }
0x35c: {  	v22 =	vsub.f32 v22, v27;
	v27 =	vld [tilespmem:s18+$0x8660]  }
0x35d: {  	v39 =	vld [tilespmem:s18+$0x86B0];
	v25 =	vmul.f32 v25, v25;
	v26 =	vmul.f32 v0, v0  }
0x35e: {  	v12 =	vld [tilespmem:s18+$0x700]  }
0x35f: {  	v15 =	vmul.f32 v15, v15;
	v25 =	vadd.f32 v25, v26;
	v26 =	vld [tilespmem:$0x1F9E0]  }
0x360: {  	v14 =	vadd.f32 v14, v30;
	v30 =	vadd.f32 v32, v46;
	v32 =	vld [tilespmem:s18+$0x8640]  }
0x361: {  	v25 =	vadd.f32 v15, v25;
	v15 =	vld [tilespmem:$0x1FA00]  }
0x362: {  	v46 =	vadd.f32 v39, v48;
	v48 =	vld [tilespmem:$0x1FA40]  }
0x363: {  	v14 =	vsub.f32 v14, v33;
	v33 =	vld [tilespmem:s18+$0x610]  }
0x364: {  	v10 =	vld [tilespmem:s18+$0x8700];
	v26 =	vadd.f32 v8, v26  }
0x365: {  	v4 =	vld [tilespmem:s18+$0x6D0]  }
0x366: {  	v15 =	vsub.f32 v26, v15;
	v26 =	vadd.f32 v17, v5;
	v5 =	vld [tilespmem:$0x1FA10]  }
0x367: {  	v17 =	vld [tilespmem:$0x1FA20]  }
0x368: {  	v2 =	vld [tilespmem:s18+$0x106A0]  }
0x369: {  	v7 =	vld [tilespmem:s18+$0x86C0]  }
0x36a: {  	v23 =	vld [tilespmem:s18+$0x6C0];
	v18 =	vmul.f32 v18, v18  }
0x36b: {  	v47 =	vld [tilespmem:s18+$0x670];
	v4 =	vadd.f32 v53, v4  }
0x36c: {  	v17 =	vadd.f32 v5, v17;
	v5 =	vadd.f32 v18, v25;
	v25 =	vld [tilespmem:$0x1FA30]  }
0x36d: {  	v44 =	vld [tilespmem:s18+$0x6A0]  }
0x36e: {  	v4 =	vsub.f32 v4, v20;
	v20 =	vld [tilespmem:s18+$0x8620]  }
0x36f: {  	v38 =	vld [tilespmem:s18+$0x10690];
	v23 =	vadd.f32 v7, v23  }
0x370: {  	v7 =	vld [tilespmem:s18+$0x10650]  }
0x371: {  	v23 =	vsub.f32 v23, v35;
	v35 =	vld [tilespmem:s18+$0x8600];
	(xrf2) =	vadd.scan.msk.f32 $0xffff, v25  }
0x372: {  	v19 =	vadd.f32 v1, v19;
	v22 =	vmul.f32 v22, v22;
	v28 =	vld [tilespmem:s18+$0x660]  }
0x373: {  	v53 =	vmul.f32 v4, v4;
	v4 =	vsub.f32 v30, v21;
	v30 =	vadd.f32 v37, v51;
	v31 =	vld [tilespmem:s18+$0x8650]  }
0x374: {  	v41 =	vld [tilespmem:s18+$0x8670];
	v1 =	vadd.f32 v22, v26;
	v22 =	vadd.f32 v57, v36  }
0x375: {  	v10 =	vadd.f32 v10, v12;
	v21 =	vsub.f32 v46, v54;
	v23 =	vmul.f32 v23, v23;
	v0 =	vld [tilespmem:s18+$0x10660]  }
0x376: {  	p0 =	sne.s32 s20, $0x1F000;
	v30 =	vsub.f32 v30, v38;
	v8 =	vld [tilespmem:s18+$0x630];
	v22 =	vsub.f32 v22, v43  }
.Ltmp0:
0x377: {  	v54 =	vmul.f32 v14, v14;
	v12 =	vadd.f32 v53, v23;
	v23 =	vadd.f32 v52, v55;
	v26 =	vld [tilespmem:s18+$0x10640];
	(pc) =	sbr.rel @p0 .LBB2_2-.Ltmp0, $4  }
0x378: {  	v19 =	vsub.f32 v19, v58;
	v57 =	vadd.f32 v42, v44;
	v58 =	vmul.f32 v22, v22;
	v22 =	vld [tilespmem:s18+$0x8610];
	(xrf2) =	vadd.scan.msk.f32 $0xffff, v34  }
0x379: {  	v39 =	vmul.f32 v30, v30;
	v12 =	vadd.f32 v54, v12;
	v23 =	vsub.f32 v23, v40;
	v25 =	vld [tilespmem:s18+$0x620];
	(xrf2) =	vadd.scan.msk.f32 $0xffff, v29  }
0x37a: {  	v40 =	vmovc v49;
	v37 =	vadd.f32 v41, v47;
	v36 =	vsub.f32 v57, v2;
	v34 =	vld [tilespmem:s18+$0x640];
	(xrf2) =	vadd.scan.msk.f32 $0xffff, v56  }
0x37b: {  	s20 =	sadd.s32 $0x1000, s20;
	v38 =	vmul.f32 v23, v23;
	v18 =	vadd.f32 v50, v45;
	v12 =	vadd.f32 v58, v12;
	v29 =	vld [tilespmem:s18+$0x650];
	v14, _, _ =	vpop (xrf2);
	(xrf2) =	vadd.scan.msk.f32 $0xffff, v24  }
0x37c: {  	v2 =	vld [tilespmem:s18+$0x600]  }
0x37d: {  	v6 =	vadd.f32 v6, v8;
	v56 =	vld [tilespmem:s18+$0x10610];
	v23 =	vadd.f32 v27, v28  }
0x37e: {  	v55 =	vsub.f32 v37, v16;
	v58 =	vld [tilespmem:s18+$0x10600];
	v24 =	vadd.f32 v39, v38  }
0x37f: {  	v57 =	vmul.f32 v36, v36;
	v36 =	vld [tilespmem:s18+$0x10620];
	v22 =	vadd.f32 v22, v33;
	v0 =	vsub.f32 v23, v0  }
0x380: {  	v37 =	vld [tilespmem:s18+$0x10700];
	v20 =	vadd.f32 v20, v25;
	v30 =	vadd.f32 v32, v34  }
0x381: {  	v21 =	vmul.f32 v21, v21;
	v38 =	vld [tilespmem:s18+$0x10630];
	v29 =	vadd.f32 v31, v29;
	v2 =	vadd.f32 v35, v2  }
0x382: {  	v4 =	vmul.f32 v4, v4;
	v26 =	vsub.f32 v30, v26;
	v16 =	vsub.f32 v22, v56  }
0x383: {  	v41 =	vld [tilespmem:s18+$0x10730];
	v42 =	vmul.f32 v55, v55;
	v7 =	vsub.f32 v29, v7;
	v2 =	vsub.f32 v2, v58  }
0x384: {  	v34 =	vadd.f32 v57, v24;
	v26 =	vmul.f32 v26, v26;
	v16 =	vmul.f32 v16, v16  }
0x385: {  	v39 =	vld [tilespmem:s18+$0x107C0];
	v20 =	vsub.f32 v20, v36;
	v7 =	vmul.f32 v7, v7;
	v2 =	vmul.f32 v2, v2  }
0x386: {  	v0 =	vmul.f32 v0, v0;
	v43 =	vsub.f32 v10, v37;
	v6 =	vsub.f32 v6, v38  }
0x387: {  	v45 =	vld [tilespmem:s18+$0x10880];
	v44 =	vmul.f32 v20, v20;
	v7 =	vadd.f32 v7, v26;
	v2 =	vadd.f32 v16, v2  }
0x388: {  	v47 =	vld [tilespmem:s18+$0x107F0];
	v21 =	vadd.f32 v21, v34;
	v53 =	vsub.f32 v18, v41;
	v46 =	vmul.f32 v43, v43  }
0x389: {  	(xrf2) =	vadd.scan.msk.f32 $0xffff, v5;
	v54 =	vld [tilespmem:s18+$0x10940];
	v50 =	vmul.f32 v6, v6;
	v0 =	vadd.f32 v0, v7;
	v49 =	vadd.f32 v44, v2  }
0x38a: {  	v28 =	vld [tilespmem:$0x1FDC0];
	(xrf2) =	vadd.scan.msk.f32 $0xffff, v1;
	v51 =	vsub.f32 v17, v39;
	v4 =	vadd.f32 v4, v46  }
0x38b: {  	v52 =	vmul.f32 v19, v19;
	(xrf2) =	vadd.scan.msk.f32 $0xffff, v12;
	v24 =	vld [tilespmem:$0x1FD90];
	v0 =	vadd.f32 v42, v0;
	v1 =	vadd.f32 v50, v49  }
0x38c: {  	v57 =	vld [tilespmem:s18+$0x108B0];
	v56 =	vmul.f32 v15, v15;
	(xrf2) =	vadd.scan.msk.f32 $0xffff, v21;
	v55 =	vmul.f32 v51, v51  }
0x38d: {  	v19 =	vld [tilespmem:s18+$0x109C0];
	v17 =	vsub.f32 v9, v45;
	v15 =	vmul.f32 v53, v53;
	v58 =	vadd.f32 v52, v4;
	(xrf2) =	vadd.scan.msk.f32 $0xffff, v0  }
0x38e: {  	v18 =	vmul.f32 v13, v13;
	v35 =	vld [tilespmem:$0x1FD20];
	v7 =	vsub.f32 v11, v47;
	v2 =	vadd.f32 v56, v55;
	(xrf2) =	vadd.scan.msk.f32 $0xffff, v1  }
0x38f: {  	v3 =	vmul.f32 v3, v3;
	v21 =	vld [tilespmem:s18+$0x10970];
	v20 =	vmul.f32 v17, v17;
	v0 =	vadd.f32 v15, v58;
	v1, _, _ =	vpop (xrf2)  }
0x390: {  	v25 =	vld [tilespmem:s18+$0x109E0];
	v23 =	vmul.f32 v7, v7;
	v7 =	vsub.f32 v24, v54;
	v2 =	vadd.f32 v18, v2;
	v22, _, _ =	vpop (xrf2)  }
0x391: {  	v27 =	vmul.f32 v62, v62;
	v12 =	vsub.f32 v28, v57;
	v3 =	vadd.f32 v3, v20;
	v26, _, _ =	vpop (xrf2);
	(xrf2) =	vadd.scan.msk.f32 $0xffff, v0  }
0x392: {  	v32 =	vld [tilespmem:s18+$0x109F0];
	v31 =	vmul.f32 v40, v40;
	v30 =	vmul.f32 v7, v7;
	v2 =	vadd.f32 v23, v2;
	v29, _, _ =	vpop (xrf2)  }
0x393: {  	v34 =	vmul.f32 v12, v12;
	v8 =	vsub.f32 v35, v19;
	v3 =	vadd.f32 v27, v3;
	v33, _, _ =	vpop (xrf2)  }
0x394: {  	v37 =	vmul.f32 v63, v63;
	v5 =	vsub.f32 v61, v21;
	v6 =	vadd.f32 v31, v30;
	(xrf2) =	vadd.scan.msk.f32 $0xffff, v2;
	v36, _, _ =	vpop (xrf2)  }
0x395: {  	v39 =	vmul.f32 v60, v60;
	v10 =	vsub.f32 v59, v25;
	v3 =	vadd.f32 v34, v3;
	v38, _, _ =	vpop (xrf2)  }
0x396: {  	v41 =	vmul.f32 v8, v8;
	v5 =	vmul.f32 v5, v5;
	v6 =	vadd.f32 v37, v6;
	v40, _, _ =	vpop (xrf2)  }
0x397: {  	v13 =	vsub.f32 v48, v32;
	(xrf2) =	vadd.scan.msk.f32 $0xffff, v3;
	v42, _, _ =	vpop (xrf2)  }
0x398: {  	v44 =	vmul.f32 v10, v10;
	v4 =	vadd.f32 v39, v41;
	v43 =	vadd.f32 v5, v6;
	v45, _, _ =	vpop (xrf2)  }
0x399: {  	v46 =	vbroadcast v42, $0xF;
	v6 =	vbroadcast v45, $0xF  }
0x39a: {  	v48 =	vmul.f32 v13, v13;
	v4 =	vadd.f32 v44, v4;
	(xrf2) =	vadd.scan.msk.f32 $0xffff, v43;
	v47 =	vbroadcast v40, $0xF  }
0x39b: {  	v2 =	vbroadcast v38, $0xF;
	v49 =	vsel vm0, v6, v46;
	v50, _, _ =	vpop (xrf2)  }
0x39c: {  	v4 =	vadd.f32 v48, v4;
	v3 =	vsel vm1, v49, v47;
	v6 =	vbroadcast v50, $0xF  }
0x39d: {  	v51 =	vbroadcast v36, $0xF;
	v2 =	vsel vm2, v3, v2  }
0x39e: {  	v52 =	vbroadcast v33, $0xF;
	(xrf2) =	vadd.scan.msk.f32 $0xffff, v4;
	v53, _, _ =	vpop (xrf2);
	v2 =	vsel vm3, v2, v6  }
0x39f: {  	v54 =	vbroadcast v53, $0xF;
	v2 =	vsel vm4, v2, v51  }
0x3a0: {  	v0 =	vbroadcast v29, $0xF;
	v2 =	vsel vm5, v2, v52  }
0x3a1: {  	v55 =	vbroadcast v26, $0xF;
	v56, _, _ =	vpop (xrf2);
	v2 =	vsel vm6, v2, v54  }
0x3a2: {  	v57 =	vbroadcast v56, $0xF;
	v0 =	vsel vm7, v2, v0  }
0x3a3: {  	v58 =	vbroadcast v22, $0xF;
	v0 =	vsel vm8, v0, v55  }
0x3a4: {  	v1 =	vbroadcast v1, $0xF;
	v59, _, _ =	vpop (xrf2);
	v0 =	vsel vm9, v0, v57  }
0x3a5: {  	v2 =	vbroadcast v59, $0xF;
	v0 =	vsel vm10, v0, v58  }
0x3a6: {  	v60 =	vbroadcast v14, $0xF;
	v0 =	vsel vm11, v0, v1  }
0x3a7: {  	v0 =	vsel vm12, v0, v2  }
0x3a8: {  	v61, _, _ =	vpop (xrf2);
	v0 =	vsel vm13, v0, v60  }
0x3a9: {  	v0 =	vsel vm14, v0, v61  }
0x3aa: {  	v1 =	vshra.s32 v0, $0x1;
	v62 =	vmul.f32 $5.000000000e-01, v0  }
0x3ab: {  	v1 =	vsub.s32 $0x5F3759DF, v1  }
0x3ac: {  	v63 =	vmul.f32 v1, v62;
	_ =	sdelay $0x1  }
0x3ad: {  	v3 =	vmul.f32 v1, v63;
	_ =	sdelay $0x1  }
0x3ae: {  	v3 =	vsub.f32 $1.500000000e+00, v3;
	_ =	sdelay $0x1  }
0x3af: {  	v1 =	vmul.f32 v1, v3;
	_ =	sdelay $0x1  }
0x3b0: {  	v3 =	vmul.f32 v1, v62;
	_ =	sdelay $0x1  }
0x3b1: {  	v3 =	vmul.f32 v3, v1;
	_ =	sdelay $0x1  }
0x3b2: {  	v3 =	vsub.f32 $1.500000000e+00, v3;
	_ =	sdelay $0x1  }
0x3b3: {  	v1 =	vmul.f32 v3, v1;
	_ =	sdelay $0x1  }
0x3b4: {  	v2 =	vmul.f32 v1, v62;
	_ =	sdelay $0x1  }
0x3b5: {  	v2 =	vmul.f32 v2, v1;
	_ =	sdelay $0x1  }
0x3b6: {  	v2 =	vsub.f32 $1.500000000e+00, v2;
	_ =	sdelay $0x1  }
0x3b7: {  	v1 =	vmul.f32 v2, v1;
	_ =	sdelay $0x1  }
0x3b8: {  	s17 =	sadd.s32 $0x1, s17;
	v0 =	vmul.f32 v1, v0  }
0x3b9: {  	s20 =	sadd.s32 $0x10, s19;
	p0 =	sne.s32 s17, s9  }
.Ltmp1:
0x3ba: {  	[tilespmem:s20+$0x0] =	vst v0;
	(pc) =	sbr.rel @p0 .LBB2_1-.Ltmp1, $4  }
0x3bb: {  	[hbm4b:s8+s1] =	stream.linear.scatter [tilespmem:s16], [sflag:$0x2], $0x200, $0x38;
	[tilespmem:$0x18800] =	vst v63  }
0x3bc: {  	_ =	swait.ge [sflag:s10], $0x200  }
0x3bd: {  	[sflag:s10] =	ssyncset.done $0x0  }
0x3be: {  	[sflag:s10] =	ssyncadd.s32 $0xFFFFFE00  }
0x3bf: {  	_ =	sfence.sel $0x180000  }
0x3c0: {  	[bflag:$0x0] =	sbarrier.arrive $0xFFFF  }
0x3c1: {  	_ =	strace $0x90000047  }
0x3c2: {  	s0 =	stileid.u32;
	[bflag:$0x2] =	sbarrier.arrive $0xFFFF  }
0x3c3: {  	p0 =	sne.s32 s0, $0x0;
	s0 =	rddreg [dreg:$0x5]  }
0x3c4: {  	s0 =	sadd.s32 @!p0 $0x100000, s0  }
0x3c5: {  	[sflag:s0] =	ssyncadd.tile.s32 @!p0 $0x1;
	_ =	shalt  }
.Lfunc_end2:
_tile_overlayer_lowered:
.L_overlay_start_2:
0x3c6: {  	(tag) =	ssettag $0x2  }
0x3c7: {  	s0 =	rddreg [dreg:$0x0];
	s2 =	stileid.u32  }
0x3c8: {  	s1 =	rddreg [dreg:$0x1];
	p0 =	sne.s32 s2, $0x0  }
0x3c9: {  	s3 =	rddreg [dreg:$0x2];
	[bflag:$0x3] =	sbarrier.arrive $0xFFFF;
	s2 =	simm.s32 @!p0 $0x1C02  }
0x3ca: {  	[timem:s3], [sflag:s2] =	dma.local @!p0 [hbm:s0], s1  }
0x3cb: {  	s0 =	simm.s32 @!p0 $0x2  }
0x3cc: {  	_ =	swait.ge @!p0 [sflag:s0], s1  }
0x3cd: {  	s1 =	ssub.s32 @!p0 $0x0, s1;
	[sflag:s0] =	ssyncset.done @!p0 $0x0  }
0x3ce: {  	[sflag:s0] =	ssyncadd.s32 @!p0 s1  }
0x3cf: {  	[bflag:$0x3] =	sbarrier.arrive $0xFFFF  }
0x3d0: {  	_ =	shalt  }

</sc_bundles>
